<compile_context>
chip_gen: v7x
topology: tpu7x:2x2x1
jax: 0.10.2.dev20260603
libtpu: 0.0.44.dev20260713+nightly
codegen_flags: <defaults>
</compile_context>

<pallas_src>
import functools

import jax
import jax.numpy as jnp
from jax import lax
from jax.experimental import pallas as pl
from jax.experimental.pallas import tpu as pltpu
from jax.experimental.pallas import tpu_sc as plsc

D = 256
K = 8192
N = 65536
BM = 256
NJ = 2048
NCHUNK = K // NJ
GRID = N // BM
NTOT = float(N * D)


def _argmin_body(x_ref, xn_ref, en_ref, etb_ref, enc_ref, idx_ref, hist_ref):
    i = pl.program_id(0)
    xb = (x_ref[...] * 2.0).astype(jnp.bfloat16)
    big = jnp.int32(1 << 30)
    ms, js = [], []
    for half in range(2):
        macc = None
        jacc = None
        for c in (2 * half, 2 * half + 1):
            sl = pl.ds(c * NJ, NJ)
            mm = jnp.dot(xb, etb_ref[:, sl], preferred_element_type=jnp.float32)
            d = (xn_ref[...] + en_ref[:, sl]) - mm
            jj = lax.broadcasted_iota(jnp.int32, (BM, NJ), 1) + c * NJ
            if macc is None:
                macc, jacc = d, jj
            else:
                lt = d < macc
                macc = jnp.where(lt, d, macc)
                jacc = jnp.where(lt, jj, jacc)
        m = jnp.min(macc, axis=1, keepdims=True)
        ms.append(m)
        js.append(jnp.min(jnp.where(macc == m, jacc, big), axis=1, keepdims=True))
    a1 = ms[0].astype(jnp.bfloat16).astype(jnp.float32)
    win2 = ms[1] < a1
    jsel = jnp.where(win2, js[1], js[0])
    idx_ref[...] = jsel

    @pl.when(i == 0)
    def _():
        hist_ref[...] = jnp.zeros_like(hist_ref)

    ones8 = jnp.ones((8, BM), jnp.float32)
    for c in range(NCHUNK):
        sl = pl.ds(c * NJ, NJ)
        jj = lax.broadcasted_iota(jnp.int32, (BM, NJ), 1) + c * NJ
        oh = (jj == jsel).astype(jnp.float32)
        enc_ref[:, sl] = oh
        hist_ref[:, sl] += jnp.dot(ones8, oh, preferred_element_type=jnp.float32)


def _argmin_call(flat, xn, en2, etb):
    return pl.pallas_call(
        _argmin_body,
        grid=(GRID,),
        in_specs=[
            pl.BlockSpec((BM, D), lambda i: (i, 0)),
            pl.BlockSpec((BM, 1), lambda i: (i, 0)),
            pl.BlockSpec((1, K), lambda i: (0, 0)),
            pl.BlockSpec((D, K), lambda i: (0, 0)),
        ],
        out_specs=[
            pl.BlockSpec((BM, K), lambda i: (i, 0)),
            pl.BlockSpec((BM, 1), lambda i: (i, 0)),
            pl.BlockSpec((8, K), lambda i: (0, 0)),
        ],
        out_shape=[
            jax.ShapeDtypeStruct((N, K), jnp.float32),
            jax.ShapeDtypeStruct((N, 1), jnp.int32),
            jax.ShapeDtypeStruct((8, K), jnp.float32),
        ],
        compiler_params=pltpu.CompilerParams(
            dimension_semantics=("arbitrary",),
        ),
    )(flat, xn, en2, etb)


_NW = 32
_BPW = N // _NW
_CH = 128
_NCH = _BPW // _CH


def _gather_body(table_hbm, idx_hbm, out_hbm, idx_v, buf0, buf1, semg, semw):
    wid = lax.axis_index("s") * 2 + lax.axis_index("c")
    base = wid * _BPW
    pltpu.sync_copy(idx_hbm.at[pl.ds(base, _BPW)], idx_v)
    bufs = (buf0, buf1)
    wh = [None, None]
    g = pltpu.async_copy(table_hbm.at[idx_v.at[pl.ds(0, _CH)]], buf0, semg)
    for ch in range(_NCH):
        b = ch % 2
        g.wait()
        if ch + 1 < _NCH:
            nb = (ch + 1) % 2
            if wh[nb] is not None:
                wh[nb].wait()
            g = pltpu.async_copy(
                table_hbm.at[idx_v.at[pl.ds((ch + 1) * _CH, _CH)]],
                bufs[nb], semg)
        wh[b] = pltpu.async_copy(
            bufs[b], out_hbm.at[pl.ds(base + ch * _CH, _CH)], semw)
    for h in wh:
        if h is not None:
            h.wait()


def _gather_q(emb, idx):
    mesh = plsc.VectorSubcoreMesh(core_axis_name="c", subcore_axis_name="s")
    fn = functools.partial(
        pl.kernel,
        mesh=mesh,
        out_type=jax.ShapeDtypeStruct((N, D), jnp.float32),
        scratch_types=[
            pltpu.VMEM((_BPW,), jnp.int32),
            pltpu.VMEM((_CH, D), jnp.float32),
            pltpu.VMEM((_CH, D), jnp.float32),
            pltpu.SemaphoreType.DMA,
            pltpu.SemaphoreType.DMA,
        ],
    )(_gather_body)
    return fn(emb, idx)


def _final_body(q_ref, x_ref, hist_ref, loss_ref, perp_ref, sacc_ref):
    i = pl.program_id(0)
    d2 = (q_ref[...] - x_ref[...]) ** 2

    @pl.when(i == 0)
    def _():
        sacc_ref[...] = jnp.zeros_like(sacc_ref)

    sacc_ref[...] += d2

    @pl.when(i == GRID - 1)
    def _():
        m = jnp.sum(sacc_ref[...]) * (1.0 / NTOT)
        loss_ref[...] = jnp.reshape(m + 0.25 * m, (1, 1))
        p = hist_ref[0:1, :] * (1.0 / N)
        ent = -jnp.sum(p * jnp.log(p + 1e-10))
        perp_ref[...] = jnp.reshape(jnp.exp(ent), (1, 1))


def _final_call(q, flat, hist8):
    return pl.pallas_call(
        _final_body,
        grid=(GRID,),
        in_specs=[
            pl.BlockSpec((BM, D), lambda i: (i, 0)),
            pl.BlockSpec((BM, D), lambda i: (i, 0)),
            pl.BlockSpec((8, K), lambda i: (0, 0)),
        ],
        out_specs=[
            pl.BlockSpec((1, 1), lambda i: (0, 0)),
            pl.BlockSpec((1, 1), lambda i: (0, 0)),
        ],
        out_shape=[
            jax.ShapeDtypeStruct((1, 1), jnp.float32),
            jax.ShapeDtypeStruct((1, 1), jnp.float32),
        ],
        scratch_shapes=[pltpu.VMEM((BM, D), jnp.float32)],
        compiler_params=pltpu.CompilerParams(
            dimension_semantics=("arbitrary",),
        ),
    )(q, flat, hist8)


def kernel(inputs, embedding_weight):
    input_shape = inputs.shape
    flat = inputs.reshape(-1, D)
    xn = jnp.sum(flat ** 2, axis=1, keepdims=True)
    en2 = jnp.sum(embedding_weight ** 2, axis=1).reshape(1, K)
    etb = embedding_weight.T

    encodings, idx, hist8 = _argmin_call(flat, xn, en2, etb)
    q = _gather_q(embedding_weight, idx.reshape(N))
    loss, perp = _final_call(q, flat, hist8)

    quantized_st = q.reshape(input_shape)
    return (loss.reshape(()), quantized_st, perp.reshape(()), encodings)

# --- scband reference (transcript-rebuilt; emitter-appended) ---
"""Pipeline reference for scband-vqvae-34608846471822 (READ-ONLY COPY).

The authoritative reference and input builder live on the scoring server;
editing this copy changes nothing except your own understanding.
"""

import jax, jax.numpy as jnp
import numpy as np

EMBED_DIM = 256
NUM_EMB = 8192
COMMIT = 0.25

def setup_inputs(seed: int = 0) -> dict:
    key = jax.random.key(seed)
    k1, k2 = jax.random.split(key)
    inputs = jax.random.normal(k1, (64, 1024, EMBED_DIM), dtype=jnp.float32)
    embedding_weight = jax.random.uniform(k2, (NUM_EMB, EMBED_DIM), minval=-1.0 / NUM_EMB, maxval=1.0 / NUM_EMB, dtype=jnp.float32)
    return {"inputs": inputs, "embedding_weight": embedding_weight}

def reference(inputs, embedding_weight):
    input_shape = inputs.shape
    flat_input = inputs.reshape(-1, EMBED_DIM)
    distances = (jnp.sum(flat_input ** 2, axis=1, keepdims=True)
                 + jnp.sum(embedding_weight ** 2, axis=1)
                 - 2.0 * flat_input @ embedding_weight.T)
    encoding_indices = jnp.argmin(distances, axis=1)
    encodings = jax.nn.one_hot(encoding_indices, NUM_EMB, dtype=jnp.float32)
    quantized = (encodings @ embedding_weight).reshape(input_shape)
    e_latent_loss = jnp.mean((jax.lax.stop_gradient(quantized) - inputs) ** 2)
    q_latent_loss = jnp.mean((quantized - jax.lax.stop_gradient(inputs)) ** 2)
    loss = q_latent_loss + COMMIT * e_latent_loss
    quantized_st = inputs + jax.lax.stop_gradient(quantized - inputs)
    avg_probs = jnp.mean(encodings, axis=0)
    perplexity = jnp.exp(-jnp.sum(avg_probs * jnp.log(avg_probs + 1e-10)))
    return (loss, quantized_st, perplexity, encodings)

if __name__ == "__main__":
    import jax
    _d = setup_inputs()
    print(jax.jit(kernel)(*tuple(_d.values())))

</pallas_src>

<mosaic_0001>
#map = affine_map<(d0, d1) -> (0, 0)>
#map1 = affine_map<(d0, d1) -> (0)>
module attributes {stable_mosaic.version = 14 : i64} {
  func.func @_gather_body(%arg0: i32, %arg1: i32, %arg2: memref<8192x256xf32, #tpu.memory_space<hbm>>, %arg3: memref<65536xi32, #tpu.memory_space<hbm>>, %arg4: memref<65536x256xf32, #tpu.memory_space<hbm>>, %arg5: memref<2048xi32, #tpu.memory_space<vmem>>, %arg6: memref<128x256xf32, #tpu.memory_space<vmem>>, %arg7: memref<128x256xf32, #tpu.memory_space<vmem>>, %arg8: memref<!tpu.dma_semaphore, #tpu.memory_space<semaphore_mem>>, %arg9: memref<!tpu.dma_semaphore, #tpu.memory_space<semaphore_mem>>) attributes {dimension_semantics = [#tpu.dimension_semantics<core_parallel>, #tpu.dimension_semantics<subcore_parallel>], iteration_bounds = array<i64: 2, 16>, scalar_prefetch = 0 : i64, scratch_operands = 5 : i64, tpu.core_type = #tpu.core_type<sc_vector_subcore>, window_params = [{transform_indices = #map}, {transform_indices = #map1}, {transform_indices = #map}]} {
    %mul3A = arith.constant 2 : i32
    %mul3A_0 = arith.muli %arg1, %mul3A : i32
    %add3A = arith.addi %mul3A_0, %arg0 : i32
    %mul3A_1 = arith.constant 2048 : i32
    %mul3A_2 = arith.muli %add3A, %mul3A_1 : i32
    "tpu.region"() ({
      %run_scoped3A = tpu.sem_alloc : memref<!tpu.dma_semaphore, #tpu.memory_space<semaphore_mem>>
      %dma_start3A_321 = tpu.memref_slice %arg3[%mul3A_2] : memref<65536xi32, #tpu.memory_space<hbm>> -> memref<2048xi32, #tpu.memory_space<hbm>>
      %dma_start3A_322 = tpu.memref_slice %arg3[%mul3A_2] : memref<65536xi32, #tpu.memory_space<hbm>> -> memref<2048xi32, #tpu.memory_space<hbm>>
      tpu.enqueue_dma source(%dma_start3A_322 : memref<2048xi32, #tpu.memory_space<hbm>>) target(%arg5 : memref<2048xi32, #tpu.memory_space<vmem>>) target_semaphore(%run_scoped3A : memref<!tpu.dma_semaphore, #tpu.memory_space<semaphore_mem>>)
      %dma_wait3A_323 = tpu.memref_slice %arg3[%mul3A_2] : memref<65536xi32, #tpu.memory_space<hbm>> -> memref<2048xi32, #tpu.memory_space<hbm>>
      %dma_wait3A_324 = tpu.memref_slice %arg3[%mul3A_2] : memref<65536xi32, #tpu.memory_space<hbm>> -> memref<2048xi32, #tpu.memory_space<hbm>>
      tpu.wait_dma2 semaphore(%run_scoped3A : memref<!tpu.dma_semaphore, #tpu.memory_space<semaphore_mem>>) src(%dma_wait3A_324 : memref<2048xi32, #tpu.memory_space<hbm>>) dst(%arg5 : memref<2048xi32, #tpu.memory_space<vmem>>)
      tpu.yield
    }) : () -> ()
    %dma_start3A = arith.constant 0 : i32
    %dma_start3A_3 = tpu.memref_slice %arg5[%dma_start3A] : memref<2048xi32, #tpu.memory_space<vmem>> -> memref<128xi32, #tpu.memory_space<vmem>>
    %dma_start3A_4 = arith.constant 0 : i32
    %dma_start3A_5 = arith.constant 0 : i32
    %dma_start3A_6 = tpu.memref_slice %arg2[%dma_start3A_4, %dma_start3A_5] : memref<8192x256xf32, #tpu.memory_space<hbm>> -> memref<8192x256xf32, #tpu.memory_space<hbm>>
    tpu.enqueue_indirect_dma source(%dma_start3A_6 : memref<8192x256xf32, #tpu.memory_space<hbm>>) target(%arg6 : memref<128x256xf32, #tpu.memory_space<vmem>>) offsets(%dma_start3A_3 : memref<128xi32, #tpu.memory_space<vmem>>) semaphore(%arg8 : memref<!tpu.dma_semaphore, #tpu.memory_space<semaphore_mem>>)
    %dma_wait3A = arith.constant 0 : i32
    %dma_wait3A_7 = tpu.memref_slice %arg5[%dma_wait3A] : memref<2048xi32, #tpu.memory_space<vmem>> -> memref<128xi32, #tpu.memory_space<vmem>>
    %dma_wait3A_8 = arith.constant 0 : i32
    %dma_wait3A_9 = arith.constant 0 : i32
    %dma_wait3A_10 = tpu.memref_slice %arg2[%dma_wait3A_8, %dma_wait3A_9] : memref<8192x256xf32, #tpu.memory_space<hbm>> -> memref<8192x256xf32, #tpu.memory_space<hbm>>
    tpu.wait_indirect_dma semaphore(%arg8 : memref<!tpu.dma_semaphore, #tpu.memory_space<semaphore_mem>>) src(%dma_wait3A_10 : memref<8192x256xf32, #tpu.memory_space<hbm>>) dst(%arg6 : memref<128x256xf32, #tpu.memory_space<vmem>>)
    %dma_start3A_11 = arith.constant 128 : i32
    %dma_start3A_12 = tpu.memref_slice %arg5[%dma_start3A_11] : memref<2048xi32, #tpu.memory_space<vmem>> -> memref<128xi32, #tpu.memory_space<vmem>>
    %dma_start3A_13 = arith.constant 0 : i32
    %dma_start3A_14 = arith.constant 0 : i32
    %dma_start3A_15 = tpu.memref_slice %arg2[%dma_start3A_13, %dma_start3A_14] : memref<8192x256xf32, #tpu.memory_space<hbm>> -> memref<8192x256xf32, #tpu.memory_space<hbm>>
    tpu.enqueue_indirect_dma source(%dma_start3A_15 : memref<8192x256xf32, #tpu.memory_space<hbm>>) target(%arg7 : memref<128x256xf32, #tpu.memory_space<vmem>>) offsets(%dma_start3A_12 : memref<128xi32, #tpu.memory_space<vmem>>) semaphore(%arg8 : memref<!tpu.dma_semaphore, #tpu.memory_space<semaphore_mem>>)
    %add3A_16 = arith.constant 0 : i32
    %add3A_17 = arith.addi %mul3A_2, %add3A_16 : i32
    %dma_start3A_18 = arith.constant 0 : i32
    %dma_start3A_19 = tpu.memref_slice %arg4[%add3A_17, %dma_start3A_18] : memref<65536x256xf32, #tpu.memory_space<hbm>> -> memref<128x256xf32, #tpu.memory_space<hbm>>
    %dma_start3A_20 = arith.constant 0 : i32
    %dma_start3A_21 = tpu.memref_slice %arg4[%add3A_17, %dma_start3A_20] : memref<65536x256xf32, #tpu.memory_space<hbm>> -> memref<128x256xf32, #tpu.memory_space<hbm>>
    tpu.enqueue_dma source(%arg6 : memref<128x256xf32, #tpu.memory_space<vmem>>) target(%dma_start3A_21 : memref<128x256xf32, #tpu.memory_space<hbm>>) target_semaphore(%arg9 : memref<!tpu.dma_semaphore, #tpu.memory_space<semaphore_mem>>)
    %dma_wait3A_22 = arith.constant 128 : i32
    %dma_wait3A_23 = tpu.memref_slice %arg5[%dma_wait3A_22] : memref<2048xi32, #tpu.memory_space<vmem>> -> memref<128xi32, #tpu.memory_space<vmem>>
    %dma_wait3A_24 = arith.constant 0 : i32
    %dma_wait3A_25 = arith.constant 0 : i32
    %dma_wait3A_26 = tpu.memref_slice %arg2[%dma_wait3A_24, %dma_wait3A_25] : memref<8192x256xf32, #tpu.memory_space<hbm>> -> memref<8192x256xf32, #tpu.memory_space<hbm>>
    tpu.wait_indirect_dma semaphore(%arg8 : memref<!tpu.dma_semaphore, #tpu.memory_space<semaphore_mem>>) src(%dma_wait3A_26 : memref<8192x256xf32, #tpu.memory_space<hbm>>) dst(%arg7 : memref<128x256xf32, #tpu.memory_space<vmem>>)
    %dma_wait3A_27 = arith.constant 0 : i32
    %dma_wait3A_28 = tpu.memref_slice %arg4[%add3A_17, %dma_wait3A_27] : memref<65536x256xf32, #tpu.memory_space<hbm>> -> memref<128x256xf32, #tpu.memory_space<hbm>>
    %dma_wait3A_29 = arith.constant 0 : i32
    %dma_wait3A_30 = tpu.memref_slice %arg4[%add3A_17, %dma_wait3A_29] : memref<65536x256xf32, #tpu.memory_space<hbm>> -> memref<128x256xf32, #tpu.memory_space<hbm>>
    tpu.wait_dma2 semaphore(%arg9 : memref<!tpu.dma_semaphore, #tpu.memory_space<semaphore_mem>>) src(%arg6 : memref<128x256xf32, #tpu.memory_space<vmem>>) dst(%dma_wait3A_30 : memref<128x256xf32, #tpu.memory_space<hbm>>)
    %dma_start3A_31 = arith.constant 256 : i32
    %dma_start3A_32 = tpu.memref_slice %arg5[%dma_start3A_31] : memref<2048xi32, #tpu.memory_space<vmem>> -> memref<128xi32, #tpu.memory_space<vmem>>
    %dma_start3A_33 = arith.constant 0 : i32
    %dma_start3A_34 = arith.constant 0 : i32
    %dma_start3A_35 = tpu.memref_slice %arg2[%dma_start3A_33, %dma_start3A_34] : memref<8192x256xf32, #tpu.memory_space<hbm>> -> memref<8192x256xf32, #tpu.memory_space<hbm>>
    tpu.enqueue_indirect_dma source(%dma_start3A_35 : memref<8192x256xf32, #tpu.memory_space<hbm>>) target(%arg6 : memref<128x256xf32, #tpu.memory_space<vmem>>) offsets(%dma_start3A_32 : memref<128xi32, #tpu.memory_space<vmem>>) semaphore(%arg8 : memref<!tpu.dma_semaphore, #tpu.memory_space<semaphore_mem>>)
    %add3A_36 = arith.constant 128 : i32
    %add3A_37 = arith.addi %mul3A_2, %add3A_36 : i32
    %dma_start3A_38 = arith.constant 0 : i32
    %dma_start3A_39 = tpu.memref_slice %arg4[%add3A_37, %dma_start3A_38] : memref<65536x256xf32, #tpu.memory_space<hbm>> -> memref<128x256xf32, #tpu.memory_space<hbm>>
    %dma_start3A_40 = arith.constant 0 : i32
    %dma_start3A_41 = tpu.memref_slice %arg4[%add3A_37, %dma_start3A_40] : memref<65536x256xf32, #tpu.memory_space<hbm>> -> memref<128x256xf32, #tpu.memory_space<hbm>>
    tpu.enqueue_dma source(%arg7 : memref<128x256xf32, #tpu.memory_space<vmem>>) target(%dma_start3A_41 : memref<128x256xf32, #tpu.memory_space<hbm>>) target_semaphore(%arg9 : memref<!tpu.dma_semaphore, #tpu.memory_space<semaphore_mem>>)
    %dma_wait3A_42 = arith.constant 256 : i32
    %dma_wait3A_43 = tpu.memref_slice %arg5[%dma_wait3A_42] : memref<2048xi32, #tpu.memory_space<vmem>> -> memref<128xi32, #tpu.memory_space<vmem>>
    %dma_wait3A_44 = arith.constant 0 : i32
    %dma_wait3A_45 = arith.constant 0 : i32
    %dma_wait3A_46 = tpu.memref_slice %arg2[%dma_wait3A_44, %dma_wait3A_45] : memref<8192x256xf32, #tpu.memory_space<hbm>> -> memref<8192x256xf32, #tpu.memory_space<hbm>>
    tpu.wait_indirect_dma semaphore(%arg8 : memref<!tpu.dma_semaphore, #tpu.memory_space<semaphore_mem>>) src(%dma_wait3A_46 : memref<8192x256xf32, #tpu.memory_space<hbm>>) dst(%arg6 : memref<128x256xf32, #tpu.memory_space<vmem>>)
    %dma_wait3A_47 = arith.constant 0 : i32
    %dma_wait3A_48 = tpu.memref_slice %arg4[%add3A_37, %dma_wait3A_47] : memref<65536x256xf32, #tpu.memory_space<hbm>> -> memref<128x256xf32, #tpu.memory_space<hbm>>
    %dma_wait3A_49 = arith.constant 0 : i32
    %dma_wait3A_50 = tpu.memref_slice %arg4[%add3A_37, %dma_wait3A_49] : memref<65536x256xf32, #tpu.memory_space<hbm>> -> memref<128x256xf32, #tpu.memory_space<hbm>>
    tpu.wait_dma2 semaphore(%arg9 : memref<!tpu.dma_semaphore, #tpu.memory_space<semaphore_mem>>) src(%arg7 : memref<128x256xf32, #tpu.memory_space<vmem>>) dst(%dma_wait3A_50 : memref<128x256xf32, #tpu.memory_space<hbm>>)
    %dma_start3A_51 = arith.constant 384 : i32
    %dma_start3A_52 = tpu.memref_slice %arg5[%dma_start3A_51] : memref<2048xi32, #tpu.memory_space<vmem>> -> memref<128xi32, #tpu.memory_space<vmem>>
    %dma_start3A_53 = arith.constant 0 : i32
    %dma_start3A_54 = arith.constant 0 : i32
    %dma_start3A_55 = tpu.memref_slice %arg2[%dma_start3A_53, %dma_start3A_54] : memref<8192x256xf32, #tpu.memory_space<hbm>> -> memref<8192x256xf32, #tpu.memory_space<hbm>>
    tpu.enqueue_indirect_dma source(%dma_start3A_55 : memref<8192x256xf32, #tpu.memory_space<hbm>>) target(%arg7 : memref<128x256xf32, #tpu.memory_space<vmem>>) offsets(%dma_start3A_52 : memref<128xi32, #tpu.memory_space<vmem>>) semaphore(%arg8 : memref<!tpu.dma_semaphore, #tpu.memory_space<semaphore_mem>>)
    %add3A_56 = arith.constant 256 : i32
    %add3A_57 = arith.addi %mul3A_2, %add3A_56 : i32
    %dma_start3A_58 = arith.constant 0 : i32
    %dma_start3A_59 = tpu.memref_slice %arg4[%add3A_57, %dma_start3A_58] : memref<65536x256xf32, #tpu.memory_space<hbm>> -> memref<128x256xf32, #tpu.memory_space<hbm>>
    %dma_start3A_60 = arith.constant 0 : i32
    %dma_start3A_61 = tpu.memref_slice %arg4[%add3A_57, %dma_start3A_60] : memref<65536x256xf32, #tpu.memory_space<hbm>> -> memref<128x256xf32, #tpu.memory_space<hbm>>
    tpu.enqueue_dma source(%arg6 : memref<128x256xf32, #tpu.memory_space<vmem>>) target(%dma_start3A_61 : memref<128x256xf32, #tpu.memory_space<hbm>>) target_semaphore(%arg9 : memref<!tpu.dma_semaphore, #tpu.memory_space<semaphore_mem>>)
    %dma_wait3A_62 = arith.constant 384 : i32
    %dma_wait3A_63 = tpu.memref_slice %arg5[%dma_wait3A_62] : memref<2048xi32, #tpu.memory_space<vmem>> -> memref<128xi32, #tpu.memory_space<vmem>>
    %dma_wait3A_64 = arith.constant 0 : i32
    %dma_wait3A_65 = arith.constant 0 : i32
    %dma_wait3A_66 = tpu.memref_slice %arg2[%dma_wait3A_64, %dma_wait3A_65] : memref<8192x256xf32, #tpu.memory_space<hbm>> -> memref<8192x256xf32, #tpu.memory_space<hbm>>
    tpu.wait_indirect_dma semaphore(%arg8 : memref<!tpu.dma_semaphore, #tpu.memory_space<semaphore_mem>>) src(%dma_wait3A_66 : memref<8192x256xf32, #tpu.memory_space<hbm>>) dst(%arg7 : memref<128x256xf32, #tpu.memory_space<vmem>>)
    %dma_wait3A_67 = arith.constant 0 : i32
    %dma_wait3A_68 = tpu.memref_slice %arg4[%add3A_57, %dma_wait3A_67] : memref<65536x256xf32, #tpu.memory_space<hbm>> -> memref<128x256xf32, #tpu.memory_space<hbm>>
    %dma_wait3A_69 = arith.constant 0 : i32
    %dma_wait3A_70 = tpu.memref_slice %arg4[%add3A_57, %dma_wait3A_69] : memref<65536x256xf32, #tpu.memory_space<hbm>> -> memref<128x256xf32, #tpu.memory_space<hbm>>
    tpu.wait_dma2 semaphore(%arg9 : memref<!tpu.dma_semaphore, #tpu.memory_space<semaphore_mem>>) src(%arg6 : memref<128x256xf32, #tpu.memory_space<vmem>>) dst(%dma_wait3A_70 : memref<128x256xf32, #tpu.memory_space<hbm>>)
    %dma_start3A_71 = arith.constant 512 : i32
    %dma_start3A_72 = tpu.memref_slice %arg5[%dma_start3A_71] : memref<2048xi32, #tpu.memory_space<vmem>> -> memref<128xi32, #tpu.memory_space<vmem>>
    %dma_start3A_73 = arith.constant 0 : i32
    %dma_start3A_74 = arith.constant 0 : i32
    %dma_start3A_75 = tpu.memref_slice %arg2[%dma_start3A_73, %dma_start3A_74] : memref<8192x256xf32, #tpu.memory_space<hbm>> -> memref<8192x256xf32, #tpu.memory_space<hbm>>
    tpu.enqueue_indirect_dma source(%dma_start3A_75 : memref<8192x256xf32, #tpu.memory_space<hbm>>) target(%arg6 : memref<128x256xf32, #tpu.memory_space<vmem>>) offsets(%dma_start3A_72 : memref<128xi32, #tpu.memory_space<vmem>>) semaphore(%arg8 : memref<!tpu.dma_semaphore, #tpu.memory_space<semaphore_mem>>)
    %add3A_76 = arith.constant 384 : i32
    %add3A_77 = arith.addi %mul3A_2, %add3A_76 : i32
    %dma_start3A_78 = arith.constant 0 : i32
    %dma_start3A_79 = tpu.memref_slice %arg4[%add3A_77, %dma_start3A_78] : memref<65536x256xf32, #tpu.memory_space<hbm>> -> memref<128x256xf32, #tpu.memory_space<hbm>>
    %dma_start3A_80 = arith.constant 0 : i32
    %dma_start3A_81 = tpu.memref_slice %arg4[%add3A_77, %dma_start3A_80] : memref<65536x256xf32, #tpu.memory_space<hbm>> -> memref<128x256xf32, #tpu.memory_space<hbm>>
    tpu.enqueue_dma source(%arg7 : memref<128x256xf32, #tpu.memory_space<vmem>>) target(%dma_start3A_81 : memref<128x256xf32, #tpu.memory_space<hbm>>) target_semaphore(%arg9 : memref<!tpu.dma_semaphore, #tpu.memory_space<semaphore_mem>>)
    %dma_wait3A_82 = arith.constant 512 : i32
    %dma_wait3A_83 = tpu.memref_slice %arg5[%dma_wait3A_82] : memref<2048xi32, #tpu.memory_space<vmem>> -> memref<128xi32, #tpu.memory_space<vmem>>
    %dma_wait3A_84 = arith.constant 0 : i32
    %dma_wait3A_85 = arith.constant 0 : i32
    %dma_wait3A_86 = tpu.memref_slice %arg2[%dma_wait3A_84, %dma_wait3A_85] : memref<8192x256xf32, #tpu.memory_space<hbm>> -> memref<8192x256xf32, #tpu.memory_space<hbm>>
    tpu.wait_indirect_dma semaphore(%arg8 : memref<!tpu.dma_semaphore, #tpu.memory_space<semaphore_mem>>) src(%dma_wait3A_86 : memref<8192x256xf32, #tpu.memory_space<hbm>>) dst(%arg6 : memref<128x256xf32, #tpu.memory_space<vmem>>)
    %dma_wait3A_87 = arith.constant 0 : i32
    %dma_wait3A_88 = tpu.memref_slice %arg4[%add3A_77, %dma_wait3A_87] : memref<65536x256xf32, #tpu.memory_space<hbm>> -> memref<128x256xf32, #tpu.memory_space<hbm>>
    %dma_wait3A_89 = arith.constant 0 : i32
    %dma_wait3A_90 = tpu.memref_slice %arg4[%add3A_77, %dma_wait3A_89] : memref<65536x256xf32, #tpu.memory_space<hbm>> -> memref<128x256xf32, #tpu.memory_space<hbm>>
    tpu.wait_dma2 semaphore(%arg9 : memref<!tpu.dma_semaphore, #tpu.memory_space<semaphore_mem>>) src(%arg7 : memref<128x256xf32, #tpu.memory_space<vmem>>) dst(%dma_wait3A_90 : memref<128x256xf32, #tpu.memory_space<hbm>>)
    %dma_start3A_91 = arith.constant 640 : i32
    %dma_start3A_92 = tpu.memref_slice %arg5[%dma_start3A_91] : memref<2048xi32, #tpu.memory_space<vmem>> -> memref<128xi32, #tpu.memory_space<vmem>>
    %dma_start3A_93 = arith.constant 0 : i32
    %dma_start3A_94 = arith.constant 0 : i32
    %dma_start3A_95 = tpu.memref_slice %arg2[%dma_start3A_93, %dma_start3A_94] : memref<8192x256xf32, #tpu.memory_space<hbm>> -> memref<8192x256xf32, #tpu.memory_space<hbm>>
    tpu.enqueue_indirect_dma source(%dma_start3A_95 : memref<8192x256xf32, #tpu.memory_space<hbm>>) target(%arg7 : memref<128x256xf32, #tpu.memory_space<vmem>>) offsets(%dma_start3A_92 : memref<128xi32, #tpu.memory_space<vmem>>) semaphore(%arg8 : memref<!tpu.dma_semaphore, #tpu.memory_space<semaphore_mem>>)
    %add3A_96 = arith.constant 512 : i32
    %add3A_97 = arith.addi %mul3A_2, %add3A_96 : i32
    %dma_start3A_98 = arith.constant 0 : i32
    %dma_start3A_99 = tpu.memref_slice %arg4[%add3A_97, %dma_start3A_98] : memref<65536x256xf32, #tpu.memory_space<hbm>> -> memref<128x256xf32, #tpu.memory_space<hbm>>
    %dma_start3A_100 = arith.constant 0 : i32
    %dma_start3A_101 = tpu.memref_slice %arg4[%add3A_97, %dma_start3A_100] : memref<65536x256xf32, #tpu.memory_space<hbm>> -> memref<128x256xf32, #tpu.memory_space<hbm>>
    tpu.enqueue_dma source(%arg6 : memref<128x256xf32, #tpu.memory_space<vmem>>) target(%dma_start3A_101 : memref<128x256xf32, #tpu.memory_space<hbm>>) target_semaphore(%arg9 : memref<!tpu.dma_semaphore, #tpu.memory_space<semaphore_mem>>)
    %dma_wait3A_102 = arith.constant 640 : i32
    %dma_wait3A_103 = tpu.memref_slice %arg5[%dma_wait3A_102] : memref<2048xi32, #tpu.memory_space<vmem>> -> memref<128xi32, #tpu.memory_space<vmem>>
    %dma_wait3A_104 = arith.constant 0 : i32
    %dma_wait3A_105 = arith.constant 0 : i32
    %dma_wait3A_106 = tpu.memref_slice %arg2[%dma_wait3A_104, %dma_wait3A_105] : memref<8192x256xf32, #tpu.memory_space<hbm>> -> memref<8192x256xf32, #tpu.memory_space<hbm>>
    tpu.wait_indirect_dma semaphore(%arg8 : memref<!tpu.dma_semaphore, #tpu.memory_space<semaphore_mem>>) src(%dma_wait3A_106 : memref<8192x256xf32, #tpu.memory_space<hbm>>) dst(%arg7 : memref<128x256xf32, #tpu.memory_space<vmem>>)
    %dma_wait3A_107 = arith.constant 0 : i32
    %dma_wait3A_108 = tpu.memref_slice %arg4[%add3A_97, %dma_wait3A_107] : memref<65536x256xf32, #tpu.memory_space<hbm>> -> memref<128x256xf32, #tpu.memory_space<hbm>>
    %dma_wait3A_109 = arith.constant 0 : i32
    %dma_wait3A_110 = tpu.memref_slice %arg4[%add3A_97, %dma_wait3A_109] : memref<65536x256xf32, #tpu.memory_space<hbm>> -> memref<128x256xf32, #tpu.memory_space<hbm>>
    tpu.wait_dma2 semaphore(%arg9 : memref<!tpu.dma_semaphore, #tpu.memory_space<semaphore_mem>>) src(%arg6 : memref<128x256xf32, #tpu.memory_space<vmem>>) dst(%dma_wait3A_110 : memref<128x256xf32, #tpu.memory_space<hbm>>)
    %dma_start3A_111 = arith.constant 768 : i32
    %dma_start3A_112 = tpu.memref_slice %arg5[%dma_start3A_111] : memref<2048xi32, #tpu.memory_space<vmem>> -> memref<128xi32, #tpu.memory_space<vmem>>
    %dma_start3A_113 = arith.constant 0 : i32
    %dma_start3A_114 = arith.constant 0 : i32
    %dma_start3A_115 = tpu.memref_slice %arg2[%dma_start3A_113, %dma_start3A_114] : memref<8192x256xf32, #tpu.memory_space<hbm>> -> memref<8192x256xf32, #tpu.memory_space<hbm>>
    tpu.enqueue_indirect_dma source(%dma_start3A_115 : memref<8192x256xf32, #tpu.memory_space<hbm>>) target(%arg6 : memref<128x256xf32, #tpu.memory_space<vmem>>) offsets(%dma_start3A_112 : memref<128xi32, #tpu.memory_space<vmem>>) semaphore(%arg8 : memref<!tpu.dma_semaphore, #tpu.memory_space<semaphore_mem>>)
    %add3A_116 = arith.constant 640 : i32
    %add3A_117 = arith.addi %mul3A_2, %add3A_116 : i32
    %dma_start3A_118 = arith.constant 0 : i32
    %dma_start3A_119 = tpu.memref_slice %arg4[%add3A_117, %dma_start3A_118] : memref<65536x256xf32, #tpu.memory_space<hbm>> -> memref<128x256xf32, #tpu.memory_space<hbm>>
    %dma_start3A_120 = arith.constant 0 : i32
    %dma_start3A_121 = tpu.memref_slice %arg4[%add3A_117, %dma_start3A_120] : memref<65536x256xf32, #tpu.memory_space<hbm>> -> memref<128x256xf32, #tpu.memory_space<hbm>>
    tpu.enqueue_dma source(%arg7 : memref<128x256xf32, #tpu.memory_space<vmem>>) target(%dma_start3A_121 : memref<128x256xf32, #tpu.memory_space<hbm>>) target_semaphore(%arg9 : memref<!tpu.dma_semaphore, #tpu.memory_space<semaphore_mem>>)
    %dma_wait3A_122 = arith.constant 768 : i32
    %dma_wait3A_123 = tpu.memref_slice %arg5[%dma_wait3A_122] : memref<2048xi32, #tpu.memory_space<vmem>> -> memref<128xi32, #tpu.memory_space<vmem>>
    %dma_wait3A_124 = arith.constant 0 : i32
    %dma_wait3A_125 = arith.constant 0 : i32
    %dma_wait3A_126 = tpu.memref_slice %arg2[%dma_wait3A_124, %dma_wait3A_125] : memref<8192x256xf32, #tpu.memory_space<hbm>> -> memref<8192x256xf32, #tpu.memory_space<hbm>>
    tpu.wait_indirect_dma semaphore(%arg8 : memref<!tpu.dma_semaphore, #tpu.memory_space<semaphore_mem>>) src(%dma_wait3A_126 : memref<8192x256xf32, #tpu.memory_space<hbm>>) dst(%arg6 : memref<128x256xf32, #tpu.memory_space<vmem>>)
    %dma_wait3A_127 = arith.constant 0 : i32
    %dma_wait3A_128 = tpu.memref_slice %arg4[%add3A_117, %dma_wait3A_127] : memref<65536x256xf32, #tpu.memory_space<hbm>> -> memref<128x256xf32, #tpu.memory_space<hbm>>
    %dma_wait3A_129 = arith.constant 0 : i32
    %dma_wait3A_130 = tpu.memref_slice %arg4[%add3A_117, %dma_wait3A_129] : memref<65536x256xf32, #tpu.memory_space<hbm>> -> memref<128x256xf32, #tpu.memory_space<hbm>>
    tpu.wait_dma2 semaphore(%arg9 : memref<!tpu.dma_semaphore, #tpu.memory_space<semaphore_mem>>) src(%arg7 : memref<128x256xf32, #tpu.memory_space<vmem>>) dst(%dma_wait3A_130 : memref<128x256xf32, #tpu.memory_space<hbm>>)
    %dma_start3A_131 = arith.constant 896 : i32
    %dma_start3A_132 = tpu.memref_slice %arg5[%dma_start3A_131] : memref<2048xi32, #tpu.memory_space<vmem>> -> memref<128xi32, #tpu.memory_space<vmem>>
    %dma_start3A_133 = arith.constant 0 : i32
    %dma_start3A_134 = arith.constant 0 : i32
    %dma_start3A_135 = tpu.memref_slice %arg2[%dma_start3A_133, %dma_start3A_134] : memref<8192x256xf32, #tpu.memory_space<hbm>> -> memref<8192x256xf32, #tpu.memory_space<hbm>>
    tpu.enqueue_indirect_dma source(%dma_start3A_135 : memref<8192x256xf32, #tpu.memory_space<hbm>>) target(%arg7 : memref<128x256xf32, #tpu.memory_space<vmem>>) offsets(%dma_start3A_132 : memref<128xi32, #tpu.memory_space<vmem>>) semaphore(%arg8 : memref<!tpu.dma_semaphore, #tpu.memory_space<semaphore_mem>>)
    %add3A_136 = arith.constant 768 : i32
    %add3A_137 = arith.addi %mul3A_2, %add3A_136 : i32
    %dma_start3A_138 = arith.constant 0 : i32
    %dma_start3A_139 = tpu.memref_slice %arg4[%add3A_137, %dma_start3A_138] : memref<65536x256xf32, #tpu.memory_space<hbm>> -> memref<128x256xf32, #tpu.memory_space<hbm>>
    %dma_start3A_140 = arith.constant 0 : i32
    %dma_start3A_141 = tpu.memref_slice %arg4[%add3A_137, %dma_start3A_140] : memref<65536x256xf32, #tpu.memory_space<hbm>> -> memref<128x256xf32, #tpu.memory_space<hbm>>
    tpu.enqueue_dma source(%arg6 : memref<128x256xf32, #tpu.memory_space<vmem>>) target(%dma_start3A_141 : memref<128x256xf32, #tpu.memory_space<hbm>>) target_semaphore(%arg9 : memref<!tpu.dma_semaphore, #tpu.memory_space<semaphore_mem>>)
    %dma_wait3A_142 = arith.constant 896 : i32
    %dma_wait3A_143 = tpu.memref_slice %arg5[%dma_wait3A_142] : memref<2048xi32, #tpu.memory_space<vmem>> -> memref<128xi32, #tpu.memory_space<vmem>>
    %dma_wait3A_144 = arith.constant 0 : i32
    %dma_wait3A_145 = arith.constant 0 : i32
    %dma_wait3A_146 = tpu.memref_slice %arg2[%dma_wait3A_144, %dma_wait3A_145] : memref<8192x256xf32, #tpu.memory_space<hbm>> -> memref<8192x256xf32, #tpu.memory_space<hbm>>
    tpu.wait_indirect_dma semaphore(%arg8 : memref<!tpu.dma_semaphore, #tpu.memory_space<semaphore_mem>>) src(%dma_wait3A_146 : memref<8192x256xf32, #tpu.memory_space<hbm>>) dst(%arg7 : memref<128x256xf32, #tpu.memory_space<vmem>>)
    %dma_wait3A_147 = arith.constant 0 : i32
    %dma_wait3A_148 = tpu.memref_slice %arg4[%add3A_137, %dma_wait3A_147] : memref<65536x256xf32, #tpu.memory_space<hbm>> -> memref<128x256xf32, #tpu.memory_space<hbm>>
    %dma_wait3A_149 = arith.constant 0 : i32
    %dma_wait3A_150 = tpu.memref_slice %arg4[%add3A_137, %dma_wait3A_149] : memref<65536x256xf32, #tpu.memory_space<hbm>> -> memref<128x256xf32, #tpu.memory_space<hbm>>
    tpu.wait_dma2 semaphore(%arg9 : memref<!tpu.dma_semaphore, #tpu.memory_space<semaphore_mem>>) src(%arg6 : memref<128x256xf32, #tpu.memory_space<vmem>>) dst(%dma_wait3A_150 : memref<128x256xf32, #tpu.memory_space<hbm>>)
    %dma_start3A_151 = arith.constant 1024 : i32
    %dma_start3A_152 = tpu.memref_slice %arg5[%dma_start3A_151] : memref<2048xi32, #tpu.memory_space<vmem>> -> memref<128xi32, #tpu.memory_space<vmem>>
    %dma_start3A_153 = arith.constant 0 : i32
    %dma_start3A_154 = arith.constant 0 : i32
    %dma_start3A_155 = tpu.memref_slice %arg2[%dma_start3A_153, %dma_start3A_154] : memref<8192x256xf32, #tpu.memory_space<hbm>> -> memref<8192x256xf32, #tpu.memory_space<hbm>>
    tpu.enqueue_indirect_dma source(%dma_start3A_155 : memref<8192x256xf32, #tpu.memory_space<hbm>>) target(%arg6 : memref<128x256xf32, #tpu.memory_space<vmem>>) offsets(%dma_start3A_152 : memref<128xi32, #tpu.memory_space<vmem>>) semaphore(%arg8 : memref<!tpu.dma_semaphore, #tpu.memory_space<semaphore_mem>>)
    %add3A_156 = arith.constant 896 : i32
    %add3A_157 = arith.addi %mul3A_2, %add3A_156 : i32
    %dma_start3A_158 = arith.constant 0 : i32
    %dma_start3A_159 = tpu.memref_slice %arg4[%add3A_157, %dma_start3A_158] : memref<65536x256xf32, #tpu.memory_space<hbm>> -> memref<128x256xf32, #tpu.memory_space<hbm>>
    %dma_start3A_160 = arith.constant 0 : i32
    %dma_start3A_161 = tpu.memref_slice %arg4[%add3A_157, %dma_start3A_160] : memref<65536x256xf32, #tpu.memory_space<hbm>> -> memref<128x256xf32, #tpu.memory_space<hbm>>
    tpu.enqueue_dma source(%arg7 : memref<128x256xf32, #tpu.memory_space<vmem>>) target(%dma_start3A_161 : memref<128x256xf32, #tpu.memory_space<hbm>>) target_semaphore(%arg9 : memref<!tpu.dma_semaphore, #tpu.memory_space<semaphore_mem>>)
    %dma_wait3A_162 = arith.constant 1024 : i32
    %dma_wait3A_163 = tpu.memref_slice %arg5[%dma_wait3A_162] : memref<2048xi32, #tpu.memory_space<vmem>> -> memref<128xi32, #tpu.memory_space<vmem>>
    %dma_wait3A_164 = arith.constant 0 : i32
    %dma_wait3A_165 = arith.constant 0 : i32
    %dma_wait3A_166 = tpu.memref_slice %arg2[%dma_wait3A_164, %dma_wait3A_165] : memref<8192x256xf32, #tpu.memory_space<hbm>> -> memref<8192x256xf32, #tpu.memory_space<hbm>>
    tpu.wait_indirect_dma semaphore(%arg8 : memref<!tpu.dma_semaphore, #tpu.memory_space<semaphore_mem>>) src(%dma_wait3A_166 : memref<8192x256xf32, #tpu.memory_space<hbm>>) dst(%arg6 : memref<128x256xf32, #tpu.memory_space<vmem>>)
    %dma_wait3A_167 = arith.constant 0 : i32
    %dma_wait3A_168 = tpu.memref_slice %arg4[%add3A_157, %dma_wait3A_167] : memref<65536x256xf32, #tpu.memory_space<hbm>> -> memref<128x256xf32, #tpu.memory_space<hbm>>
    %dma_wait3A_169 = arith.constant 0 : i32
    %dma_wait3A_170 = tpu.memref_slice %arg4[%add3A_157, %dma_wait3A_169] : memref<65536x256xf32, #tpu.memory_space<hbm>> -> memref<128x256xf32, #tpu.memory_space<hbm>>
    tpu.wait_dma2 semaphore(%arg9 : memref<!tpu.dma_semaphore, #tpu.memory_space<semaphore_mem>>) src(%arg7 : memref<128x256xf32, #tpu.memory_space<vmem>>) dst(%dma_wait3A_170 : memref<128x256xf32, #tpu.memory_space<hbm>>)
    %dma_start3A_171 = arith.constant 1152 : i32
    %dma_start3A_172 = tpu.memref_slice %arg5[%dma_start3A_171] : memref<2048xi32, #tpu.memory_space<vmem>> -> memref<128xi32, #tpu.memory_space<vmem>>
    %dma_start3A_173 = arith.constant 0 : i32
    %dma_start3A_174 = arith.constant 0 : i32
    %dma_start3A_175 = tpu.memref_slice %arg2[%dma_start3A_173, %dma_start3A_174] : memref<8192x256xf32, #tpu.memory_space<hbm>> -> memref<8192x256xf32, #tpu.memory_space<hbm>>
    tpu.enqueue_indirect_dma source(%dma_start3A_175 : memref<8192x256xf32, #tpu.memory_space<hbm>>) target(%arg7 : memref<128x256xf32, #tpu.memory_space<vmem>>) offsets(%dma_start3A_172 : memref<128xi32, #tpu.memory_space<vmem>>) semaphore(%arg8 : memref<!tpu.dma_semaphore, #tpu.memory_space<semaphore_mem>>)
    %add3A_176 = arith.constant 1024 : i32
    %add3A_177 = arith.addi %mul3A_2, %add3A_176 : i32
    %dma_start3A_178 = arith.constant 0 : i32
    %dma_start3A_179 = tpu.memref_slice %arg4[%add3A_177, %dma_start3A_178] : memref<65536x256xf32, #tpu.memory_space<hbm>> -> memref<128x256xf32, #tpu.memory_space<hbm>>
    %dma_start3A_180 = arith.constant 0 : i32
    %dma_start3A_181 = tpu.memref_slice %arg4[%add3A_177, %dma_start3A_180] : memref<65536x256xf32, #tpu.memory_space<hbm>> -> memref<128x256xf32, #tpu.memory_space<hbm>>
    tpu.enqueue_dma source(%arg6 : memref<128x256xf32, #tpu.memory_space<vmem>>) target(%dma_start3A_181 : memref<128x256xf32, #tpu.memory_space<hbm>>) target_semaphore(%arg9 : memref<!tpu.dma_semaphore, #tpu.memory_space<semaphore_mem>>)
    %dma_wait3A_182 = arith.constant 1152 : i32
    %dma_wait3A_183 = tpu.memref_slice %arg5[%dma_wait3A_182] : memref<2048xi32, #tpu.memory_space<vmem>> -> memref<128xi32, #tpu.memory_space<vmem>>
    %dma_wait3A_184 = arith.constant 0 : i32
    %dma_wait3A_185 = arith.constant 0 : i32
    %dma_wait3A_186 = tpu.memref_slice %arg2[%dma_wait3A_184, %dma_wait3A_185] : memref<8192x256xf32, #tpu.memory_space<hbm>> -> memref<8192x256xf32, #tpu.memory_space<hbm>>
    tpu.wait_indirect_dma semaphore(%arg8 : memref<!tpu.dma_semaphore, #tpu.memory_space<semaphore_mem>>) src(%dma_wait3A_186 : memref<8192x256xf32, #tpu.memory_space<hbm>>) dst(%arg7 : memref<128x256xf32, #tpu.memory_space<vmem>>)
    %dma_wait3A_187 = arith.constant 0 : i32
    %dma_wait3A_188 = tpu.memref_slice %arg4[%add3A_177, %dma_wait3A_187] : memref<65536x256xf32, #tpu.memory_space<hbm>> -> memref<128x256xf32, #tpu.memory_space<hbm>>
    %dma_wait3A_189 = arith.constant 0 : i32
    %dma_wait3A_190 = tpu.memref_slice %arg4[%add3A_177, %dma_wait3A_189] : memref<65536x256xf32, #tpu.memory_space<hbm>> -> memref<128x256xf32, #tpu.memory_space<hbm>>
    tpu.wait_dma2 semaphore(%arg9 : memref<!tpu.dma_semaphore, #tpu.memory_space<semaphore_mem>>) src(%arg6 : memref<128x256xf32, #tpu.memory_space<vmem>>) dst(%dma_wait3A_190 : memref<128x256xf32, #tpu.memory_space<hbm>>)
    %dma_start3A_191 = arith.constant 1280 : i32
    %dma_start3A_192 = tpu.memref_slice %arg5[%dma_start3A_191] : memref<2048xi32, #tpu.memory_space<vmem>> -> memref<128xi32, #tpu.memory_space<vmem>>
    %dma_start3A_193 = arith.constant 0 : i32
    %dma_start3A_194 = arith.constant 0 : i32
    %dma_start3A_195 = tpu.memref_slice %arg2[%dma_start3A_193, %dma_start3A_194] : memref<8192x256xf32, #tpu.memory_space<hbm>> -> memref<8192x256xf32, #tpu.memory_space<hbm>>
    tpu.enqueue_indirect_dma source(%dma_start3A_195 : memref<8192x256xf32, #tpu.memory_space<hbm>>) target(%arg6 : memref<128x256xf32, #tpu.memory_space<vmem>>) offsets(%dma_start3A_192 : memref<128xi32, #tpu.memory_space<vmem>>) semaphore(%arg8 : memref<!tpu.dma_semaphore, #tpu.memory_space<semaphore_mem>>)
    %add3A_196 = arith.constant 1152 : i32
    %add3A_197 = arith.addi %mul3A_2, %add3A_196 : i32
    %dma_start3A_198 = arith.constant 0 : i32
    %dma_start3A_199 = tpu.memref_slice %arg4[%add3A_197, %dma_start3A_198] : memref<65536x256xf32, #tpu.memory_space<hbm>> -> memref<128x256xf32, #tpu.memory_space<hbm>>
    %dma_start3A_200 = arith.constant 0 : i32
    %dma_start3A_201 = tpu.memref_slice %arg4[%add3A_197, %dma_start3A_200] : memref<65536x256xf32, #tpu.memory_space<hbm>> -> memref<128x256xf32, #tpu.memory_space<hbm>>
    tpu.enqueue_dma source(%arg7 : memref<128x256xf32, #tpu.memory_space<vmem>>) target(%dma_start3A_201 : memref<128x256xf32, #tpu.memory_space<hbm>>) target_semaphore(%arg9 : memref<!tpu.dma_semaphore, #tpu.memory_space<semaphore_mem>>)
    %dma_wait3A_202 = arith.constant 1280 : i32
    %dma_wait3A_203 = tpu.memref_slice %arg5[%dma_wait3A_202] : memref<2048xi32, #tpu.memory_space<vmem>> -> memref<128xi32, #tpu.memory_space<vmem>>
    %dma_wait3A_204 = arith.constant 0 : i32
    %dma_wait3A_205 = arith.constant 0 : i32
    %dma_wait3A_206 = tpu.memref_slice %arg2[%dma_wait3A_204, %dma_wait3A_205] : memref<8192x256xf32, #tpu.memory_space<hbm>> -> memref<8192x256xf32, #tpu.memory_space<hbm>>
    tpu.wait_indirect_dma semaphore(%arg8 : memref<!tpu.dma_semaphore, #tpu.memory_space<semaphore_mem>>) src(%dma_wait3A_206 : memref<8192x256xf32, #tpu.memory_space<hbm>>) dst(%arg6 : memref<128x256xf32, #tpu.memory_space<vmem>>)
    %dma_wait3A_207 = arith.constant 0 : i32
    %dma_wait3A_208 = tpu.memref_slice %arg4[%add3A_197, %dma_wait3A_207] : memref<65536x256xf32, #tpu.memory_space<hbm>> -> memref<128x256xf32, #tpu.memory_space<hbm>>
    %dma_wait3A_209 = arith.constant 0 : i32
    %dma_wait3A_210 = tpu.memref_slice %arg4[%add3A_197, %dma_wait3A_209] : memref<65536x256xf32, #tpu.memory_space<hbm>> -> memref<128x256xf32, #tpu.memory_space<hbm>>
    tpu.wait_dma2 semaphore(%arg9 : memref<!tpu.dma_semaphore, #tpu.memory_space<semaphore_mem>>) src(%arg7 : memref<128x256xf32, #tpu.memory_space<vmem>>) dst(%dma_wait3A_210 : memref<128x256xf32, #tpu.memory_space<hbm>>)
    %dma_start3A_211 = arith.constant 1408 : i32
    %dma_start3A_212 = tpu.memref_slice %arg5[%dma_start3A_211] : memref<2048xi32, #tpu.memory_space<vmem>> -> memref<128xi32, #tpu.memory_space<vmem>>
    %dma_start3A_213 = arith.constant 0 : i32
    %dma_start3A_214 = arith.constant 0 : i32
    %dma_start3A_215 = tpu.memref_slice %arg2[%dma_start3A_213, %dma_start3A_214] : memref<8192x256xf32, #tpu.memory_space<hbm>> -> memref<8192x256xf32, #tpu.memory_space<hbm>>
    tpu.enqueue_indirect_dma source(%dma_start3A_215 : memref<8192x256xf32, #tpu.memory_space<hbm>>) target(%arg7 : memref<128x256xf32, #tpu.memory_space<vmem>>) offsets(%dma_start3A_212 : memref<128xi32, #tpu.memory_space<vmem>>) semaphore(%arg8 : memref<!tpu.dma_semaphore, #tpu.memory_space<semaphore_mem>>)
    %add3A_216 = arith.constant 1280 : i32
    %add3A_217 = arith.addi %mul3A_2, %add3A_216 : i32
    %dma_start3A_218 = arith.constant 0 : i32
    %dma_start3A_219 = tpu.memref_slice %arg4[%add3A_217, %dma_start3A_218] : memref<65536x256xf32, #tpu.memory_space<hbm>> -> memref<128x256xf32, #tpu.memory_space<hbm>>
    %dma_start3A_220 = arith.constant 0 : i32
    %dma_start3A_221 = tpu.memref_slice %arg4[%add3A_217, %dma_start3A_220] : memref<65536x256xf32, #tpu.memory_space<hbm>> -> memref<128x256xf32, #tpu.memory_space<hbm>>
    tpu.enqueue_dma source(%arg6 : memref<128x256xf32, #tpu.memory_space<vmem>>) target(%dma_start3A_221 : memref<128x256xf32, #tpu.memory_space<hbm>>) target_semaphore(%arg9 : memref<!tpu.dma_semaphore, #tpu.memory_space<semaphore_mem>>)
    %dma_wait3A_222 = arith.constant 1408 : i32
    %dma_wait3A_223 = tpu.memref_slice %arg5[%dma_wait3A_222] : memref<2048xi32, #tpu.memory_space<vmem>> -> memref<128xi32, #tpu.memory_space<vmem>>
    %dma_wait3A_224 = arith.constant 0 : i32
    %dma_wait3A_225 = arith.constant 0 : i32
    %dma_wait3A_226 = tpu.memref_slice %arg2[%dma_wait3A_224, %dma_wait3A_225] : memref<8192x256xf32, #tpu.memory_space<hbm>> -> memref<8192x256xf32, #tpu.memory_space<hbm>>
    tpu.wait_indirect_dma semaphore(%arg8 : memref<!tpu.dma_semaphore, #tpu.memory_space<semaphore_mem>>) src(%dma_wait3A_226 : memref<8192x256xf32, #tpu.memory_space<hbm>>) dst(%arg7 : memref<128x256xf32, #tpu.memory_space<vmem>>)
    %dma_wait3A_227 = arith.constant 0 : i32
    %dma_wait3A_228 = tpu.memref_slice %arg4[%add3A_217, %dma_wait3A_227] : memref<65536x256xf32, #tpu.memory_space<hbm>> -> memref<128x256xf32, #tpu.memory_space<hbm>>
    %dma_wait3A_229 = arith.constant 0 : i32
    %dma_wait3A_230 = tpu.memref_slice %arg4[%add3A_217, %dma_wait3A_229] : memref<65536x256xf32, #tpu.memory_space<hbm>> -> memref<128x256xf32, #tpu.memory_space<hbm>>
    tpu.wait_dma2 semaphore(%arg9 : memref<!tpu.dma_semaphore, #tpu.memory_space<semaphore_mem>>) src(%arg6 : memref<128x256xf32, #tpu.memory_space<vmem>>) dst(%dma_wait3A_230 : memref<128x256xf32, #tpu.memory_space<hbm>>)
    %dma_start3A_231 = arith.constant 1536 : i32
    %dma_start3A_232 = tpu.memref_slice %arg5[%dma_start3A_231] : memref<2048xi32, #tpu.memory_space<vmem>> -> memref<128xi32, #tpu.memory_space<vmem>>
    %dma_start3A_233 = arith.constant 0 : i32
    %dma_start3A_234 = arith.constant 0 : i32
    %dma_start3A_235 = tpu.memref_slice %arg2[%dma_start3A_233, %dma_start3A_234] : memref<8192x256xf32, #tpu.memory_space<hbm>> -> memref<8192x256xf32, #tpu.memory_space<hbm>>
    tpu.enqueue_indirect_dma source(%dma_start3A_235 : memref<8192x256xf32, #tpu.memory_space<hbm>>) target(%arg6 : memref<128x256xf32, #tpu.memory_space<vmem>>) offsets(%dma_start3A_232 : memref<128xi32, #tpu.memory_space<vmem>>) semaphore(%arg8 : memref<!tpu.dma_semaphore, #tpu.memory_space<semaphore_mem>>)
    %add3A_236 = arith.constant 1408 : i32
    %add3A_237 = arith.addi %mul3A_2, %add3A_236 : i32
    %dma_start3A_238 = arith.constant 0 : i32
    %dma_start3A_239 = tpu.memref_slice %arg4[%add3A_237, %dma_start3A_238] : memref<65536x256xf32, #tpu.memory_space<hbm>> -> memref<128x256xf32, #tpu.memory_space<hbm>>
    %dma_start3A_240 = arith.constant 0 : i32
    %dma_start3A_241 = tpu.memref_slice %arg4[%add3A_237, %dma_start3A_240] : memref<65536x256xf32, #tpu.memory_space<hbm>> -> memref<128x256xf32, #tpu.memory_space<hbm>>
    tpu.enqueue_dma source(%arg7 : memref<128x256xf32, #tpu.memory_space<vmem>>) target(%dma_start3A_241 : memref<128x256xf32, #tpu.memory_space<hbm>>) target_semaphore(%arg9 : memref<!tpu.dma_semaphore, #tpu.memory_space<semaphore_mem>>)
    %dma_wait3A_242 = arith.constant 1536 : i32
    %dma_wait3A_243 = tpu.memref_slice %arg5[%dma_wait3A_242] : memref<2048xi32, #tpu.memory_space<vmem>> -> memref<128xi32, #tpu.memory_space<vmem>>
    %dma_wait3A_244 = arith.constant 0 : i32
    %dma_wait3A_245 = arith.constant 0 : i32
    %dma_wait3A_246 = tpu.memref_slice %arg2[%dma_wait3A_244, %dma_wait3A_245] : memref<8192x256xf32, #tpu.memory_space<hbm>> -> memref<8192x256xf32, #tpu.memory_space<hbm>>
    tpu.wait_indirect_dma semaphore(%arg8 : memref<!tpu.dma_semaphore, #tpu.memory_space<semaphore_mem>>) src(%dma_wait3A_246 : memref<8192x256xf32, #tpu.memory_space<hbm>>) dst(%arg6 : memref<128x256xf32, #tpu.memory_space<vmem>>)
    %dma_wait3A_247 = arith.constant 0 : i32
    %dma_wait3A_248 = tpu.memref_slice %arg4[%add3A_237, %dma_wait3A_247] : memref<65536x256xf32, #tpu.memory_space<hbm>> -> memref<128x256xf32, #tpu.memory_space<hbm>>
    %dma_wait3A_249 = arith.constant 0 : i32
    %dma_wait3A_250 = tpu.memref_slice %arg4[%add3A_237, %dma_wait3A_249] : memref<65536x256xf32, #tpu.memory_space<hbm>> -> memref<128x256xf32, #tpu.memory_space<hbm>>
    tpu.wait_dma2 semaphore(%arg9 : memref<!tpu.dma_semaphore, #tpu.memory_space<semaphore_mem>>) src(%arg7 : memref<128x256xf32, #tpu.memory_space<vmem>>) dst(%dma_wait3A_250 : memref<128x256xf32, #tpu.memory_space<hbm>>)
    %dma_start3A_251 = arith.constant 1664 : i32
    %dma_start3A_252 = tpu.memref_slice %arg5[%dma_start3A_251] : memref<2048xi32, #tpu.memory_space<vmem>> -> memref<128xi32, #tpu.memory_space<vmem>>
    %dma_start3A_253 = arith.constant 0 : i32
    %dma_start3A_254 = arith.constant 0 : i32
    %dma_start3A_255 = tpu.memref_slice %arg2[%dma_start3A_253, %dma_start3A_254] : memref<8192x256xf32, #tpu.memory_space<hbm>> -> memref<8192x256xf32, #tpu.memory_space<hbm>>
    tpu.enqueue_indirect_dma source(%dma_start3A_255 : memref<8192x256xf32, #tpu.memory_space<hbm>>) target(%arg7 : memref<128x256xf32, #tpu.memory_space<vmem>>) offsets(%dma_start3A_252 : memref<128xi32, #tpu.memory_space<vmem>>) semaphore(%arg8 : memref<!tpu.dma_semaphore, #tpu.memory_space<semaphore_mem>>)
    %add3A_256 = arith.constant 1536 : i32
    %add3A_257 = arith.addi %mul3A_2, %add3A_256 : i32
    %dma_start3A_258 = arith.constant 0 : i32
    %dma_start3A_259 = tpu.memref_slice %arg4[%add3A_257, %dma_start3A_258] : memref<65536x256xf32, #tpu.memory_space<hbm>> -> memref<128x256xf32, #tpu.memory_space<hbm>>
    %dma_start3A_260 = arith.constant 0 : i32
    %dma_start3A_261 = tpu.memref_slice %arg4[%add3A_257, %dma_start3A_260] : memref<65536x256xf32, #tpu.memory_space<hbm>> -> memref<128x256xf32, #tpu.memory_space<hbm>>
    tpu.enqueue_dma source(%arg6 : memref<128x256xf32, #tpu.memory_space<vmem>>) target(%dma_start3A_261 : memref<128x256xf32, #tpu.memory_space<hbm>>) target_semaphore(%arg9 : memref<!tpu.dma_semaphore, #tpu.memory_space<semaphore_mem>>)
    %dma_wait3A_262 = arith.constant 1664 : i32
    %dma_wait3A_263 = tpu.memref_slice %arg5[%dma_wait3A_262] : memref<2048xi32, #tpu.memory_space<vmem>> -> memref<128xi32, #tpu.memory_space<vmem>>
    %dma_wait3A_264 = arith.constant 0 : i32
    %dma_wait3A_265 = arith.constant 0 : i32
    %dma_wait3A_266 = tpu.memref_slice %arg2[%dma_wait3A_264, %dma_wait3A_265] : memref<8192x256xf32, #tpu.memory_space<hbm>> -> memref<8192x256xf32, #tpu.memory_space<hbm>>
    tpu.wait_indirect_dma semaphore(%arg8 : memref<!tpu.dma_semaphore, #tpu.memory_space<semaphore_mem>>) src(%dma_wait3A_266 : memref<8192x256xf32, #tpu.memory_space<hbm>>) dst(%arg7 : memref<128x256xf32, #tpu.memory_space<vmem>>)
    %dma_wait3A_267 = arith.constant 0 : i32
    %dma_wait3A_268 = tpu.memref_slice %arg4[%add3A_257, %dma_wait3A_267] : memref<65536x256xf32, #tpu.memory_space<hbm>> -> memref<128x256xf32, #tpu.memory_space<hbm>>
    %dma_wait3A_269 = arith.constant 0 : i32
    %dma_wait3A_270 = tpu.memref_slice %arg4[%add3A_257, %dma_wait3A_269] : memref<65536x256xf32, #tpu.memory_space<hbm>> -> memref<128x256xf32, #tpu.memory_space<hbm>>
    tpu.wait_dma2 semaphore(%arg9 : memref<!tpu.dma_semaphore, #tpu.memory_space<semaphore_mem>>) src(%arg6 : memref<128x256xf32, #tpu.memory_space<vmem>>) dst(%dma_wait3A_270 : memref<128x256xf32, #tpu.memory_space<hbm>>)
    %dma_start3A_271 = arith.constant 1792 : i32
    %dma_start3A_272 = tpu.memref_slice %arg5[%dma_start3A_271] : memref<2048xi32, #tpu.memory_space<vmem>> -> memref<128xi32, #tpu.memory_space<vmem>>
    %dma_start3A_273 = arith.constant 0 : i32
    %dma_start3A_274 = arith.constant 0 : i32
    %dma_start3A_275 = tpu.memref_slice %arg2[%dma_start3A_273, %dma_start3A_274] : memref<8192x256xf32, #tpu.memory_space<hbm>> -> memref<8192x256xf32, #tpu.memory_space<hbm>>
    tpu.enqueue_indirect_dma source(%dma_start3A_275 : memref<8192x256xf32, #tpu.memory_space<hbm>>) target(%arg6 : memref<128x256xf32, #tpu.memory_space<vmem>>) offsets(%dma_start3A_272 : memref<128xi32, #tpu.memory_space<vmem>>) semaphore(%arg8 : memref<!tpu.dma_semaphore, #tpu.memory_space<semaphore_mem>>)
    %add3A_276 = arith.constant 1664 : i32
    %add3A_277 = arith.addi %mul3A_2, %add3A_276 : i32
    %dma_start3A_278 = arith.constant 0 : i32
    %dma_start3A_279 = tpu.memref_slice %arg4[%add3A_277, %dma_start3A_278] : memref<65536x256xf32, #tpu.memory_space<hbm>> -> memref<128x256xf32, #tpu.memory_space<hbm>>
    %dma_start3A_280 = arith.constant 0 : i32
    %dma_start3A_281 = tpu.memref_slice %arg4[%add3A_277, %dma_start3A_280] : memref<65536x256xf32, #tpu.memory_space<hbm>> -> memref<128x256xf32, #tpu.memory_space<hbm>>
    tpu.enqueue_dma source(%arg7 : memref<128x256xf32, #tpu.memory_space<vmem>>) target(%dma_start3A_281 : memref<128x256xf32, #tpu.memory_space<hbm>>) target_semaphore(%arg9 : memref<!tpu.dma_semaphore, #tpu.memory_space<semaphore_mem>>)
    %dma_wait3A_282 = arith.constant 1792 : i32
    %dma_wait3A_283 = tpu.memref_slice %arg5[%dma_wait3A_282] : memref<2048xi32, #tpu.memory_space<vmem>> -> memref<128xi32, #tpu.memory_space<vmem>>
    %dma_wait3A_284 = arith.constant 0 : i32
    %dma_wait3A_285 = arith.constant 0 : i32
    %dma_wait3A_286 = tpu.memref_slice %arg2[%dma_wait3A_284, %dma_wait3A_285] : memref<8192x256xf32, #tpu.memory_space<hbm>> -> memref<8192x256xf32, #tpu.memory_space<hbm>>
    tpu.wait_indirect_dma semaphore(%arg8 : memref<!tpu.dma_semaphore, #tpu.memory_space<semaphore_mem>>) src(%dma_wait3A_286 : memref<8192x256xf32, #tpu.memory_space<hbm>>) dst(%arg6 : memref<128x256xf32, #tpu.memory_space<vmem>>)
    %dma_wait3A_287 = arith.constant 0 : i32
    %dma_wait3A_288 = tpu.memref_slice %arg4[%add3A_277, %dma_wait3A_287] : memref<65536x256xf32, #tpu.memory_space<hbm>> -> memref<128x256xf32, #tpu.memory_space<hbm>>
    %dma_wait3A_289 = arith.constant 0 : i32
    %dma_wait3A_290 = tpu.memref_slice %arg4[%add3A_277, %dma_wait3A_289] : memref<65536x256xf32, #tpu.memory_space<hbm>> -> memref<128x256xf32, #tpu.memory_space<hbm>>
    tpu.wait_dma2 semaphore(%arg9 : memref<!tpu.dma_semaphore, #tpu.memory_space<semaphore_mem>>) src(%arg7 : memref<128x256xf32, #tpu.memory_space<vmem>>) dst(%dma_wait3A_290 : memref<128x256xf32, #tpu.memory_space<hbm>>)
    %dma_start3A_291 = arith.constant 1920 : i32
    %dma_start3A_292 = tpu.memref_slice %arg5[%dma_start3A_291] : memref<2048xi32, #tpu.memory_space<vmem>> -> memref<128xi32, #tpu.memory_space<vmem>>
    %dma_start3A_293 = arith.constant 0 : i32
    %dma_start3A_294 = arith.constant 0 : i32
    %dma_start3A_295 = tpu.memref_slice %arg2[%dma_start3A_293, %dma_start3A_294] : memref<8192x256xf32, #tpu.memory_space<hbm>> -> memref<8192x256xf32, #tpu.memory_space<hbm>>
    tpu.enqueue_indirect_dma source(%dma_start3A_295 : memref<8192x256xf32, #tpu.memory_space<hbm>>) target(%arg7 : memref<128x256xf32, #tpu.memory_space<vmem>>) offsets(%dma_start3A_292 : memref<128xi32, #tpu.memory_space<vmem>>) semaphore(%arg8 : memref<!tpu.dma_semaphore, #tpu.memory_space<semaphore_mem>>)
    %add3A_296 = arith.constant 1792 : i32
    %add3A_297 = arith.addi %mul3A_2, %add3A_296 : i32
    %dma_start3A_298 = arith.constant 0 : i32
    %dma_start3A_299 = tpu.memref_slice %arg4[%add3A_297, %dma_start3A_298] : memref<65536x256xf32, #tpu.memory_space<hbm>> -> memref<128x256xf32, #tpu.memory_space<hbm>>
    %dma_start3A_300 = arith.constant 0 : i32
    %dma_start3A_301 = tpu.memref_slice %arg4[%add3A_297, %dma_start3A_300] : memref<65536x256xf32, #tpu.memory_space<hbm>> -> memref<128x256xf32, #tpu.memory_space<hbm>>
    tpu.enqueue_dma source(%arg6 : memref<128x256xf32, #tpu.memory_space<vmem>>) target(%dma_start3A_301 : memref<128x256xf32, #tpu.memory_space<hbm>>) target_semaphore(%arg9 : memref<!tpu.dma_semaphore, #tpu.memory_space<semaphore_mem>>)
    %dma_wait3A_302 = arith.constant 1920 : i32
    %dma_wait3A_303 = tpu.memref_slice %arg5[%dma_wait3A_302] : memref<2048xi32, #tpu.memory_space<vmem>> -> memref<128xi32, #tpu.memory_space<vmem>>
    %dma_wait3A_304 = arith.constant 0 : i32
    %dma_wait3A_305 = arith.constant 0 : i32
    %dma_wait3A_306 = tpu.memref_slice %arg2[%dma_wait3A_304, %dma_wait3A_305] : memref<8192x256xf32, #tpu.memory_space<hbm>> -> memref<8192x256xf32, #tpu.memory_space<hbm>>
    tpu.wait_indirect_dma semaphore(%arg8 : memref<!tpu.dma_semaphore, #tpu.memory_space<semaphore_mem>>) src(%dma_wait3A_306 : memref<8192x256xf32, #tpu.memory_space<hbm>>) dst(%arg7 : memref<128x256xf32, #tpu.memory_space<vmem>>)
    %add3A_307 = arith.constant 1920 : i32
    %add3A_308 = arith.addi %mul3A_2, %add3A_307 : i32
    %dma_start3A_309 = arith.constant 0 : i32
    %dma_start3A_310 = tpu.memref_slice %arg4[%add3A_308, %dma_start3A_309] : memref<65536x256xf32, #tpu.memory_space<hbm>> -> memref<128x256xf32, #tpu.memory_space<hbm>>
    %dma_start3A_311 = arith.constant 0 : i32
    %dma_start3A_312 = tpu.memref_slice %arg4[%add3A_308, %dma_start3A_311] : memref<65536x256xf32, #tpu.memory_space<hbm>> -> memref<128x256xf32, #tpu.memory_space<hbm>>
    tpu.enqueue_dma source(%arg7 : memref<128x256xf32, #tpu.memory_space<vmem>>) target(%dma_start3A_312 : memref<128x256xf32, #tpu.memory_space<hbm>>) target_semaphore(%arg9 : memref<!tpu.dma_semaphore, #tpu.memory_space<semaphore_mem>>)
    %dma_wait3A_313 = arith.constant 0 : i32
    %dma_wait3A_314 = tpu.memref_slice %arg4[%add3A_297, %dma_wait3A_313] : memref<65536x256xf32, #tpu.memory_space<hbm>> -> memref<128x256xf32, #tpu.memory_space<hbm>>
    %dma_wait3A_315 = arith.constant 0 : i32
    %dma_wait3A_316 = tpu.memref_slice %arg4[%add3A_297, %dma_wait3A_315] : memref<65536x256xf32, #tpu.memory_space<hbm>> -> memref<128x256xf32, #tpu.memory_space<hbm>>
    tpu.wait_dma2 semaphore(%arg9 : memref<!tpu.dma_semaphore, #tpu.memory_space<semaphore_mem>>) src(%arg6 : memref<128x256xf32, #tpu.memory_space<vmem>>) dst(%dma_wait3A_316 : memref<128x256xf32, #tpu.memory_space<hbm>>)
    %dma_wait3A_317 = arith.constant 0 : i32
    %dma_wait3A_318 = tpu.memref_slice %arg4[%add3A_308, %dma_wait3A_317] : memref<65536x256xf32, #tpu.memory_space<hbm>> -> memref<128x256xf32, #tpu.memory_space<hbm>>
    %dma_wait3A_319 = arith.constant 0 : i32
    %dma_wait3A_320 = tpu.memref_slice %arg4[%add3A_308, %dma_wait3A_319] : memref<65536x256xf32, #tpu.memory_space<hbm>> -> memref<128x256xf32, #tpu.memory_space<hbm>>
    tpu.wait_dma2 semaphore(%arg9 : memref<!tpu.dma_semaphore, #tpu.memory_space<semaphore_mem>>) src(%arg7 : memref<128x256xf32, #tpu.memory_space<vmem>>) dst(%dma_wait3A_320 : memref<128x256xf32, #tpu.memory_space<hbm>>)
    return
  }
}

module attributes {stable_mosaic.version = 14 : i64} {
  func.func @_argmin_body(%arg0: i32, %arg1: memref<256x256xf32, #tpu.memory_space<vmem>>, %arg2: memref<256x1xf32, #tpu.memory_space<vmem>>, %arg3: memref<1x8192xf32, #tpu.memory_space<vmem>>, %arg4: memref<256x8192xf32, #tpu.memory_space<vmem>>, %arg5: memref<256x8192xf32, #tpu.memory_space<vmem>>, %arg6: memref<256x1xi32, #tpu.memory_space<vmem>>, %arg7: memref<8x8192xf32, #tpu.memory_space<vmem>>) attributes {dimension_semantics = [#tpu.dimension_semantics<arbitrary>], iteration_bounds = array<i64: 256>, scalar_prefetch = 0 : i64, scratch_operands = 0 : i64, tpu.core_type = #tpu.core_type<tc>, window_params = [{transform_indices = @transform_0, window_bounds = array<i64: 256, 256>}, {transform_indices = @transform_1, window_bounds = array<i64: 256, 1>}, {pipeline_mode = #tpu.pipeline_mode<synchronous>, transform_indices = @transform_2, window_bounds = array<i64: 1, 8192>}, {pipeline_mode = #tpu.pipeline_mode<synchronous>, transform_indices = @transform_3, window_bounds = array<i64: 256, 8192>}, {transform_indices = @transform_4, window_bounds = array<i64: 256, 8192>}, {transform_indices = @transform_5, window_bounds = array<i64: 256, 1>}, {pipeline_mode = #tpu.pipeline_mode<synchronous>, transform_indices = @transform_6, window_bounds = array<i64: 8, 8192>}]} {
    %get3A = arith.constant 0 : index
    %get3A_0 = arith.constant 0 : index
    %get3A_1 = vector.load %arg1[%get3A, %get3A_0] : memref<256x256xf32, #tpu.memory_space<vmem>>, vector<256x256xf32>
    %mul3A = arith.constant 2.000000e+00 : f32
    %mul3A_2 = vector.broadcast %mul3A : f32 to vector<256x256xf32>
    %mul3A_3 = arith.mulf %get3A_1, %mul3A_2 : vector<256x256xf32>
    %convert_element_type3A = arith.truncf %mul3A_3 : vector<256x256xf32> to vector<256x256xbf16>
    %get3A_4 = arith.constant 0 : index
    %get3A_5 = arith.constant 0 : index
    %get3A_6 = vector.load %arg4[%get3A_4, %get3A_5] : memref<256x8192xf32, #tpu.memory_space<vmem>>, vector<256x2048xf32>
    %dot_general3A = arith.constant dense<0.000000e+00> : vector<256x2048xf32>
    %dot_general3A_7 = tpu.matmul %convert_element_type3A, %get3A_6, %dot_general3A {dimension_numbers = #tpu.dot_dimension_numbers<[1], [0], [0], [1], [0, 0, 1, 1], [], []>, transpose_lhs_hint = false} : vector<256x256xbf16>, vector<256x2048xf32>, vector<256x2048xf32> -> vector<256x2048xf32>
    %get3A_8 = arith.constant 0 : index
    %get3A_9 = arith.constant 0 : index
    %get3A_10 = vector.load %arg2[%get3A_8, %get3A_9] : memref<256x1xf32, #tpu.memory_space<vmem>>, vector<256x1xf32>
    %get3A_11 = arith.constant 0 : index
    %get3A_12 = arith.constant 0 : index
    %get3A_13 = vector.load %arg3[%get3A_11, %get3A_12] : memref<1x8192xf32, #tpu.memory_space<vmem>>, vector<1x2048xf32>
    %add3A = vector.broadcast %get3A_10 : vector<256x1xf32> to vector<256x2048xf32>
    %add3A_14 = vector.broadcast %get3A_13 : vector<1x2048xf32> to vector<256x2048xf32>
    %add3A_15 = arith.addf %add3A, %add3A_14 : vector<256x2048xf32>
    %sub3A = arith.subf %add3A_15, %dot_general3A_7 : vector<256x2048xf32>
    %iota3A = tpu.iota {dimensions = array<i32: 1>} : vector<256x2048xi32>
    %add3A_16 = arith.constant 0 : i32
    %add3A_17 = vector.broadcast %add3A_16 : i32 to vector<256x2048xi32>
    %add3A_18 = arith.addi %iota3A, %add3A_17 : vector<256x2048xi32>
    %get3A_19 = arith.constant 0 : index
    %get3A_20 = arith.constant 2048 : index
    %get3A_21 = vector.load %arg4[%get3A_19, %get3A_20] : memref<256x8192xf32, #tpu.memory_space<vmem>>, vector<256x2048xf32>
    %dot_general3A_22 = arith.constant dense<0.000000e+00> : vector<256x2048xf32>
    %dot_general3A_23 = tpu.matmul %convert_element_type3A, %get3A_21, %dot_general3A_22 {dimension_numbers = #tpu.dot_dimension_numbers<[1], [0], [0], [1], [0, 0, 1, 1], [], []>, transpose_lhs_hint = false} : vector<256x256xbf16>, vector<256x2048xf32>, vector<256x2048xf32> -> vector<256x2048xf32>
    %get3A_24 = arith.constant 0 : index
    %get3A_25 = arith.constant 0 : index
    %get3A_26 = vector.load %arg2[%get3A_24, %get3A_25] : memref<256x1xf32, #tpu.memory_space<vmem>>, vector<256x1xf32>
    %get3A_27 = arith.constant 0 : index
    %get3A_28 = arith.constant 2048 : index
    %get3A_29 = vector.load %arg3[%get3A_27, %get3A_28] : memref<1x8192xf32, #tpu.memory_space<vmem>>, vector<1x2048xf32>
    %add3A_30 = vector.broadcast %get3A_26 : vector<256x1xf32> to vector<256x2048xf32>
    %add3A_31 = vector.broadcast %get3A_29 : vector<1x2048xf32> to vector<256x2048xf32>
    %add3A_32 = arith.addf %add3A_30, %add3A_31 : vector<256x2048xf32>
    %sub3A_33 = arith.subf %add3A_32, %dot_general3A_23 : vector<256x2048xf32>
    %iota3A_34 = tpu.iota {dimensions = array<i32: 1>} : vector<256x2048xi32>
    %add3A_35 = arith.constant 2048 : i32
    %add3A_36 = vector.broadcast %add3A_35 : i32 to vector<256x2048xi32>
    %add3A_37 = arith.addi %iota3A_34, %add3A_36 : vector<256x2048xi32>
    %lt3A = arith.cmpf olt, %sub3A_33, %sub3A : vector<256x2048xf32>
    %select_n3A = arith.select %lt3A, %sub3A_33, %sub3A : vector<256x2048xi1>, vector<256x2048xf32>
    %select_n3A_38 = arith.select %lt3A, %add3A_37, %add3A_18 : vector<256x2048xi1>, vector<256x2048xi32>
    %reduce_min3A = arith.constant dense<0x7F800000> : vector<256xf32>
    %reduce_min3A_39 = vector.multi_reduction <minimumf>, %select_n3A, %reduce_min3A [1] : vector<256x2048xf32> to vector<256xf32>
    %broadcast_in_dim3A = vector.shape_cast %reduce_min3A_39 : vector<256xf32> to vector<256x1xf32>
    %eq3A = vector.broadcast %broadcast_in_dim3A : vector<256x1xf32> to vector<256x2048xf32>
    %eq3A_40 = arith.cmpf oeq, %select_n3A, %eq3A : vector<256x2048xf32>
    %jit3A = arith.constant 1073741824 : i32
    %broadcast_in_dim3A_41 = vector.broadcast %jit3A : i32 to vector<256x2048xi32>
    %select_n3A_42 = arith.select %eq3A_40, %select_n3A_38, %broadcast_in_dim3A_41 : vector<256x2048xi1>, vector<256x2048xi32>
    %reduce_min3A_43 = arith.constant dense<2147483647> : vector<256xi32>
    %reduce_min3A_44 = vector.multi_reduction <minsi>, %select_n3A_42, %reduce_min3A_43 [1] : vector<256x2048xi32> to vector<256xi32>
    %broadcast_in_dim3A_45 = vector.shape_cast %reduce_min3A_44 : vector<256xi32> to vector<256x1xi32>
    %get3A_46 = arith.constant 0 : index
    %get3A_47 = arith.constant 4096 : index
    %get3A_48 = vector.load %arg4[%get3A_46, %get3A_47] : memref<256x8192xf32, #tpu.memory_space<vmem>>, vector<256x2048xf32>
    %dot_general3A_49 = arith.constant dense<0.000000e+00> : vector<256x2048xf32>
    %dot_general3A_50 = tpu.matmul %convert_element_type3A, %get3A_48, %dot_general3A_49 {dimension_numbers = #tpu.dot_dimension_numbers<[1], [0], [0], [1], [0, 0, 1, 1], [], []>, transpose_lhs_hint = false} : vector<256x256xbf16>, vector<256x2048xf32>, vector<256x2048xf32> -> vector<256x2048xf32>
    %get3A_51 = arith.constant 0 : index
    %get3A_52 = arith.constant 0 : index
    %get3A_53 = vector.load %arg2[%get3A_51, %get3A_52] : memref<256x1xf32, #tpu.memory_space<vmem>>, vector<256x1xf32>
    %get3A_54 = arith.constant 0 : index
    %get3A_55 = arith.constant 4096 : index
    %get3A_56 = vector.load %arg3[%get3A_54, %get3A_55] : memref<1x8192xf32, #tpu.memory_space<vmem>>, vector<1x2048xf32>
    %add3A_57 = vector.broadcast %get3A_53 : vector<256x1xf32> to vector<256x2048xf32>
    %add3A_58 = vector.broadcast %get3A_56 : vector<1x2048xf32> to vector<256x2048xf32>
    %add3A_59 = arith.addf %add3A_57, %add3A_58 : vector<256x2048xf32>
    %sub3A_60 = arith.subf %add3A_59, %dot_general3A_50 : vector<256x2048xf32>
    %iota3A_61 = tpu.iota {dimensions = array<i32: 1>} : vector<256x2048xi32>
    %add3A_62 = arith.constant 4096 : i32
    %add3A_63 = vector.broadcast %add3A_62 : i32 to vector<256x2048xi32>
    %add3A_64 = arith.addi %iota3A_61, %add3A_63 : vector<256x2048xi32>
    %get3A_65 = arith.constant 0 : index
    %get3A_66 = arith.constant 6144 : index
    %get3A_67 = vector.load %arg4[%get3A_65, %get3A_66] : memref<256x8192xf32, #tpu.memory_space<vmem>>, vector<256x2048xf32>
    %dot_general3A_68 = arith.constant dense<0.000000e+00> : vector<256x2048xf32>
    %dot_general3A_69 = tpu.matmul %convert_element_type3A, %get3A_67, %dot_general3A_68 {dimension_numbers = #tpu.dot_dimension_numbers<[1], [0], [0], [1], [0, 0, 1, 1], [], []>, transpose_lhs_hint = false} : vector<256x256xbf16>, vector<256x2048xf32>, vector<256x2048xf32> -> vector<256x2048xf32>
    %get3A_70 = arith.constant 0 : index
    %get3A_71 = arith.constant 0 : index
    %get3A_72 = vector.load %arg2[%get3A_70, %get3A_71] : memref<256x1xf32, #tpu.memory_space<vmem>>, vector<256x1xf32>
    %get3A_73 = arith.constant 0 : index
    %get3A_74 = arith.constant 6144 : index
    %get3A_75 = vector.load %arg3[%get3A_73, %get3A_74] : memref<1x8192xf32, #tpu.memory_space<vmem>>, vector<1x2048xf32>
    %add3A_76 = vector.broadcast %get3A_72 : vector<256x1xf32> to vector<256x2048xf32>
    %add3A_77 = vector.broadcast %get3A_75 : vector<1x2048xf32> to vector<256x2048xf32>
    %add3A_78 = arith.addf %add3A_76, %add3A_77 : vector<256x2048xf32>
    %sub3A_79 = arith.subf %add3A_78, %dot_general3A_69 : vector<256x2048xf32>
    %iota3A_80 = tpu.iota {dimensions = array<i32: 1>} : vector<256x2048xi32>
    %add3A_81 = arith.constant 6144 : i32
    %add3A_82 = vector.broadcast %add3A_81 : i32 to vector<256x2048xi32>
    %add3A_83 = arith.addi %iota3A_80, %add3A_82 : vector<256x2048xi32>
    %lt3A_84 = arith.cmpf olt, %sub3A_79, %sub3A_60 : vector<256x2048xf32>
    %select_n3A_85 = arith.select %lt3A_84, %sub3A_79, %sub3A_60 : vector<256x2048xi1>, vector<256x2048xf32>
    %select_n3A_86 = arith.select %lt3A_84, %add3A_83, %add3A_64 : vector<256x2048xi1>, vector<256x2048xi32>
    %reduce_min3A_87 = arith.constant dense<0x7F800000> : vector<256xf32>
    %reduce_min3A_88 = vector.multi_reduction <minimumf>, %select_n3A_85, %reduce_min3A_87 [1] : vector<256x2048xf32> to vector<256xf32>
    %broadcast_in_dim3A_89 = vector.shape_cast %reduce_min3A_88 : vector<256xf32> to vector<256x1xf32>
    %eq3A_90 = vector.broadcast %broadcast_in_dim3A_89 : vector<256x1xf32> to vector<256x2048xf32>
    %eq3A_91 = arith.cmpf oeq, %select_n3A_85, %eq3A_90 : vector<256x2048xf32>
    %jit3A_92 = arith.constant 1073741824 : i32
    %broadcast_in_dim3A_93 = vector.broadcast %jit3A_92 : i32 to vector<256x2048xi32>
    %select_n3A_94 = arith.select %eq3A_91, %select_n3A_86, %broadcast_in_dim3A_93 : vector<256x2048xi1>, vector<256x2048xi32>
    %reduce_min3A_95 = arith.constant dense<2147483647> : vector<256xi32>
    %reduce_min3A_96 = vector.multi_reduction <minsi>, %select_n3A_94, %reduce_min3A_95 [1] : vector<256x2048xi32> to vector<256xi32>
    %broadcast_in_dim3A_97 = vector.shape_cast %reduce_min3A_96 : vector<256xi32> to vector<256x1xi32>
    %convert_element_type3A_98 = arith.truncf %broadcast_in_dim3A : vector<256x1xf32> to vector<256x1xbf16>
    %convert_element_type3A_99 = arith.extf %convert_element_type3A_98 : vector<256x1xbf16> to vector<256x1xf32>
    %lt3A_100 = arith.cmpf olt, %broadcast_in_dim3A_89, %convert_element_type3A_99 : vector<256x1xf32>
    %select_n3A_101 = arith.select %lt3A_100, %broadcast_in_dim3A_97, %broadcast_in_dim3A_45 : vector<256x1xi1>, vector<256x1xi32>
    %swap3A = arith.constant 0 : index
    %swap3A_102 = arith.constant 0 : index
    %swap3A_103 = vector.load %arg6[%swap3A, %swap3A_102] : memref<256x1xi32, #tpu.memory_space<vmem>>, vector<256x1xi32>
    tpu.vector_store %arg6[%swap3A, %swap3A_102], %select_n3A_101 {strides = array<i32>} : memref<256x1xi32, #tpu.memory_space<vmem>>, vector<256x1xi32>,
    %eq3A_104 = arith.constant 0 : i32
    %eq3A_105 = arith.cmpi eq, %arg0, %eq3A_104 : i32
    %convert_element_type3A_106 = arith.extui %eq3A_105 : i1 to i32
    %cond3A = arith.constant 0 : i32
    %cond3A_107 = arith.cmpi ne, %convert_element_type3A_106, %cond3A : i32
    scf.if %cond3A_107 {
      %broadcast_in_dim3A_190 = arith.constant 0.000000e+00 : f32
      %broadcast_in_dim3A_191 = vector.broadcast %broadcast_in_dim3A_190 : f32 to vector<8x8192xf32>
      %swap3A_192 = arith.constant 0 : index
      %swap3A_193 = arith.constant 0 : index
      %swap3A_194 = vector.load %arg7[%swap3A_192, %swap3A_193] : memref<8x8192xf32, #tpu.memory_space<vmem>>, vector<8x8192xf32>
      tpu.vector_store %arg7[%swap3A_192, %swap3A_193], %broadcast_in_dim3A_191 {strides = array<i32>} : memref<8x8192xf32, #tpu.memory_space<vmem>>, vector<8x8192xf32>,
    } else {
    }
    %broadcast_in_dim3A_108 = arith.constant 1.000000e+00 : f32
    %broadcast_in_dim3A_109 = vector.broadcast %broadcast_in_dim3A_108 : f32 to vector<8x256xf32>
    %iota3A_110 = tpu.iota {dimensions = array<i32: 1>} : vector<256x2048xi32>
    %add3A_111 = arith.constant 0 : i32
    %add3A_112 = vector.broadcast %add3A_111 : i32 to vector<256x2048xi32>
    %add3A_113 = arith.addi %iota3A_110, %add3A_112 : vector<256x2048xi32>
    %eq3A_114 = vector.broadcast %select_n3A_101 : vector<256x1xi32> to vector<256x2048xi32>
    %eq3A_115 = arith.cmpi eq, %add3A_113, %eq3A_114 : vector<256x2048xi32>
    %convert_element_type3A_116 = arith.extui %eq3A_115 : vector<256x2048xi1> to vector<256x2048xi32>
    %convert_element_type3A_117 = arith.sitofp %convert_element_type3A_116 : vector<256x2048xi32> to vector<256x2048xf32>
    %swap3A_118 = arith.constant 0 : index
    %swap3A_119 = arith.constant 0 : index
    %swap3A_120 = vector.load %arg5[%swap3A_118, %swap3A_119] : memref<256x8192xf32, #tpu.memory_space<vmem>>, vector<256x2048xf32>
    tpu.vector_store %arg5[%swap3A_118, %swap3A_119], %convert_element_type3A_117 {strides = array<i32>} : memref<256x8192xf32, #tpu.memory_space<vmem>>, vector<256x2048xf32>,
    %get3A_121 = arith.constant 0 : index
    %get3A_122 = arith.constant 0 : index
    %get3A_123 = vector.load %arg7[%get3A_121, %get3A_122] : memref<8x8192xf32, #tpu.memory_space<vmem>>, vector<8x2048xf32>
    %dot_general3A_124 = arith.constant dense<0.000000e+00> : vector<8x2048xf32>
    %dot_general3A_125 = tpu.matmul %broadcast_in_dim3A_109, %convert_element_type3A_117, %dot_general3A_124 {dimension_numbers = #tpu.dot_dimension_numbers<[1], [0], [0], [1], [0, 0, 1, 1], [], []>, transpose_lhs_hint = false} : vector<8x256xf32>, vector<256x2048xf32>, vector<8x2048xf32> -> vector<8x2048xf32>
    %add3A_126 = arith.addf %get3A_123, %dot_general3A_125 : vector<8x2048xf32>
    %swap3A_127 = arith.constant 0 : index
    %swap3A_128 = arith.constant 0 : index
    %swap3A_129 = vector.load %arg7[%swap3A_127, %swap3A_128] : memref<8x8192xf32, #tpu.memory_space<vmem>>, vector<8x2048xf32>
    tpu.vector_store %arg7[%swap3A_127, %swap3A_128], %add3A_126 {strides = array<i32>} : memref<8x8192xf32, #tpu.memory_space<vmem>>, vector<8x2048xf32>,
    %iota3A_130 = tpu.iota {dimensions = array<i32: 1>} : vector<256x2048xi32>
    %add3A_131 = arith.constant 2048 : i32
    %add3A_132 = vector.broadcast %add3A_131 : i32 to vector<256x2048xi32>
    %add3A_133 = arith.addi %iota3A_130, %add3A_132 : vector<256x2048xi32>
    %eq3A_134 = vector.broadcast %select_n3A_101 : vector<256x1xi32> to vector<256x2048xi32>
    %eq3A_135 = arith.cmpi eq, %add3A_133, %eq3A_134 : vector<256x2048xi32>
    %convert_element_type3A_136 = arith.extui %eq3A_135 : vector<256x2048xi1> to vector<256x2048xi32>
    %convert_element_type3A_137 = arith.sitofp %convert_element_type3A_136 : vector<256x2048xi32> to vector<256x2048xf32>
    %swap3A_138 = arith.constant 0 : index
    %swap3A_139 = arith.constant 2048 : index
    %swap3A_140 = vector.load %arg5[%swap3A_138, %swap3A_139] : memref<256x8192xf32, #tpu.memory_space<vmem>>, vector<256x2048xf32>
    tpu.vector_store %arg5[%swap3A_138, %swap3A_139], %convert_element_type3A_137 {strides = array<i32>} : memref<256x8192xf32, #tpu.memory_space<vmem>>, vector<256x2048xf32>,
    %get3A_141 = arith.constant 0 : index
    %get3A_142 = arith.constant 2048 : index
    %get3A_143 = vector.load %arg7[%get3A_141, %get3A_142] : memref<8x8192xf32, #tpu.memory_space<vmem>>, vector<8x2048xf32>
    %dot_general3A_144 = arith.constant dense<0.000000e+00> : vector<8x2048xf32>
    %dot_general3A_145 = tpu.matmul %broadcast_in_dim3A_109, %convert_element_type3A_137, %dot_general3A_144 {dimension_numbers = #tpu.dot_dimension_numbers<[1], [0], [0], [1], [0, 0, 1, 1], [], []>, transpose_lhs_hint = false} : vector<8x256xf32>, vector<256x2048xf32>, vector<8x2048xf32> -> vector<8x2048xf32>
    %add3A_146 = arith.addf %get3A_143, %dot_general3A_145 : vector<8x2048xf32>
    %swap3A_147 = arith.constant 0 : index
    %swap3A_148 = arith.constant 2048 : index
    %swap3A_149 = vector.load %arg7[%swap3A_147, %swap3A_148] : memref<8x8192xf32, #tpu.memory_space<vmem>>, vector<8x2048xf32>
    tpu.vector_store %arg7[%swap3A_147, %swap3A_148], %add3A_146 {strides = array<i32>} : memref<8x8192xf32, #tpu.memory_space<vmem>>, vector<8x2048xf32>,
    %iota3A_150 = tpu.iota {dimensions = array<i32: 1>} : vector<256x2048xi32>
    %add3A_151 = arith.constant 4096 : i32
    %add3A_152 = vector.broadcast %add3A_151 : i32 to vector<256x2048xi32>
    %add3A_153 = arith.addi %iota3A_150, %add3A_152 : vector<256x2048xi32>
    %eq3A_154 = vector.broadcast %select_n3A_101 : vector<256x1xi32> to vector<256x2048xi32>
    %eq3A_155 = arith.cmpi eq, %add3A_153, %eq3A_154 : vector<256x2048xi32>
    %convert_element_type3A_156 = arith.extui %eq3A_155 : vector<256x2048xi1> to vector<256x2048xi32>
    %convert_element_type3A_157 = arith.sitofp %convert_element_type3A_156 : vector<256x2048xi32> to vector<256x2048xf32>
    %swap3A_158 = arith.constant 0 : index
    %swap3A_159 = arith.constant 4096 : index
    %swap3A_160 = vector.load %arg5[%swap3A_158, %swap3A_159] : memref<256x8192xf32, #tpu.memory_space<vmem>>, vector<256x2048xf32>
    tpu.vector_store %arg5[%swap3A_158, %swap3A_159], %convert_element_type3A_157 {strides = array<i32>} : memref<256x8192xf32, #tpu.memory_space<vmem>>, vector<256x2048xf32>,
    %get3A_161 = arith.constant 0 : index
    %get3A_162 = arith.constant 4096 : index
    %get3A_163 = vector.load %arg7[%get3A_161, %get3A_162] : memref<8x8192xf32, #tpu.memory_space<vmem>>, vector<8x2048xf32>
    %dot_general3A_164 = arith.constant dense<0.000000e+00> : vector<8x2048xf32>
    %dot_general3A_165 = tpu.matmul %broadcast_in_dim3A_109, %convert_element_type3A_157, %dot_general3A_164 {dimension_numbers = #tpu.dot_dimension_numbers<[1], [0], [0], [1], [0, 0, 1, 1], [], []>, transpose_lhs_hint = false} : vector<8x256xf32>, vector<256x2048xf32>, vector<8x2048xf32> -> vector<8x2048xf32>
    %add3A_166 = arith.addf %get3A_163, %dot_general3A_165 : vector<8x2048xf32>
    %swap3A_167 = arith.constant 0 : index
    %swap3A_168 = arith.constant 4096 : index
    %swap3A_169 = vector.load %arg7[%swap3A_167, %swap3A_168] : memref<8x8192xf32, #tpu.memory_space<vmem>>, vector<8x2048xf32>
    tpu.vector_store %arg7[%swap3A_167, %swap3A_168], %add3A_166 {strides = array<i32>} : memref<8x8192xf32, #tpu.memory_space<vmem>>, vector<8x2048xf32>,
    %iota3A_170 = tpu.iota {dimensions = array<i32: 1>} : vector<256x2048xi32>
    %add3A_171 = arith.constant 6144 : i32
    %add3A_172 = vector.broadcast %add3A_171 : i32 to vector<256x2048xi32>
    %add3A_173 = arith.addi %iota3A_170, %add3A_172 : vector<256x2048xi32>
    %eq3A_174 = vector.broadcast %select_n3A_101 : vector<256x1xi32> to vector<256x2048xi32>
    %eq3A_175 = arith.cmpi eq, %add3A_173, %eq3A_174 : vector<256x2048xi32>
    %convert_element_type3A_176 = arith.extui %eq3A_175 : vector<256x2048xi1> to vector<256x2048xi32>
    %convert_element_type3A_177 = arith.sitofp %convert_element_type3A_176 : vector<256x2048xi32> to vector<256x2048xf32>
    %swap3A_178 = arith.constant 0 : index
    %swap3A_179 = arith.constant 6144 : index
    %swap3A_180 = vector.load %arg5[%swap3A_178, %swap3A_179] : memref<256x8192xf32, #tpu.memory_space<vmem>>, vector<256x2048xf32>
    tpu.vector_store %arg5[%swap3A_178, %swap3A_179], %convert_element_type3A_177 {strides = array<i32>} : memref<256x8192xf32, #tpu.memory_space<vmem>>, vector<256x2048xf32>,
    %get3A_181 = arith.constant 0 : index
    %get3A_182 = arith.constant 6144 : index
    %get3A_183 = vector.load %arg7[%get3A_181, %get3A_182] : memref<8x8192xf32, #tpu.memory_space<vmem>>, vector<8x2048xf32>
    %dot_general3A_184 = arith.constant dense<0.000000e+00> : vector<8x2048xf32>
    %dot_general3A_185 = tpu.matmul %broadcast_in_dim3A_109, %convert_element_type3A_177, %dot_general3A_184 {dimension_numbers = #tpu.dot_dimension_numbers<[1], [0], [0], [1], [0, 0, 1, 1], [], []>, transpose_lhs_hint = false} : vector<8x256xf32>, vector<256x2048xf32>, vector<8x2048xf32> -> vector<8x2048xf32>
    %add3A_186 = arith.addf %get3A_183, %dot_general3A_185 : vector<8x2048xf32>
    %swap3A_187 = arith.constant 0 : index
    %swap3A_188 = arith.constant 6144 : index
    %swap3A_189 = vector.load %arg7[%swap3A_187, %swap3A_188] : memref<8x8192xf32, #tpu.memory_space<vmem>>, vector<8x2048xf32>
    tpu.vector_store %arg7[%swap3A_187, %swap3A_188], %add3A_186 {strides = array<i32>} : memref<8x8192xf32, #tpu.memory_space<vmem>>, vector<8x2048xf32>,
    return
  }
  func.func @transform_0(%arg0: i32) -> (i32, i32) {
    %c0_i32 = arith.constant 0 : i32
    %c0_i32_0 = arith.constant 0 : i32
    return %arg0, %c0_i32 : i32, i32
  }
  func.func @transform_1(%arg0: i32) -> (i32, i32) {
    %c0_i32 = arith.constant 0 : i32
    %c0_i32_0 = arith.constant 0 : i32
    return %arg0, %c0_i32 : i32, i32
  }
  func.func @transform_2(%arg0: i32) -> (i32, i32) {
    %c0_i32 = arith.constant 0 : i32
    %c0_i32_0 = arith.constant 0 : i32
    %c0_i32_1 = arith.constant 0 : i32
    return %c0_i32, %c0_i32_0 : i32, i32
  }
  func.func @transform_3(%arg0: i32) -> (i32, i32) {
    %c0_i32 = arith.constant 0 : i32
    %c0_i32_0 = arith.constant 0 : i32
    %c0_i32_1 = arith.constant 0 : i32
    return %c0_i32, %c0_i32_0 : i32, i32
  }
  func.func @transform_4(%arg0: i32) -> (i32, i32) {
    %c0_i32 = arith.constant 0 : i32
    %c0_i32_0 = arith.constant 0 : i32
    return %arg0, %c0_i32 : i32, i32
  }
  func.func @transform_5(%arg0: i32) -> (i32, i32) {
    %c0_i32 = arith.constant 0 : i32
    %c0_i32_0 = arith.constant 0 : i32
    return %arg0, %c0_i32 : i32, i32
  }
  func.func @transform_6(%arg0: i32) -> (i32, i32) {
    %c0_i32 = arith.constant 0 : i32
    %c0_i32_0 = arith.constant 0 : i32
    %c0_i32_1 = arith.constant 0 : i32
    return %c0_i32, %c0_i32_0 : i32, i32
  }
}

module attributes {stable_mosaic.version = 14 : i64} {
  func.func @_final_body(%arg0: i32, %arg1: memref<256x256xf32, #tpu.memory_space<vmem>>, %arg2: memref<256x256xf32, #tpu.memory_space<vmem>>, %arg3: memref<8x8192xf32, #tpu.memory_space<vmem>>, %arg4: memref<1x1xf32, #tpu.memory_space<vmem>>, %arg5: memref<1x1xf32, #tpu.memory_space<vmem>>, %arg6: memref<256x256xf32, #tpu.memory_space<vmem>>) attributes {dimension_semantics = [#tpu.dimension_semantics<arbitrary>], iteration_bounds = array<i64: 256>, scalar_prefetch = 0 : i64, scratch_operands = 1 : i64, tpu.core_type = #tpu.core_type<tc>, window_params = [{transform_indices = @transform_0, window_bounds = array<i64: 256, 256>}, {transform_indices = @transform_1, window_bounds = array<i64: 256, 256>}, {pipeline_mode = #tpu.pipeline_mode<synchronous>, transform_indices = @transform_2, window_bounds = array<i64: 8, 8192>}, {pipeline_mode = #tpu.pipeline_mode<synchronous>, transform_indices = @transform_3, window_bounds = array<i64: 1, 1>}, {pipeline_mode = #tpu.pipeline_mode<synchronous>, transform_indices = @transform_4, window_bounds = array<i64: 1, 1>}]} {
    %get3A = arith.constant 0 : index
    %get3A_0 = arith.constant 0 : index
    %get3A_1 = vector.load %arg1[%get3A, %get3A_0] : memref<256x256xf32, #tpu.memory_space<vmem>>, vector<256x256xf32>
    %get3A_2 = arith.constant 0 : index
    %get3A_3 = arith.constant 0 : index
    %get3A_4 = vector.load %arg2[%get3A_2, %get3A_3] : memref<256x256xf32, #tpu.memory_space<vmem>>, vector<256x256xf32>
    %sub3A = arith.subf %get3A_1, %get3A_4 : vector<256x256xf32>
    %integer_pow3A = arith.mulf %sub3A, %sub3A : vector<256x256xf32>
    %eq3A = arith.constant 0 : i32
    %eq3A_5 = arith.cmpi eq, %arg0, %eq3A : i32
    %convert_element_type3A = arith.extui %eq3A_5 : i1 to i32
    %cond3A = arith.constant 0 : i32
    %cond3A_6 = arith.cmpi ne, %convert_element_type3A, %cond3A : i32
    scf.if %cond3A_6 {
      %broadcast_in_dim3A = arith.constant 0.000000e+00 : f32
      %broadcast_in_dim3A_17 = vector.broadcast %broadcast_in_dim3A : f32 to vector<256x256xf32>
      %swap3A_18 = arith.constant 0 : index
      %swap3A_19 = arith.constant 0 : index
      %swap3A_20 = vector.load %arg6[%swap3A_18, %swap3A_19] : memref<256x256xf32, #tpu.memory_space<vmem>>, vector<256x256xf32>
      tpu.vector_store %arg6[%swap3A_18, %swap3A_19], %broadcast_in_dim3A_17 {strides = array<i32>} : memref<256x256xf32, #tpu.memory_space<vmem>>, vector<256x256xf32>,
    } else {
    }
    %get3A_7 = arith.constant 0 : index
    %get3A_8 = arith.constant 0 : index
    %get3A_9 = vector.load %arg6[%get3A_7, %get3A_8] : memref<256x256xf32, #tpu.memory_space<vmem>>, vector<256x256xf32>
    %add3A = arith.addf %get3A_9, %integer_pow3A : vector<256x256xf32>
    %swap3A = arith.constant 0 : index
    %swap3A_10 = arith.constant 0 : index
    %swap3A_11 = vector.load %arg6[%swap3A, %swap3A_10] : memref<256x256xf32, #tpu.memory_space<vmem>>, vector<256x256xf32>
    tpu.vector_store %arg6[%swap3A, %swap3A_10], %add3A {strides = array<i32>} : memref<256x256xf32, #tpu.memory_space<vmem>>, vector<256x256xf32>,
    %eq3A_12 = arith.constant 255 : i32
    %eq3A_13 = arith.cmpi eq, %arg0, %eq3A_12 : i32
    %convert_element_type3A_14 = arith.extui %eq3A_13 : i1 to i32
    %cond3A_15 = arith.constant 0 : i32
    %cond3A_16 = arith.cmpi ne, %convert_element_type3A_14, %cond3A_15 : i32
    scf.if %cond3A_16 {
      %get3A_17 = arith.constant 0 : index
      %get3A_18 = arith.constant 0 : index
      %get3A_19 = vector.load %arg6[%get3A_17, %get3A_18] : memref<256x256xf32, #tpu.memory_space<vmem>>, vector<256x256xf32>
      %reduce_sum3A = vector.shape_cast %get3A_19 : vector<256x256xf32> to vector<1x256x256xf32>
      %reduce_sum3A_20 = arith.constant dense<0.000000e+00> : vector<1xf32>
      %reduce_sum3A_21 = vector.multi_reduction <add>, %reduce_sum3A, %reduce_sum3A_20 [1, 2] : vector<1x256x256xf32> to vector<1xf32>
      %reduce_sum3A_22 = vector.shape_cast %reduce_sum3A_21 : vector<1xf32> to vector<1x1x1xf32>
      %reduce_sum3A_23 = vector.extract %reduce_sum3A_22[0, 0, 0] : f32 from vector<1x1x1xf32>
      %mul3A = arith.constant 5.96046448E-8 : f32
      %mul3A_24 = arith.mulf %reduce_sum3A_23, %mul3A : f32
      %mul3A_25 = arith.constant 2.500000e-01 : f32
      %mul3A_26 = arith.mulf %mul3A_25, %mul3A_24 : f32
      %add3A_27 = arith.addf %mul3A_24, %mul3A_26 : f32
      %reshape3A = vector.broadcast %add3A_27 : f32 to vector<1x1xf32>
      %swap3A_28 = arith.constant 0 : index
      %swap3A_29 = arith.constant 0 : index
      %swap3A_30 = vector.load %arg4[%swap3A_28, %swap3A_29] : memref<1x1xf32, #tpu.memory_space<vmem>>, vector<1x1xf32>
      tpu.vector_store %arg4[%swap3A_28, %swap3A_29], %reshape3A {strides = array<i32>} : memref<1x1xf32, #tpu.memory_space<vmem>>, vector<1x1xf32>,
      %get3A_31 = arith.constant 0 : index
      %get3A_32 = arith.constant 0 : index
      %get3A_33 = vector.load %arg3[%get3A_31, %get3A_32] : memref<8x8192xf32, #tpu.memory_space<vmem>>, vector<1x8192xf32>
      %mul3A_34 = arith.constant 1.52587891E-5 : f32
      %mul3A_35 = vector.broadcast %mul3A_34 : f32 to vector<1x8192xf32>
      %mul3A_36 = arith.mulf %get3A_33, %mul3A_35 : vector<1x8192xf32>
      %add3A_37 = arith.constant 1.000000e-10 : f32
      %add3A_38 = vector.broadcast %add3A_37 : f32 to vector<1x8192xf32>
      %add3A_39 = arith.addf %mul3A_36, %add3A_38 : vector<1x8192xf32>
      %log3A = math.log %add3A_39 : vector<1x8192xf32>
      %mul3A_40 = arith.mulf %mul3A_36, %log3A : vector<1x8192xf32>
      %reduce_sum3A_41 = vector.shape_cast %mul3A_40 : vector<1x8192xf32> to vector<1x1x8192xf32>
      %reduce_sum3A_42 = arith.constant dense<0.000000e+00> : vector<1xf32>
      %reduce_sum3A_43 = vector.multi_reduction <add>, %reduce_sum3A_41, %reduce_sum3A_42 [1, 2] : vector<1x1x8192xf32> to vector<1xf32>
      %reduce_sum3A_44 = vector.shape_cast %reduce_sum3A_43 : vector<1xf32> to vector<1x1x1xf32>
      %reduce_sum3A_45 = vector.extract %reduce_sum3A_44[0, 0, 0] : f32 from vector<1x1x1xf32>
      %neg3A = arith.constant 0.000000e+00 : f32
      %neg3A_46 = arith.subf %neg3A, %reduce_sum3A_45 : f32
      %exp3A = math.exp %neg3A_46 : f32
      %reshape3A_47 = vector.broadcast %exp3A : f32 to vector<1x1xf32>
      %swap3A_48 = arith.constant 0 : index
      %swap3A_49 = arith.constant 0 : index
      %swap3A_50 = vector.load %arg5[%swap3A_48, %swap3A_49] : memref<1x1xf32, #tpu.memory_space<vmem>>, vector<1x1xf32>
      tpu.vector_store %arg5[%swap3A_48, %swap3A_49], %reshape3A_47 {strides = array<i32>} : memref<1x1xf32, #tpu.memory_space<vmem>>, vector<1x1xf32>,
    } else {
    }
    return
  }
  func.func @transform_0(%arg0: i32) -> (i32, i32) {
    %c0_i32 = arith.constant 0 : i32
    %c0_i32_0 = arith.constant 0 : i32
    return %arg0, %c0_i32 : i32, i32
  }
  func.func @transform_1(%arg0: i32) -> (i32, i32) {
    %c0_i32 = arith.constant 0 : i32
    %c0_i32_0 = arith.constant 0 : i32
    return %arg0, %c0_i32 : i32, i32
  }
  func.func @transform_2(%arg0: i32) -> (i32, i32) {
    %c0_i32 = arith.constant 0 : i32
    %c0_i32_0 = arith.constant 0 : i32
    %c0_i32_1 = arith.constant 0 : i32
    return %c0_i32, %c0_i32_0 : i32, i32
  }
  func.func @transform_3(%arg0: i32) -> (i32, i32) {
    %c0_i32 = arith.constant 0 : i32
    %c0_i32_0 = arith.constant 0 : i32
    %c0_i32_1 = arith.constant 0 : i32
    return %c0_i32, %c0_i32_0 : i32, i32
  }
  func.func @transform_4(%arg0: i32) -> (i32, i32) {
    %c0_i32 = arith.constant 0 : i32
    %c0_i32_0 = arith.constant 0 : i32
    %c0_i32_1 = arith.constant 0 : i32
    return %c0_i32, %c0_i32_0 : i32, i32
  }
}

</mosaic_0001>

<sc_bundles>
// kernel: kernel.5.cloned.1.call-start
scs
__scs_entry_jumppad:
0x0: {  	(pc) =	sbr.rel $0x88, $3  }
0x1: {  	(tag) =	ssettag $0x0;
	lr =	simm.s32 $0x1  }
0x2: {  	[smem:$0x3F9F] =	sst lr;
	_ =	strace $0xD0000000  }
0x3: {  	_ = 	snop  }
0x4: {  	_ = 	snop  }
0x5: {  	_ = 	snop  }
0x6: {  	_ = 	snop  }
0x7: {  	_ = 	snop  }
__scs_overlays_trampoline_lowered:
0x8: {  	[smem:$0x3FAE] =	sst s0  }
0x9: {  	[smem:$0x3FAF] =	sst s1  }
0xa: {  	[smem:$0x3FB0] =	sst s2  }
0xb: {  	[smem:$0x3FB1] =	sst s3  }
0xc: {  	[smem:$0x3FB2] =	sst s4  }
0xd: {  	[smem:$0x3FB3] =	sst s5  }
0xe: {  	[smem:$0x3FB4] =	sst s6  }
0xf: {  	[smem:$0x3FB5] =	sst s7  }
0x10: {  	[smem:$0x3FB6] =	sst s8  }
0x11: {  	[smem:$0x3FB7] =	sst s9;
	s0 =	simm.s32 @!p0 $0x0  }
0x12: {  	s1 =	sld [smem:$0x3F9D];
	s0 =	simm.s32 @p0 $0x1  }
0x13: {  	[smem:$0x3FB8] =	sst s0;
	s0 =	simm.s32 @!p1 $0x0  }
0x14: {  	s2 =	sld [smem:$0x3F9C];
	s0 =	simm.s32 @p1 $0x1  }
0x15: {  	[smem:$0x3FB9] =	sst s0;
	s0 =	simm.s32 @!p2 $0x0  }
0x16: {  	s3 =	sld [smem:$0x3FDB];
	s0 =	simm.s32 @p2 $0x1  }
0x17: {  	s4 =	simm.s32 $0x1BF5;
	[smem:$0x3FBB] =	sst s0  }
0x18: {  	s0 =	sld [smem:$0x3F9E];
	_ =	swait.ge [sflag:s4], $0x0  }
0x19: {  	s7 =	sld [smem:$0x3F9F]  }
0x1a: {  	s8 =	sadd.s32 $0xFFFFE003, lr  }
0x1b: {  	s9 =	sadd.s32 $0xFFFFFEF7, lr;
	s5 =	simm.s32 $0xFFFFFFFF;
	p2 =	slt.u32 s8, $0xFFFFF086  }
0x1c: {  	p1 =	slt.u32 s9, $0xF7A;
	s5 =	simm.s32 @!p2 $0x0  }
0x1d: {  	s5 =	simm.s32 @p1 $0x1;
	p0 =	seq.s32 s7, s2  }
0x1e: {  	s7 =	smul.u32 @!p0 $0xF7A, s2;
	p2 =	seq.s32 @!p0 s5, $0x0  }
0x1f: {  	s9 =	smul.u32 $0xF7A, s1;
	s8 =	simm.s32 @!p0 $0x1BF5;
	p2 =	por !p2, p0  }
0x20: {  	[sflag:s8] =	ssyncset.s32 @!p0 $0xFFFFF086;
	s6 =	sadd.s32 @!p0 s3, s7;
	s7 =	simm.s32 @!p0 $0x108  }
0x21: {  	s3 =	sadd.s32 s3, s9;
	s6 =	sadd.s32 @!p0 $0x88, s6;
	s7 =	simm.s32 @p2 $0x1082  }
0x22: {  	[simem:s7], [sflag:s8] =	dma.local @!p0 [hbm:s6], $0xF7A  }
0x23: {  	s9 =	sor.u32 $0xD0000000, s2;
	s6 =	simm.s32 $0x108;
	_ =	swait.ge @!p0 [sflag:s8], $0x0  }
0x24: {  	s3 =	sadd.s32 $0x88, s3;
	s6 =	simm.s32 @!p1 $0x1082;
	[sflag:s4] =	ssyncset.s32 $0xFFFFF086  }
0x25: {  	[simem:s6], [sflag:s4] =	dma.local [hbm:s3], $0xF7A  }
0x26: {  	[smem:$0x3F9F] =	sst s1;
	(tag) =	ssettag s2;
	_ =	strace s9  }
0x27: {  	s1 =	sld [smem:$0x3FAF]  }
0x28: {  	s2 =	sld [smem:$0x3FB0]  }
0x29: {  	s4 =	sld [smem:$0x3FB2]  }
0x2a: {  	p0 =	seq.s32 s5, $0x0;
	s5 =	sld [smem:$0x3FB3]  }
0x2b: {  	s6 =	sld [smem:$0x3FB4]  }
0x2c: {  	s7 =	sld [smem:$0x3FB5]  }
0x2d: {  	s3 =	simm.s32 $0x108;
	s8 =	sld [smem:$0x3FB6]  }
0x2e: {  	s3 =	simm.s32 @!p0 $0x1082;
	s9 =	sld [smem:$0x3FB7]  }
0x2f: {  	lr =	sadd.s32 s0, s3;
	s0 =	sld [smem:$0x3FAE]  }
0x30: {  	s3 =	sld [smem:$0x3FB1]  }
0x31: {  	[smem:$0x3FBA] =	sst s10  }
0x32: {  	s10 =	sld [smem:$0x3FB8];
	_ =	sdelay $0x3  }
0x33: {  	p0 =	seq.s32 s10, $0x1;
	s10 =	sld [smem:$0x3FBA];
	_ =	sdelay $0x3  }
0x34: {  	[smem:$0x3FBA] =	sst s10  }
0x35: {  	s10 =	sld [smem:$0x3FB9];
	_ =	sdelay $0x3  }
0x36: {  	p1 =	seq.s32 s10, $0x1;
	s10 =	sld [smem:$0x3FBA];
	_ =	sdelay $0x3  }
0x37: {  	[smem:$0x3FBA] =	sst s10  }
0x38: {  	s10 =	sld [smem:$0x3FBB]  }
0x39: {  	_ = 	snop;
	(pc) =	sbr.ind lr, $3  }
0x3a: {  	_ = 	snop  }
0x3b: {  	_ = 	snop  }
0x3c: {  	p2 =	seq.s32 s10, $0x1;
	s10 =	sld [smem:$0x3FBA]  }
0x3d: {  	_ =	shalt  }
0x3e: {  	_ =	shalt  }
0x3f: {  	_ =	shalt  }
0x40: {  	_ =	shalt  }
0x41: {  	_ =	shalt  }
0x42: {  	_ =	shalt  }
0x43: {  	_ =	shalt  }
0x44: {  	_ =	shalt  }
0x45: {  	_ =	shalt  }
0x46: {  	_ =	shalt  }
0x47: {  	_ =	shalt  }
0x48: {  	_ =	shalt  }
0x49: {  	_ =	shalt  }
0x4a: {  	_ =	shalt  }
0x4b: {  	_ =	shalt  }
0x4c: {  	_ =	shalt  }
0x4d: {  	_ =	shalt  }
0x4e: {  	_ =	shalt  }
0x4f: {  	_ =	shalt  }
0x50: {  	_ =	shalt  }
0x51: {  	_ =	shalt  }
0x52: {  	_ =	shalt  }
0x53: {  	_ =	shalt  }
0x54: {  	_ =	shalt  }
0x55: {  	_ =	shalt  }
0x56: {  	_ =	shalt  }
0x57: {  	_ =	shalt  }
0x58: {  	_ =	shalt  }
0x59: {  	_ =	shalt  }
0x5a: {  	_ =	shalt  }
0x5b: {  	_ =	shalt  }
0x5c: {  	_ =	shalt  }
0x5d: {  	_ =	shalt  }
0x5e: {  	_ =	shalt  }
0x5f: {  	_ =	shalt  }
0x60: {  	_ =	shalt  }
0x61: {  	_ =	shalt  }
0x62: {  	_ =	shalt  }
0x63: {  	_ =	shalt  }
0x64: {  	_ =	shalt  }
0x65: {  	_ =	shalt  }
0x66: {  	_ =	shalt  }
0x67: {  	_ =	shalt  }
0x68: {  	_ =	shalt  }
0x69: {  	_ =	shalt  }
0x6a: {  	_ =	shalt  }
0x6b: {  	_ =	shalt  }
0x6c: {  	_ =	shalt  }
0x6d: {  	_ =	shalt  }
0x6e: {  	_ =	shalt  }
0x6f: {  	_ =	shalt  }
0x70: {  	_ =	shalt  }
0x71: {  	_ =	shalt  }
0x72: {  	_ =	shalt  }
0x73: {  	_ =	shalt  }
0x74: {  	_ =	shalt  }
0x75: {  	_ =	shalt  }
0x76: {  	_ =	shalt  }
0x77: {  	_ =	shalt  }
0x78: {  	_ =	shalt  }
0x79: {  	_ =	shalt  }
0x7a: {  	_ =	shalt  }
0x7b: {  	_ =	shalt  }
0x7c: {  	_ =	shalt  }
0x7d: {  	_ =	shalt  }
0x7e: {  	_ =	shalt  }
0x7f: {  	_ =	shalt  }
0x80: {  	_ =	shalt  }
0x81: {  	_ =	shalt  }
0x82: {  	_ =	shalt  }
0x83: {  	_ =	shalt  }
0x84: {  	_ =	shalt  }
0x85: {  	_ =	shalt  }
0x86: {  	_ =	shalt  }
0x87: {  	_ =	shalt  }
.Lfunc_end0:
.L_simem_size_0:
called_computation_lowered:
.L_overlay_start_0:
0x88: {  	s2 =	sld [smem:$0x3FD9]  }
0x89: {  	s3 =	sld [smem:$0x3FFE];
	_ =	sdelay $0x1  }
0x8a: {  	s1 =	srdreg.scid  }
0x8b: {  	s0 =	sand.u32 $0x1, s1  }
0x8c: {  	s14 =	sshll.u32 s0, $0xA;
	s2 =	sadd.s32 s3, s2  }
0x8d: {  	s2 =	sadd.s32 s2, s14  }
0x8e: {  	[smem:$0x3FC6] =	sst s2  }
0x8f: {  	_ = 	snop  }
0x90: {  	s2 =	sld [smem:$0x3FD0];
	_ =	sdelay $0x2  }
0x91: {  	s4 =	simm.s32 $0xA;
	s5 =	simm.s32 $0x10;
	s15 =	sld [smem:$0x3FC8]  }
0x92: {  	[smem:s5], [sflag:s4] =	dma.local [hbm:s2], $0x1  }
0x93: {  	_ =	swait.eq [sflag:s4], $0x1  }
0x94: {  	[sflag:s4] =	ssyncset.done $0x0  }
0x95: {  	[sflag:s4] =	ssyncadd.s32 $0xFFFFFFFF  }
0x96: {  	s16 =	sld [smem:$0x11];
	(tm) =	ssettm $0x1  }
0x97: {  	s17 =	sld [smem:$0x3FFB];
	_ =	sdelay $0x3  }
0x98: {  	_ =	strace s17  }
0x99: {  	s4 =	sld [smem:$0x3FFC];
	_ =	sdelay $0x3  }
0x9a: {  	_ =	strace s4  }
0x9b: {  	s4 =	sld [smem:$0x3FFD];
	_ =	sdelay $0x3  }
0x9c: {  	_ =	strace s4  }
0x9d: {  	_ =	strace $0x8FFFFFFF  }
0x9e: {  	s18 =	sld [smem:$0x3FDB];
	_ =	sdelay $0x1  }
0x9f: {  	s19 =	simm.s32 $_scs_section_size  }
0xa0: {  	s6 =	simm.s32 $_size__tile_overlayer_lowered;
	s7 =	simm.s32 $_tile_overlayer_lowered  }
0xa1: {  	s22 =	simm.s32 $0x1BFF;
	s21 =	sshll.u32 s7, $0x1;
	s4 =	sadd.s32 s19, s18  }
0xa2: {  	s8 =	simm.s32 $0x0;
	s20 =	sshll.u32 s6, $0x1;
	s6 =	sadd.s32 s21, s4  }
0xa3: {  	[timem:s8], [sflag:s22] =	dma.local [hbm:s6], s20  }
0xa4: {  	_ =	swait.ge [sflag:s22], s20  }
0xa5: {  	s5 =	ssub.s32 $0x0, s20;
	[sflag:s22] =	ssyncset.done $0x0  }
0xa6: {  	[sflag:s22] =	ssyncadd.s32 s5;
	_ =	sdelay $0x1  }
0xa7: {  	s23 =	simm.s32 $0x1B8B  }
0xa8: {  	_ =	swait.ge [sflag:s23], $0x1  }
0xa9: {  	[sflag:s23] =	ssyncset.done $0x0  }
0xaa: {  	s25 =	simm.s32 $0x1B8E;
	s24 =	sld [smem:$0x3FFE];
	[sflag:s23] =	ssyncadd.s32 $0xFFFFFFFF  }
0xab: {  	s26 =	simm.s32 $execute0_lowered;
	[smem:$0x3FD2] =	sst s25  }
0xac: {  	s6 =	sshll.u32 s26, $0x1;
	_ =	strace $0x80000046;
	[dreg:$0x1] =	wrdreg $0xFFFFFFFF  }
0xad: {  	s28 =	simm.s32 $_size_execute0_lowered;
	s4 =	sadd.s32 s4, s6;
	[dreg:$0x0] =	wrdreg $0x0  }
0xae: {  	s6 =	sshll.u32 s28, $0x1;
	[dreg:$0x2] =	wrdreg s4  }
0xaf: {  	[dreg:$0x3] =	wrdreg s6  }
0xb0: {  	[dreg:$0x4] =	wrdreg $0xC0  }
0xb1: {  	_ =	task [dreg:s8], $0x5FFFF  }
0xb2: {  	[dreg:$0x1] =	wrdreg $0xFFFFFFFF  }
0xb3: {  	[dreg:$0x0] =	wrdreg $0x60  }
0xb4: {  	[dreg:$0x2] =	wrdreg s15  }
0xb5: {  	[dreg:$0x3] =	wrdreg s24  }
0xb6: {  	[dreg:$0x4] =	wrdreg s16  }
0xb7: {  	[dreg:$0x5] =	wrdreg $0x9  }
0xb8: {  	_ =	task.clear_ibuf [dreg:s8], $0x6FFFF;
	_ =	strace $0x90000046  }
0xb9: {  	s29 =	simm.s32 $0x9;
	_ =	strace $0x80000048  }
0xba: {  	_ =	swait.ge [sflag:s29], $0x1  }
0xbb: {  	[sflag:s29] =	ssyncadd.s32 $0xFFFFFFFF  }
0xbc: {  	_ =	strace $0x90000048  }
0xbd: {  	_ =	sfence  }
0xbe: {  	s30 =	sld [smem:$0x0];
	_ =	sdelay $0x2  }
0xbf: {  	s31 =	sshll.u32 s1, $0xD;
	s1 =	sshrl.u32 s1, $0x2  }
0xc0: {  	s3 =	sand.u32 $0x4000, s31;
	s1 =	sadd.s32 s1, s30  }
0xc1: {  	s0 =	sor.u32 s3, s0;
	s1 =	sshll.u32 s1, $0x11  }
0xc2: {  	s0 =	sor.u32 s1, s0  }
0xc3: {  	s0 =	sadd.s32 $0x8F2B, s0  }
0xc4: {  	[sflag:s0] =	ssyncadd.remote.s32 $0x1  }
0xc5: {  	_ =	sfence.sel $0xFFFF  }
0xc6: {  	[dreg:$0x0] =	wrdreg $0xFFFFFFFF;
	(pc) =	sbr.abs _section_cstart, $3  }
0xc7: {  	[dreg:$0x1] =	wrdreg $0xFFFFFFFF  }
0xc8: {  	_ =	task.clear_ibuf [dreg:s8], $0x2FFFF;
	_ =	strace $0x9FFFFFFF  }
0xc9: {  	(tm) =	ssettm $0x7FFFFFFF  }
tec
execute0_lowered:
.L_overlay_start_1:
0x0: {  	(tag) =	ssettag $0x1  }
0x1: {  	s0 =	srdreg.scid  }
0x2: {  	s1 =	rddreg [dreg:$0x0];
	s3 =	stileid.u32;
	s0 =	sand.u32 $0x1, s0  }
0x3: {  	s2 =	rddreg [dreg:$0x1];
	s3 =	sshll.u32 s3, $0xC;
	s4 =	sshll.u32 s0, $0xB  }
0x4: {  	s5 =	rddreg [dreg:$0x2];
	s4 =	sor.u32 s4, s3  }
0x5: {  	s3 =	simm.s32 $0x0;
	s6 =	sshrl.u32 s4, $0x3;
	s4 =	sshll.u32 s4, $0x5  }
0x6: {  	[smem:$0x7FF] =	sst s3;
	s2 =	sadd.s32 s6, s2;
	s5 =	sadd.s32 s5, s4  }
0x7: {  	_ =	strace $0x80000047;
	s2 =	sadd.s32 $0x100000, s2;
	[dreg:$0x14] =	wrdreg s5  }
0x8: {  	s15 =	sadd.s32 $0x1000, s5;
	[dreg:$0x4] =	wrdreg s2  }
0x9: {  	s16 =	sadd.s32 $0x2000, s5;
	[dreg:$0x5] =	wrdreg s15  }
0xa: {  	s17 =	sadd.s32 $0x3000, s5;
	[dreg:$0x6] =	wrdreg s16  }
0xb: {  	s18 =	sadd.s32 $0x4000, s5;
	[dreg:$0x7] =	wrdreg s17  }
0xc: {  	s19 =	sadd.s32 $0x5000, s5;
	[dreg:$0x8] =	wrdreg s18  }
0xd: {  	s20 =	sadd.s32 $0x6000, s5;
	[dreg:$0x9] =	wrdreg s19  }
0xe: {  	s21 =	sadd.s32 $0x7000, s5;
	[dreg:$0xa] =	wrdreg s20  }
0xf: {  	s22 =	sadd.s32 $0x8000, s5;
	[dreg:$0xb] =	wrdreg s21  }
0x10: {  	s23 =	sadd.s32 $0x9000, s5;
	[dreg:$0xc] =	wrdreg s22  }
0x11: {  	s7 =	simm.s32 $0x800;
	s24 =	sadd.s32 $0xA000, s5;
	[dreg:$0xd] =	wrdreg s23  }
0x12: {  	s13 =	simm.s32 $0x2;
	s25 =	sadd.s32 $0xB000, s5;
	[dreg:$0xe] =	wrdreg s24  }
0x13: {  	s0 =	ssub.s32 $0x2, s0;
	s26 =	sadd.s32 $0xC000, s5;
	[dreg:$0xf] =	wrdreg s25  }
0x14: {  	s30 =	sshrl.u32 s0, $0x1;
	s28 =	sadd.s32 $0xD000, s5;
	[dreg:$0x10] =	wrdreg s26  }
0x15: {  	v2 =	vlaneseq.u32;
	s0 =	ssub.s32 s0, s30;
	s29 =	sadd.s32 $0xE000, s5;
	[dreg:$0x11] =	wrdreg s28  }
0x16: {  	vm0 =	vmmov $0xffff;
	v1 =	vshrl.u32 v2, $0x3;
	s0 =	smax.u32 s0, $0x1;
	s31 =	sadd.s32 $0xF000, s5;
	[dreg:$0x12] =	wrdreg s29  }
0x17: {  	v0 =	vand.u32 $0x7, v2;
	v2 =	vor.u32 $0x8, v2;
	v1 =	vmul.u32 $0x8, v1;
	[dreg:$0x13] =	wrdreg s31;
	s23 =	simm.s32 $0x1;
	s24 =	simm.s32 $0x8800  }
.LBB2_1:
0x18: {  	[dreg:$0x15] =	wrdreg s0  }
0x19: {  	s14 =	rddreg [dreg:$0x4];
	s29 =	simm.s32 $0x3  }
0x1a: {  	[tilespmem:s3], [sflag:$0x3] =	stream.linear.gather [hbm4b:s14+s3], $0x800, $0x38;
	[tilespmem:$0x10800] =	vst v63  }
0x1b: {  	_ =	swait.ge [sflag:s29], $0x800  }
0x1c: {  	[sflag:s29] =	ssyncset.done $0x0  }
0x1d: {  	[sflag:s29] =	ssyncadd.s32 $0xFFFFF800  }
0x1e: {  	v3 =	vld [tilespmem:$0x0];
	_ =	sdelay $0x4  }
0x1f: {  	v4 =	vshll.u32 v3, $0x1  }
0x20: {  	v3 =	vand.u32 $0x7, v3;
	v4 =	vand.u32 $0xFFFFFFF0, v4  }
0x21: {  	v3 =	vor.u32 v3, v4  }
0x22: {  	v4 =	vperm.xlane v3, v0;
	_ =	sdelay $0x1  }
0x23: {  	v3 =	vperm.xlane v3, v2;
	v4 =	vadd.s32 v1, v4;
	_ =	sdelay $0x1  }
0x24: {  	v3 =	vadd.s32 v1, v3;
	_ =	sdelay $0x2  }
0x25: {  	[tilespmem:s7], [sflag:$0x1] =	stream.indirect_vreg.gather [hbm4b:s1+s3], $0x80, v4, vm0, $0xb8;
	[tilespmem:$0x10800] =	vst v63  }
0x26: {  	s30 =	simm.s32 $0x1000  }
0x27: {  	[tilespmem:s30], [sflag:$0x1] =	stream.indirect_vreg.gather [hbm4b:s1+s3], $0x80, v3, vm0, $0xb8;
	[tilespmem:$0x10800] =	vst v63  }
0x28: {  	v3 =	vld [tilespmem:$0x10];
	_ =	sdelay $0x4  }
0x29: {  	v49 =	vshll.u32 v3, $0x1  }
0x2a: {  	v3 =	vand.u32 $0x7, v3;
	v4 =	vand.u32 $0xFFFFFFF0, v49  }
0x2b: {  	v3 =	vor.u32 v3, v4  }
0x2c: {  	v4 =	vperm.xlane v3, v0;
	_ =	sdelay $0x1  }
0x2d: {  	v3 =	vperm.xlane v3, v2;
	v4 =	vadd.s32 v1, v4;
	_ =	sdelay $0x1  }
0x2e: {  	v3 =	vadd.s32 v1, v3;
	_ =	sdelay $0x1  }
0x2f: {  	s31 =	simm.s32 $0x1800  }
0x30: {  	[tilespmem:s31], [sflag:$0x1] =	stream.indirect_vreg.gather [hbm4b:s1+s3], $0x80, v4, vm0, $0xb8;
	[tilespmem:$0x10800] =	vst v63  }
0x31: {  	s2 =	simm.s32 $0x2000  }
0x32: {  	[tilespmem:s2], [sflag:$0x1] =	stream.indirect_vreg.gather [hbm4b:s1+s3], $0x80, v3, vm0, $0xb8;
	[tilespmem:$0x10800] =	vst v63  }
0x33: {  	v3 =	vld [tilespmem:$0x20];
	_ =	sdelay $0x4  }
0x34: {  	v50 =	vshll.u32 v3, $0x1  }
0x35: {  	v3 =	vand.u32 $0x7, v3;
	v4 =	vand.u32 $0xFFFFFFF0, v50  }
0x36: {  	v3 =	vor.u32 v3, v4  }
0x37: {  	v4 =	vperm.xlane v3, v0;
	_ =	sdelay $0x1  }
0x38: {  	v3 =	vperm.xlane v3, v2;
	v4 =	vadd.s32 v1, v4;
	_ =	sdelay $0x1  }
0x39: {  	v3 =	vadd.s32 v1, v3;
	_ =	sdelay $0x1  }
0x3a: {  	s4 =	simm.s32 $0x2800  }
0x3b: {  	[tilespmem:s4], [sflag:$0x1] =	stream.indirect_vreg.gather [hbm4b:s1+s3], $0x80, v4, vm0, $0xb8;
	[tilespmem:$0x10800] =	vst v63  }
0x3c: {  	s5 =	simm.s32 $0x3000  }
0x3d: {  	[tilespmem:s5], [sflag:$0x1] =	stream.indirect_vreg.gather [hbm4b:s1+s3], $0x80, v3, vm0, $0xb8;
	[tilespmem:$0x10800] =	vst v63  }
0x3e: {  	v3 =	vld [tilespmem:$0x30];
	_ =	sdelay $0x4  }
0x3f: {  	v51 =	vshll.u32 v3, $0x1  }
0x40: {  	v3 =	vand.u32 $0x7, v3;
	v4 =	vand.u32 $0xFFFFFFF0, v51  }
0x41: {  	v3 =	vor.u32 v3, v4  }
0x42: {  	v4 =	vperm.xlane v3, v0;
	_ =	sdelay $0x1  }
0x43: {  	v3 =	vperm.xlane v3, v2;
	v4 =	vadd.s32 v1, v4;
	_ =	sdelay $0x1  }
0x44: {  	v3 =	vadd.s32 v1, v3;
	_ =	sdelay $0x1  }
0x45: {  	s6 =	simm.s32 $0x3800  }
0x46: {  	[tilespmem:s6], [sflag:$0x1] =	stream.indirect_vreg.gather [hbm4b:s1+s3], $0x80, v4, vm0, $0xb8;
	[tilespmem:$0x10800] =	vst v63  }
0x47: {  	s9 =	simm.s32 $0x4000  }
0x48: {  	[tilespmem:s9], [sflag:$0x1] =	stream.indirect_vreg.gather [hbm4b:s1+s3], $0x80, v3, vm0, $0xb8;
	[tilespmem:$0x10800] =	vst v63  }
0x49: {  	v3 =	vld [tilespmem:$0x40];
	_ =	sdelay $0x4  }
0x4a: {  	v52 =	vshll.u32 v3, $0x1  }
0x4b: {  	v3 =	vand.u32 $0x7, v3;
	v4 =	vand.u32 $0xFFFFFFF0, v52  }
0x4c: {  	v3 =	vor.u32 v3, v4  }
0x4d: {  	v4 =	vperm.xlane v3, v0;
	_ =	sdelay $0x1  }
0x4e: {  	v3 =	vperm.xlane v3, v2;
	v4 =	vadd.s32 v1, v4;
	_ =	sdelay $0x1  }
0x4f: {  	v3 =	vadd.s32 v1, v3;
	_ =	sdelay $0x1  }
0x50: {  	s10 =	simm.s32 $0x4800  }
0x51: {  	[tilespmem:s10], [sflag:$0x1] =	stream.indirect_vreg.gather [hbm4b:s1+s3], $0x80, v4, vm0, $0xb8;
	[tilespmem:$0x10800] =	vst v63  }
0x52: {  	s11 =	simm.s32 $0x5000  }
0x53: {  	[tilespmem:s11], [sflag:$0x1] =	stream.indirect_vreg.gather [hbm4b:s1+s3], $0x80, v3, vm0, $0xb8;
	[tilespmem:$0x10800] =	vst v63  }
0x54: {  	v3 =	vld [tilespmem:$0x50];
	_ =	sdelay $0x4  }
0x55: {  	v53 =	vshll.u32 v3, $0x1  }
0x56: {  	v3 =	vand.u32 $0x7, v3;
	v4 =	vand.u32 $0xFFFFFFF0, v53  }
0x57: {  	v3 =	vor.u32 v3, v4  }
0x58: {  	v4 =	vperm.xlane v3, v0;
	_ =	sdelay $0x1  }
0x59: {  	v3 =	vperm.xlane v3, v2;
	v4 =	vadd.s32 v1, v4;
	_ =	sdelay $0x1  }
0x5a: {  	v3 =	vadd.s32 v1, v3;
	_ =	sdelay $0x1  }
0x5b: {  	s14 =	simm.s32 $0x5800  }
0x5c: {  	[tilespmem:s14], [sflag:$0x1] =	stream.indirect_vreg.gather [hbm4b:s1+s3], $0x80, v4, vm0, $0xb8;
	[tilespmem:$0x10800] =	vst v63  }
0x5d: {  	s21 =	simm.s32 $0x6000  }
0x5e: {  	[tilespmem:s21], [sflag:$0x1] =	stream.indirect_vreg.gather [hbm4b:s1+s3], $0x80, v3, vm0, $0xb8;
	[tilespmem:$0x10800] =	vst v63  }
0x5f: {  	v3 =	vld [tilespmem:$0x60];
	_ =	sdelay $0x4  }
0x60: {  	v54 =	vshll.u32 v3, $0x1  }
0x61: {  	v3 =	vand.u32 $0x7, v3;
	v4 =	vand.u32 $0xFFFFFFF0, v54  }
0x62: {  	v3 =	vor.u32 v3, v4  }
0x63: {  	v4 =	vperm.xlane v3, v0;
	_ =	sdelay $0x1  }
0x64: {  	v3 =	vperm.xlane v3, v2;
	v4 =	vadd.s32 v1, v4;
	_ =	sdelay $0x1  }
0x65: {  	v3 =	vadd.s32 v1, v3;
	_ =	sdelay $0x1  }
0x66: {  	s22 =	simm.s32 $0x6800  }
0x67: {  	[tilespmem:s22], [sflag:$0x1] =	stream.indirect_vreg.gather [hbm4b:s1+s3], $0x80, v4, vm0, $0xb8;
	[tilespmem:$0x10800] =	vst v63  }
0x68: {  	s25 =	simm.s32 $0x7000  }
0x69: {  	[tilespmem:s25], [sflag:$0x1] =	stream.indirect_vreg.gather [hbm4b:s1+s3], $0x80, v3, vm0, $0xb8;
	[tilespmem:$0x10800] =	vst v63  }
0x6a: {  	v3 =	vld [tilespmem:$0x70];
	_ =	sdelay $0x4  }
0x6b: {  	v55 =	vshll.u32 v3, $0x1  }
0x6c: {  	v3 =	vand.u32 $0x7, v3;
	v4 =	vand.u32 $0xFFFFFFF0, v55  }
0x6d: {  	v3 =	vor.u32 v3, v4  }
0x6e: {  	v4 =	vperm.xlane v3, v0;
	_ =	sdelay $0x1  }
0x6f: {  	v3 =	vperm.xlane v3, v2;
	v4 =	vadd.s32 v1, v4;
	_ =	sdelay $0x1  }
0x70: {  	v3 =	vadd.s32 v1, v3;
	_ =	sdelay $0x1  }
0x71: {  	s26 =	simm.s32 $0x7800  }
0x72: {  	[tilespmem:s26], [sflag:$0x1] =	stream.indirect_vreg.gather [hbm4b:s1+s3], $0x80, v4, vm0, $0xb8;
	[tilespmem:$0x10800] =	vst v63  }
0x73: {  	s28 =	simm.s32 $0x8000  }
0x74: {  	[tilespmem:s28], [sflag:$0x1] =	stream.indirect_vreg.gather [hbm4b:s1+s3], $0x80, v3, vm0, $0xb8;
	[tilespmem:$0x10800] =	vst v63  }
0x75: {  	_ =	swait.ge [sflag:s23], $0x8000  }
0x76: {  	[sflag:s23] =	ssyncset.done $0x0  }
0x77: {  	[sflag:s23] =	ssyncadd.s32 $0xFFFF8000  }
0x78: {  	v3 =	vld [tilespmem:$0x80];
	_ =	sdelay $0x4  }
0x79: {  	v56 =	vshll.u32 v3, $0x1  }
0x7a: {  	v3 =	vand.u32 $0x7, v3;
	v4 =	vand.u32 $0xFFFFFFF0, v56  }
0x7b: {  	v3 =	vor.u32 v3, v4  }
0x7c: {  	v4 =	vperm.xlane v3, v0;
	_ =	sdelay $0x1  }
0x7d: {  	v3 =	vperm.xlane v3, v2;
	v4 =	vadd.s32 v1, v4;
	_ =	sdelay $0x1  }
0x7e: {  	v3 =	vadd.s32 v1, v3;
	_ =	sdelay $0x2  }
0x7f: {  	[tilespmem:s24], [sflag:$0x1] =	stream.indirect_vreg.gather [hbm4b:s1+s3], $0x80, v4, vm0, $0xb8;
	[tilespmem:$0x10800] =	vst v63  }
0x80: {  	s29 =	simm.s32 $0x9000  }
0x81: {  	[tilespmem:s29], [sflag:$0x1] =	stream.indirect_vreg.gather [hbm4b:s1+s3], $0x80, v3, vm0, $0xb8;
	[tilespmem:$0x10800] =	vst v63  }
0x82: {  	v3 =	vld [tilespmem:$0x90];
	_ =	sdelay $0x4  }
0x83: {  	v57 =	vshll.u32 v3, $0x1  }
0x84: {  	v3 =	vand.u32 $0x7, v3;
	v4 =	vand.u32 $0xFFFFFFF0, v57  }
0x85: {  	v3 =	vor.u32 v3, v4  }
0x86: {  	v4 =	vperm.xlane v3, v0;
	_ =	sdelay $0x1  }
0x87: {  	v3 =	vperm.xlane v3, v2;
	v4 =	vadd.s32 v1, v4;
	_ =	sdelay $0x1  }
0x88: {  	v3 =	vadd.s32 v1, v3;
	_ =	sdelay $0x1  }
0x89: {  	s30 =	simm.s32 $0x9800  }
0x8a: {  	[tilespmem:s30], [sflag:$0x1] =	stream.indirect_vreg.gather [hbm4b:s1+s3], $0x80, v4, vm0, $0xb8;
	[tilespmem:$0x10800] =	vst v63  }
0x8b: {  	s31 =	simm.s32 $0xA000  }
0x8c: {  	[tilespmem:s31], [sflag:$0x1] =	stream.indirect_vreg.gather [hbm4b:s1+s3], $0x80, v3, vm0, $0xb8;
	[tilespmem:$0x10800] =	vst v63  }
0x8d: {  	v3 =	vld [tilespmem:$0xA0];
	_ =	sdelay $0x4  }
0x8e: {  	v58 =	vshll.u32 v3, $0x1  }
0x8f: {  	v3 =	vand.u32 $0x7, v3;
	v4 =	vand.u32 $0xFFFFFFF0, v58  }
0x90: {  	v3 =	vor.u32 v3, v4  }
0x91: {  	v4 =	vperm.xlane v3, v0;
	_ =	sdelay $0x1  }
0x92: {  	v3 =	vperm.xlane v3, v2;
	v4 =	vadd.s32 v1, v4;
	_ =	sdelay $0x1  }
0x93: {  	v3 =	vadd.s32 v1, v3;
	_ =	sdelay $0x1  }
0x94: {  	s5 =	simm.s32 $0xA800  }
0x95: {  	[tilespmem:s5], [sflag:$0x1] =	stream.indirect_vreg.gather [hbm4b:s1+s3], $0x80, v4, vm0, $0xb8;
	[tilespmem:$0x10800] =	vst v63  }
0x96: {  	s6 =	simm.s32 $0xB000  }
0x97: {  	[tilespmem:s6], [sflag:$0x1] =	stream.indirect_vreg.gather [hbm4b:s1+s3], $0x80, v3, vm0, $0xb8;
	[tilespmem:$0x10800] =	vst v63  }
0x98: {  	v3 =	vld [tilespmem:$0xB0];
	_ =	sdelay $0x4  }
0x99: {  	v59 =	vshll.u32 v3, $0x1  }
0x9a: {  	v3 =	vand.u32 $0x7, v3;
	v4 =	vand.u32 $0xFFFFFFF0, v59  }
0x9b: {  	v3 =	vor.u32 v3, v4  }
0x9c: {  	v4 =	vperm.xlane v3, v0;
	_ =	sdelay $0x1  }
0x9d: {  	v3 =	vperm.xlane v3, v2;
	v4 =	vadd.s32 v1, v4;
	_ =	sdelay $0x1  }
0x9e: {  	v3 =	vadd.s32 v1, v3;
	_ =	sdelay $0x1  }
0x9f: {  	s9 =	simm.s32 $0xB800  }
0xa0: {  	[tilespmem:s9], [sflag:$0x1] =	stream.indirect_vreg.gather [hbm4b:s1+s3], $0x80, v4, vm0, $0xb8;
	[tilespmem:$0x10800] =	vst v63  }
0xa1: {  	s10 =	simm.s32 $0xC000  }
0xa2: {  	[tilespmem:s10], [sflag:$0x1] =	stream.indirect_vreg.gather [hbm4b:s1+s3], $0x80, v3, vm0, $0xb8;
	[tilespmem:$0x10800] =	vst v63  }
0xa3: {  	v3 =	vld [tilespmem:$0xC0];
	_ =	sdelay $0x4  }
0xa4: {  	v60 =	vshll.u32 v3, $0x1  }
0xa5: {  	v3 =	vand.u32 $0x7, v3;
	v4 =	vand.u32 $0xFFFFFFF0, v60  }
0xa6: {  	v3 =	vor.u32 v3, v4  }
0xa7: {  	v4 =	vperm.xlane v3, v0;
	_ =	sdelay $0x1  }
0xa8: {  	v3 =	vperm.xlane v3, v2;
	v4 =	vadd.s32 v1, v4;
	_ =	sdelay $0x1  }
0xa9: {  	v3 =	vadd.s32 v1, v3;
	_ =	sdelay $0x1  }
0xaa: {  	s14 =	simm.s32 $0xC800  }
0xab: {  	[tilespmem:s14], [sflag:$0x1] =	stream.indirect_vreg.gather [hbm4b:s1+s3], $0x80, v4, vm0, $0xb8;
	[tilespmem:$0x10800] =	vst v63  }
0xac: {  	s21 =	simm.s32 $0xD000  }
0xad: {  	[tilespmem:s21], [sflag:$0x1] =	stream.indirect_vreg.gather [hbm4b:s1+s3], $0x80, v3, vm0, $0xb8;
	[tilespmem:$0x10800] =	vst v63  }
0xae: {  	v3 =	vld [tilespmem:$0xD0];
	_ =	sdelay $0x4  }
0xaf: {  	v61 =	vshll.u32 v3, $0x1  }
0xb0: {  	v3 =	vand.u32 $0x7, v3;
	v4 =	vand.u32 $0xFFFFFFF0, v61  }
0xb1: {  	v3 =	vor.u32 v3, v4  }
0xb2: {  	v4 =	vperm.xlane v3, v0;
	_ =	sdelay $0x1  }
0xb3: {  	v3 =	vperm.xlane v3, v2;
	v4 =	vadd.s32 v1, v4;
	_ =	sdelay $0x1  }
0xb4: {  	v3 =	vadd.s32 v1, v3;
	_ =	sdelay $0x1  }
0xb5: {  	s22 =	simm.s32 $0xD800  }
0xb6: {  	[tilespmem:s22], [sflag:$0x1] =	stream.indirect_vreg.gather [hbm4b:s1+s3], $0x80, v4, vm0, $0xb8;
	[tilespmem:$0x10800] =	vst v63  }
0xb7: {  	s25 =	simm.s32 $0xE000  }
0xb8: {  	[tilespmem:s25], [sflag:$0x1] =	stream.indirect_vreg.gather [hbm4b:s1+s3], $0x80, v3, vm0, $0xb8;
	[tilespmem:$0x10800] =	vst v63  }
0xb9: {  	v3 =	vld [tilespmem:$0xE0];
	_ =	sdelay $0x4  }
0xba: {  	v62 =	vshll.u32 v3, $0x1  }
0xbb: {  	v3 =	vand.u32 $0x7, v3;
	v4 =	vand.u32 $0xFFFFFFF0, v62  }
0xbc: {  	v3 =	vor.u32 v3, v4  }
0xbd: {  	v4 =	vperm.xlane v3, v0;
	_ =	sdelay $0x1  }
0xbe: {  	v3 =	vperm.xlane v3, v2;
	v4 =	vadd.s32 v1, v4;
	_ =	sdelay $0x1  }
0xbf: {  	v3 =	vadd.s32 v1, v3;
	_ =	sdelay $0x1  }
0xc0: {  	s26 =	simm.s32 $0xE800  }
0xc1: {  	[tilespmem:s26], [sflag:$0x1] =	stream.indirect_vreg.gather [hbm4b:s1+s3], $0x80, v4, vm0, $0xb8;
	[tilespmem:$0x10800] =	vst v63  }
0xc2: {  	s28 =	simm.s32 $0xF000  }
0xc3: {  	[tilespmem:s28], [sflag:$0x1] =	stream.indirect_vreg.gather [hbm4b:s1+s3], $0x80, v3, vm0, $0xb8;
	[tilespmem:$0x10800] =	vst v63  }
0xc4: {  	v3 =	vld [tilespmem:$0xF0];
	_ =	sdelay $0x4  }
0xc5: {  	v63 =	vshll.u32 v3, $0x1  }
0xc6: {  	v3 =	vand.u32 $0x7, v3;
	v4 =	vand.u32 $0xFFFFFFF0, v63  }
0xc7: {  	v3 =	vor.u32 v3, v4  }
0xc8: {  	v4 =	vperm.xlane v3, v0;
	_ =	sdelay $0x1  }
0xc9: {  	v3 =	vperm.xlane v3, v2;
	v4 =	vadd.s32 v1, v4;
	_ =	sdelay $0x1  }
0xca: {  	v3 =	vadd.s32 v1, v3;
	_ =	sdelay $0x1  }
0xcb: {  	s29 =	simm.s32 $0xF800  }
0xcc: {  	[tilespmem:s29], [sflag:$0x1] =	stream.indirect_vreg.gather [hbm4b:s1+s3], $0x80, v4, vm0, $0xb8;
	[tilespmem:$0x10800] =	vst v63  }
0xcd: {  	s30 =	simm.s32 $0x10000  }
0xce: {  	[tilespmem:s30], [sflag:$0x1] =	stream.indirect_vreg.gather [hbm4b:s1+s3], $0x80, v3, vm0, $0xb8;
	[tilespmem:$0x10800] =	vst v63  }
0xcf: {  	s31 =	rddreg [dreg:$0x14]  }
0xd0: {  	[hbm4b:s31+s3] =	stream.linear.scatter [tilespmem:s7], [sflag:$0x2], $0x8000, $0x38;
	[tilespmem:$0x10800] =	vst v63  }
0xd1: {  	_ =	swait.ge [sflag:s23], $0x8000  }
0xd2: {  	[sflag:s23] =	ssyncset.done $0x0  }
0xd3: {  	[sflag:s23] =	ssyncadd.s32 $0xFFFF8000  }
0xd4: {  	_ =	swait.ge [sflag:s13], $0x8000  }
0xd5: {  	[sflag:s13] =	ssyncset.done $0x0  }
0xd6: {  	[sflag:s13] =	ssyncadd.s32 $0xFFFF8000  }
0xd7: {  	v3 =	vld [tilespmem:$0x100];
	_ =	sdelay $0x4  }
0xd8: {  	v8 =	vshll.u32 v3, $0x1  }
0xd9: {  	v3 =	vand.u32 $0x7, v3;
	v4 =	vand.u32 $0xFFFFFFF0, v8  }
0xda: {  	v3 =	vor.u32 v3, v4  }
0xdb: {  	v4 =	vperm.xlane v3, v0;
	_ =	sdelay $0x1  }
0xdc: {  	v3 =	vperm.xlane v3, v2;
	v4 =	vadd.s32 v1, v4;
	_ =	sdelay $0x1  }
0xdd: {  	v3 =	vadd.s32 v1, v3;
	_ =	sdelay $0x2  }
0xde: {  	[tilespmem:s7], [sflag:$0x1] =	stream.indirect_vreg.gather [hbm4b:s1+s3], $0x80, v4, vm0, $0xb8;
	[tilespmem:$0x10800] =	vst v63  }
0xdf: {  	s8 =	simm.s32 $0x1000  }
0xe0: {  	[tilespmem:s8], [sflag:$0x1] =	stream.indirect_vreg.gather [hbm4b:s1+s3], $0x80, v3, vm0, $0xb8;
	[tilespmem:$0x10800] =	vst v63  }
0xe1: {  	v3 =	vld [tilespmem:$0x110];
	_ =	sdelay $0x4  }
0xe2: {  	v9 =	vshll.u32 v3, $0x1  }
0xe3: {  	v3 =	vand.u32 $0x7, v3;
	v4 =	vand.u32 $0xFFFFFFF0, v9  }
0xe4: {  	v3 =	vor.u32 v3, v4  }
0xe5: {  	v4 =	vperm.xlane v3, v0;
	_ =	sdelay $0x1  }
0xe6: {  	v3 =	vperm.xlane v3, v2;
	v4 =	vadd.s32 v1, v4;
	_ =	sdelay $0x1  }
0xe7: {  	v3 =	vadd.s32 v1, v3;
	_ =	sdelay $0x1  }
0xe8: {  	s12 =	simm.s32 $0x1800  }
0xe9: {  	[tilespmem:s12], [sflag:$0x1] =	stream.indirect_vreg.gather [hbm4b:s1+s3], $0x80, v4, vm0, $0xb8;
	[tilespmem:$0x10800] =	vst v63  }
0xea: {  	s15 =	simm.s32 $0x2000  }
0xeb: {  	[tilespmem:s15], [sflag:$0x1] =	stream.indirect_vreg.gather [hbm4b:s1+s3], $0x80, v3, vm0, $0xb8;
	[tilespmem:$0x10800] =	vst v63  }
0xec: {  	v3 =	vld [tilespmem:$0x120];
	_ =	sdelay $0x4  }
0xed: {  	v10 =	vshll.u32 v3, $0x1  }
0xee: {  	v3 =	vand.u32 $0x7, v3;
	v4 =	vand.u32 $0xFFFFFFF0, v10  }
0xef: {  	v3 =	vor.u32 v3, v4  }
0xf0: {  	v4 =	vperm.xlane v3, v0;
	_ =	sdelay $0x1  }
0xf1: {  	v3 =	vperm.xlane v3, v2;
	v4 =	vadd.s32 v1, v4;
	_ =	sdelay $0x1  }
0xf2: {  	v3 =	vadd.s32 v1, v3;
	_ =	sdelay $0x1  }
0xf3: {  	s16 =	simm.s32 $0x2800  }
0xf4: {  	[tilespmem:s16], [sflag:$0x1] =	stream.indirect_vreg.gather [hbm4b:s1+s3], $0x80, v4, vm0, $0xb8;
	[tilespmem:$0x10800] =	vst v63  }
0xf5: {  	s17 =	simm.s32 $0x3000  }
0xf6: {  	[tilespmem:s17], [sflag:$0x1] =	stream.indirect_vreg.gather [hbm4b:s1+s3], $0x80, v3, vm0, $0xb8;
	[tilespmem:$0x10800] =	vst v63  }
0xf7: {  	v3 =	vld [tilespmem:$0x130];
	_ =	sdelay $0x4  }
0xf8: {  	v11 =	vshll.u32 v3, $0x1  }
0xf9: {  	v3 =	vand.u32 $0x7, v3;
	v4 =	vand.u32 $0xFFFFFFF0, v11  }
0xfa: {  	v3 =	vor.u32 v3, v4  }
0xfb: {  	v4 =	vperm.xlane v3, v0;
	_ =	sdelay $0x1  }
0xfc: {  	v3 =	vperm.xlane v3, v2;
	v4 =	vadd.s32 v1, v4;
	_ =	sdelay $0x1  }
0xfd: {  	v3 =	vadd.s32 v1, v3;
	_ =	sdelay $0x1  }
0xfe: {  	s18 =	simm.s32 $0x3800  }
0xff: {  	[tilespmem:s18], [sflag:$0x1] =	stream.indirect_vreg.gather [hbm4b:s1+s3], $0x80, v4, vm0, $0xb8;
	[tilespmem:$0x10800] =	vst v63  }
0x100: {  	s19 =	simm.s32 $0x4000  }
0x101: {  	[tilespmem:s19], [sflag:$0x1] =	stream.indirect_vreg.gather [hbm4b:s1+s3], $0x80, v3, vm0, $0xb8;
	[tilespmem:$0x10800] =	vst v63  }
0x102: {  	v3 =	vld [tilespmem:$0x140];
	_ =	sdelay $0x4  }
0x103: {  	v12 =	vshll.u32 v3, $0x1  }
0x104: {  	v3 =	vand.u32 $0x7, v3;
	v4 =	vand.u32 $0xFFFFFFF0, v12  }
0x105: {  	v3 =	vor.u32 v3, v4  }
0x106: {  	v4 =	vperm.xlane v3, v0;
	_ =	sdelay $0x1  }
0x107: {  	v3 =	vperm.xlane v3, v2;
	v4 =	vadd.s32 v1, v4;
	_ =	sdelay $0x1  }
0x108: {  	v3 =	vadd.s32 v1, v3;
	_ =	sdelay $0x1  }
0x109: {  	s20 =	simm.s32 $0x4800  }
0x10a: {  	[tilespmem:s20], [sflag:$0x1] =	stream.indirect_vreg.gather [hbm4b:s1+s3], $0x80, v4, vm0, $0xb8;
	[tilespmem:$0x10800] =	vst v63  }
0x10b: {  	s25 =	simm.s32 $0x5000  }
0x10c: {  	[tilespmem:s25], [sflag:$0x1] =	stream.indirect_vreg.gather [hbm4b:s1+s3], $0x80, v3, vm0, $0xb8;
	[tilespmem:$0x10800] =	vst v63  }
0x10d: {  	v3 =	vld [tilespmem:$0x150];
	_ =	sdelay $0x4  }
0x10e: {  	v13 =	vshll.u32 v3, $0x1  }
0x10f: {  	v3 =	vand.u32 $0x7, v3;
	v4 =	vand.u32 $0xFFFFFFF0, v13  }
0x110: {  	v3 =	vor.u32 v3, v4  }
0x111: {  	v4 =	vperm.xlane v3, v0;
	_ =	sdelay $0x1  }
0x112: {  	v3 =	vperm.xlane v3, v2;
	v4 =	vadd.s32 v1, v4;
	_ =	sdelay $0x1  }
0x113: {  	v3 =	vadd.s32 v1, v3;
	_ =	sdelay $0x1  }
0x114: {  	s26 =	simm.s32 $0x5800  }
0x115: {  	[tilespmem:s26], [sflag:$0x1] =	stream.indirect_vreg.gather [hbm4b:s1+s3], $0x80, v4, vm0, $0xb8;
	[tilespmem:$0x10800] =	vst v63  }
0x116: {  	s28 =	simm.s32 $0x6000  }
0x117: {  	[tilespmem:s28], [sflag:$0x1] =	stream.indirect_vreg.gather [hbm4b:s1+s3], $0x80, v3, vm0, $0xb8;
	[tilespmem:$0x10800] =	vst v63  }
0x118: {  	v3 =	vld [tilespmem:$0x160];
	_ =	sdelay $0x4  }
0x119: {  	v14 =	vshll.u32 v3, $0x1  }
0x11a: {  	v3 =	vand.u32 $0x7, v3;
	v4 =	vand.u32 $0xFFFFFFF0, v14  }
0x11b: {  	v3 =	vor.u32 v3, v4  }
0x11c: {  	v4 =	vperm.xlane v3, v0;
	_ =	sdelay $0x1  }
0x11d: {  	v3 =	vperm.xlane v3, v2;
	v4 =	vadd.s32 v1, v4;
	_ =	sdelay $0x1  }
0x11e: {  	v3 =	vadd.s32 v1, v3;
	_ =	sdelay $0x1  }
0x11f: {  	s29 =	simm.s32 $0x6800  }
0x120: {  	[tilespmem:s29], [sflag:$0x1] =	stream.indirect_vreg.gather [hbm4b:s1+s3], $0x80, v4, vm0, $0xb8;
	[tilespmem:$0x10800] =	vst v63  }
0x121: {  	s30 =	simm.s32 $0x7000  }
0x122: {  	[tilespmem:s30], [sflag:$0x1] =	stream.indirect_vreg.gather [hbm4b:s1+s3], $0x80, v3, vm0, $0xb8;
	[tilespmem:$0x10800] =	vst v63  }
0x123: {  	v3 =	vld [tilespmem:$0x170];
	_ =	sdelay $0x4  }
0x124: {  	v15 =	vshll.u32 v3, $0x1  }
0x125: {  	v3 =	vand.u32 $0x7, v3;
	v4 =	vand.u32 $0xFFFFFFF0, v15  }
0x126: {  	v3 =	vor.u32 v3, v4  }
0x127: {  	v4 =	vperm.xlane v3, v0;
	_ =	sdelay $0x1  }
0x128: {  	v3 =	vperm.xlane v3, v2;
	v4 =	vadd.s32 v1, v4;
	_ =	sdelay $0x1  }
0x129: {  	v3 =	vadd.s32 v1, v3;
	_ =	sdelay $0x1  }
0x12a: {  	s31 =	simm.s32 $0x7800  }
0x12b: {  	[tilespmem:s31], [sflag:$0x1] =	stream.indirect_vreg.gather [hbm4b:s1+s3], $0x80, v4, vm0, $0xb8;
	[tilespmem:$0x10800] =	vst v63  }
0x12c: {  	s2 =	simm.s32 $0x8000  }
0x12d: {  	[tilespmem:s2], [sflag:$0x1] =	stream.indirect_vreg.gather [hbm4b:s1+s3], $0x80, v3, vm0, $0xb8;
	[tilespmem:$0x10800] =	vst v63  }
0x12e: {  	s19 =	rddreg [dreg:$0x5]  }
0x12f: {  	[hbm4b:s19+s3] =	stream.linear.scatter [tilespmem:s24], [sflag:$0x2], $0x8000, $0x38;
	[tilespmem:$0x10800] =	vst v63  }
0x130: {  	_ =	swait.ge [sflag:s23], $0x8000  }
0x131: {  	[sflag:s23] =	ssyncset.done $0x0  }
0x132: {  	[sflag:s23] =	ssyncadd.s32 $0xFFFF8000  }
0x133: {  	_ =	swait.ge [sflag:s13], $0x8000  }
0x134: {  	[sflag:s13] =	ssyncset.done $0x0  }
0x135: {  	[sflag:s13] =	ssyncadd.s32 $0xFFFF8000  }
0x136: {  	v3 =	vld [tilespmem:$0x180];
	_ =	sdelay $0x4  }
0x137: {  	v16 =	vshll.u32 v3, $0x1  }
0x138: {  	v3 =	vand.u32 $0x7, v3;
	v4 =	vand.u32 $0xFFFFFFF0, v16  }
0x139: {  	v3 =	vor.u32 v3, v4  }
0x13a: {  	v4 =	vperm.xlane v3, v0;
	_ =	sdelay $0x1  }
0x13b: {  	v3 =	vperm.xlane v3, v2;
	v4 =	vadd.s32 v1, v4;
	_ =	sdelay $0x1  }
0x13c: {  	v3 =	vadd.s32 v1, v3;
	_ =	sdelay $0x2  }
0x13d: {  	[tilespmem:s24], [sflag:$0x1] =	stream.indirect_vreg.gather [hbm4b:s1+s3], $0x80, v4, vm0, $0xb8;
	[tilespmem:$0x10800] =	vst v63  }
0x13e: {  	s8 =	simm.s32 $0x9000  }
0x13f: {  	[tilespmem:s8], [sflag:$0x1] =	stream.indirect_vreg.gather [hbm4b:s1+s3], $0x80, v3, vm0, $0xb8;
	[tilespmem:$0x10800] =	vst v63  }
0x140: {  	v3 =	vld [tilespmem:$0x190];
	_ =	sdelay $0x4  }
0x141: {  	v17 =	vshll.u32 v3, $0x1  }
0x142: {  	v3 =	vand.u32 $0x7, v3;
	v4 =	vand.u32 $0xFFFFFFF0, v17  }
0x143: {  	v3 =	vor.u32 v3, v4  }
0x144: {  	v4 =	vperm.xlane v3, v0;
	_ =	sdelay $0x1  }
0x145: {  	v3 =	vperm.xlane v3, v2;
	v4 =	vadd.s32 v1, v4;
	_ =	sdelay $0x1  }
0x146: {  	v3 =	vadd.s32 v1, v3;
	_ =	sdelay $0x1  }
0x147: {  	s4 =	simm.s32 $0x9800  }
0x148: {  	[tilespmem:s4], [sflag:$0x1] =	stream.indirect_vreg.gather [hbm4b:s1+s3], $0x80, v4, vm0, $0xb8;
	[tilespmem:$0x10800] =	vst v63  }
0x149: {  	s11 =	simm.s32 $0xA000  }
0x14a: {  	[tilespmem:s11], [sflag:$0x1] =	stream.indirect_vreg.gather [hbm4b:s1+s3], $0x80, v3, vm0, $0xb8;
	[tilespmem:$0x10800] =	vst v63  }
0x14b: {  	v3 =	vld [tilespmem:$0x1A0];
	_ =	sdelay $0x4  }
0x14c: {  	v18 =	vshll.u32 v3, $0x1  }
0x14d: {  	v3 =	vand.u32 $0x7, v3;
	v4 =	vand.u32 $0xFFFFFFF0, v18  }
0x14e: {  	v3 =	vor.u32 v3, v4  }
0x14f: {  	v4 =	vperm.xlane v3, v0;
	_ =	sdelay $0x1  }
0x150: {  	v3 =	vperm.xlane v3, v2;
	v4 =	vadd.s32 v1, v4;
	_ =	sdelay $0x1  }
0x151: {  	v3 =	vadd.s32 v1, v3;
	_ =	sdelay $0x1  }
0x152: {  	s5 =	simm.s32 $0xA800  }
0x153: {  	[tilespmem:s5], [sflag:$0x1] =	stream.indirect_vreg.gather [hbm4b:s1+s3], $0x80, v4, vm0, $0xb8;
	[tilespmem:$0x10800] =	vst v63  }
0x154: {  	s12 =	simm.s32 $0xB000  }
0x155: {  	[tilespmem:s12], [sflag:$0x1] =	stream.indirect_vreg.gather [hbm4b:s1+s3], $0x80, v3, vm0, $0xb8;
	[tilespmem:$0x10800] =	vst v63  }
0x156: {  	v3 =	vld [tilespmem:$0x1B0];
	_ =	sdelay $0x4  }
0x157: {  	v19 =	vshll.u32 v3, $0x1  }
0x158: {  	v3 =	vand.u32 $0x7, v3;
	v4 =	vand.u32 $0xFFFFFFF0, v19  }
0x159: {  	v3 =	vor.u32 v3, v4  }
0x15a: {  	v4 =	vperm.xlane v3, v0;
	_ =	sdelay $0x1  }
0x15b: {  	v3 =	vperm.xlane v3, v2;
	v4 =	vadd.s32 v1, v4;
	_ =	sdelay $0x1  }
0x15c: {  	v3 =	vadd.s32 v1, v3;
	_ =	sdelay $0x1  }
0x15d: {  	s9 =	simm.s32 $0xB800  }
0x15e: {  	[tilespmem:s9], [sflag:$0x1] =	stream.indirect_vreg.gather [hbm4b:s1+s3], $0x80, v4, vm0, $0xb8;
	[tilespmem:$0x10800] =	vst v63  }
0x15f: {  	s2 =	simm.s32 $0xC000  }
0x160: {  	[tilespmem:s2], [sflag:$0x1] =	stream.indirect_vreg.gather [hbm4b:s1+s3], $0x80, v3, vm0, $0xb8;
	[tilespmem:$0x10800] =	vst v63  }
0x161: {  	v3 =	vld [tilespmem:$0x1C0];
	_ =	sdelay $0x4  }
0x162: {  	v20 =	vshll.u32 v3, $0x1  }
0x163: {  	v3 =	vand.u32 $0x7, v3;
	v4 =	vand.u32 $0xFFFFFFF0, v20  }
0x164: {  	v3 =	vor.u32 v3, v4  }
0x165: {  	v4 =	vperm.xlane v3, v0;
	_ =	sdelay $0x1  }
0x166: {  	v3 =	vperm.xlane v3, v2;
	v4 =	vadd.s32 v1, v4;
	_ =	sdelay $0x1  }
0x167: {  	v3 =	vadd.s32 v1, v3;
	_ =	sdelay $0x1  }
0x168: {  	s10 =	simm.s32 $0xC800  }
0x169: {  	[tilespmem:s10], [sflag:$0x1] =	stream.indirect_vreg.gather [hbm4b:s1+s3], $0x80, v4, vm0, $0xb8;
	[tilespmem:$0x10800] =	vst v63  }
0x16a: {  	s9 =	simm.s32 $0xD000  }
0x16b: {  	[tilespmem:s9], [sflag:$0x1] =	stream.indirect_vreg.gather [hbm4b:s1+s3], $0x80, v3, vm0, $0xb8;
	[tilespmem:$0x10800] =	vst v63  }
0x16c: {  	v3 =	vld [tilespmem:$0x1D0];
	_ =	sdelay $0x4  }
0x16d: {  	v21 =	vshll.u32 v3, $0x1  }
0x16e: {  	v3 =	vand.u32 $0x7, v3;
	v4 =	vand.u32 $0xFFFFFFF0, v21  }
0x16f: {  	v3 =	vor.u32 v3, v4  }
0x170: {  	v4 =	vperm.xlane v3, v0;
	_ =	sdelay $0x1  }
0x171: {  	v3 =	vperm.xlane v3, v2;
	v4 =	vadd.s32 v1, v4;
	_ =	sdelay $0x1  }
0x172: {  	v3 =	vadd.s32 v1, v3;
	_ =	sdelay $0x1  }
0x173: {  	s5 =	simm.s32 $0xD800  }
0x174: {  	[tilespmem:s5], [sflag:$0x1] =	stream.indirect_vreg.gather [hbm4b:s1+s3], $0x80, v4, vm0, $0xb8;
	[tilespmem:$0x10800] =	vst v63  }
0x175: {  	s10 =	simm.s32 $0xE000  }
0x176: {  	[tilespmem:s10], [sflag:$0x1] =	stream.indirect_vreg.gather [hbm4b:s1+s3], $0x80, v3, vm0, $0xb8;
	[tilespmem:$0x10800] =	vst v63  }
0x177: {  	v3 =	vld [tilespmem:$0x1E0];
	_ =	sdelay $0x4  }
0x178: {  	v22 =	vshll.u32 v3, $0x1  }
0x179: {  	v3 =	vand.u32 $0x7, v3;
	v4 =	vand.u32 $0xFFFFFFF0, v22  }
0x17a: {  	v3 =	vor.u32 v3, v4  }
0x17b: {  	v4 =	vperm.xlane v3, v0;
	_ =	sdelay $0x1  }
0x17c: {  	v3 =	vperm.xlane v3, v2;
	v4 =	vadd.s32 v1, v4;
	_ =	sdelay $0x1  }
0x17d: {  	v3 =	vadd.s32 v1, v3;
	_ =	sdelay $0x1  }
0x17e: {  	s4 =	simm.s32 $0xE800  }
0x17f: {  	[tilespmem:s4], [sflag:$0x1] =	stream.indirect_vreg.gather [hbm4b:s1+s3], $0x80, v4, vm0, $0xb8;
	[tilespmem:$0x10800] =	vst v63  }
0x180: {  	s11 =	simm.s32 $0xF000  }
0x181: {  	[tilespmem:s11], [sflag:$0x1] =	stream.indirect_vreg.gather [hbm4b:s1+s3], $0x80, v3, vm0, $0xb8;
	[tilespmem:$0x10800] =	vst v63  }
0x182: {  	v3 =	vld [tilespmem:$0x1F0];
	_ =	sdelay $0x4  }
0x183: {  	v23 =	vshll.u32 v3, $0x1  }
0x184: {  	v3 =	vand.u32 $0x7, v3;
	v4 =	vand.u32 $0xFFFFFFF0, v23  }
0x185: {  	v3 =	vor.u32 v3, v4  }
0x186: {  	v4 =	vperm.xlane v3, v0;
	_ =	sdelay $0x1  }
0x187: {  	v3 =	vperm.xlane v3, v2;
	v4 =	vadd.s32 v1, v4;
	_ =	sdelay $0x1  }
0x188: {  	v3 =	vadd.s32 v1, v3;
	_ =	sdelay $0x1  }
0x189: {  	s6 =	simm.s32 $0xF800  }
0x18a: {  	[tilespmem:s6], [sflag:$0x1] =	stream.indirect_vreg.gather [hbm4b:s1+s3], $0x80, v4, vm0, $0xb8;
	[tilespmem:$0x10800] =	vst v63  }
0x18b: {  	s0 =	simm.s32 $0x10000  }
0x18c: {  	[tilespmem:s0], [sflag:$0x1] =	stream.indirect_vreg.gather [hbm4b:s1+s3], $0x80, v3, vm0, $0xb8;
	[tilespmem:$0x10800] =	vst v63  }
0x18d: {  	s14 =	rddreg [dreg:$0x6]  }
0x18e: {  	[hbm4b:s14+s3] =	stream.linear.scatter [tilespmem:s7], [sflag:$0x2], $0x8000, $0x38;
	[tilespmem:$0x10800] =	vst v63  }
0x18f: {  	_ =	swait.ge [sflag:s23], $0x8000  }
0x190: {  	[sflag:s23] =	ssyncset.done $0x0  }
0x191: {  	[sflag:s23] =	ssyncadd.s32 $0xFFFF8000  }
0x192: {  	_ =	swait.ge [sflag:s13], $0x8000  }
0x193: {  	[sflag:s13] =	ssyncset.done $0x0  }
0x194: {  	[sflag:s13] =	ssyncadd.s32 $0xFFFF8000  }
0x195: {  	v3 =	vld [tilespmem:$0x200];
	_ =	sdelay $0x4  }
0x196: {  	v24 =	vshll.u32 v3, $0x1  }
0x197: {  	v3 =	vand.u32 $0x7, v3;
	v4 =	vand.u32 $0xFFFFFFF0, v24  }
0x198: {  	v3 =	vor.u32 v3, v4  }
0x199: {  	v4 =	vperm.xlane v3, v0;
	_ =	sdelay $0x1  }
0x19a: {  	v3 =	vperm.xlane v3, v2;
	v4 =	vadd.s32 v1, v4;
	_ =	sdelay $0x1  }
0x19b: {  	v3 =	vadd.s32 v1, v3;
	_ =	sdelay $0x2  }
0x19c: {  	[tilespmem:s7], [sflag:$0x1] =	stream.indirect_vreg.gather [hbm4b:s1+s3], $0x80, v4, vm0, $0xb8;
	[tilespmem:$0x10800] =	vst v63  }
0x19d: {  	s21 =	simm.s32 $0x1000  }
0x19e: {  	[tilespmem:s21], [sflag:$0x1] =	stream.indirect_vreg.gather [hbm4b:s1+s3], $0x80, v3, vm0, $0xb8;
	[tilespmem:$0x10800] =	vst v63  }
0x19f: {  	v3 =	vld [tilespmem:$0x210];
	_ =	sdelay $0x4  }
0x1a0: {  	v25 =	vshll.u32 v3, $0x1  }
0x1a1: {  	v3 =	vand.u32 $0x7, v3;
	v4 =	vand.u32 $0xFFFFFFF0, v25  }
0x1a2: {  	v3 =	vor.u32 v3, v4  }
0x1a3: {  	v4 =	vperm.xlane v3, v0;
	_ =	sdelay $0x1  }
0x1a4: {  	v3 =	vperm.xlane v3, v2;
	v4 =	vadd.s32 v1, v4;
	_ =	sdelay $0x1  }
0x1a5: {  	v3 =	vadd.s32 v1, v3;
	_ =	sdelay $0x1  }
0x1a6: {  	s22 =	simm.s32 $0x1800  }
0x1a7: {  	[tilespmem:s22], [sflag:$0x1] =	stream.indirect_vreg.gather [hbm4b:s1+s3], $0x80, v4, vm0, $0xb8;
	[tilespmem:$0x10800] =	vst v63  }
0x1a8: {  	s15 =	simm.s32 $0x2000  }
0x1a9: {  	[tilespmem:s15], [sflag:$0x1] =	stream.indirect_vreg.gather [hbm4b:s1+s3], $0x80, v3, vm0, $0xb8;
	[tilespmem:$0x10800] =	vst v63  }
0x1aa: {  	v3 =	vld [tilespmem:$0x220];
	_ =	sdelay $0x4  }
0x1ab: {  	v26 =	vshll.u32 v3, $0x1  }
0x1ac: {  	v3 =	vand.u32 $0x7, v3;
	v4 =	vand.u32 $0xFFFFFFF0, v26  }
0x1ad: {  	v3 =	vor.u32 v3, v4  }
0x1ae: {  	v4 =	vperm.xlane v3, v0;
	_ =	sdelay $0x1  }
0x1af: {  	v3 =	vperm.xlane v3, v2;
	v4 =	vadd.s32 v1, v4;
	_ =	sdelay $0x1  }
0x1b0: {  	v3 =	vadd.s32 v1, v3;
	_ =	sdelay $0x1  }
0x1b1: {  	s21 =	simm.s32 $0x2800  }
0x1b2: {  	[tilespmem:s21], [sflag:$0x1] =	stream.indirect_vreg.gather [hbm4b:s1+s3], $0x80, v4, vm0, $0xb8;
	[tilespmem:$0x10800] =	vst v63  }
0x1b3: {  	s22 =	simm.s32 $0x3000  }
0x1b4: {  	[tilespmem:s22], [sflag:$0x1] =	stream.indirect_vreg.gather [hbm4b:s1+s3], $0x80, v3, vm0, $0xb8;
	[tilespmem:$0x10800] =	vst v63  }
0x1b5: {  	v3 =	vld [tilespmem:$0x230];
	_ =	sdelay $0x4  }
0x1b6: {  	v27 =	vshll.u32 v3, $0x1  }
0x1b7: {  	v3 =	vand.u32 $0x7, v3;
	v4 =	vand.u32 $0xFFFFFFF0, v27  }
0x1b8: {  	v3 =	vor.u32 v3, v4  }
0x1b9: {  	v4 =	vperm.xlane v3, v0;
	_ =	sdelay $0x1  }
0x1ba: {  	v3 =	vperm.xlane v3, v2;
	v4 =	vadd.s32 v1, v4;
	_ =	sdelay $0x1  }
0x1bb: {  	v3 =	vadd.s32 v1, v3;
	_ =	sdelay $0x1  }
0x1bc: {  	s15 =	simm.s32 $0x3800  }
0x1bd: {  	[tilespmem:s15], [sflag:$0x1] =	stream.indirect_vreg.gather [hbm4b:s1+s3], $0x80, v4, vm0, $0xb8;
	[tilespmem:$0x10800] =	vst v63  }
0x1be: {  	s21 =	simm.s32 $0x4000  }
0x1bf: {  	[tilespmem:s21], [sflag:$0x1] =	stream.indirect_vreg.gather [hbm4b:s1+s3], $0x80, v3, vm0, $0xb8;
	[tilespmem:$0x10800] =	vst v63  }
0x1c0: {  	v3 =	vld [tilespmem:$0x240];
	_ =	sdelay $0x4  }
0x1c1: {  	v28 =	vshll.u32 v3, $0x1  }
0x1c2: {  	v3 =	vand.u32 $0x7, v3;
	v4 =	vand.u32 $0xFFFFFFF0, v28  }
0x1c3: {  	v3 =	vor.u32 v3, v4  }
0x1c4: {  	v4 =	vperm.xlane v3, v0;
	_ =	sdelay $0x1  }
0x1c5: {  	v3 =	vperm.xlane v3, v2;
	v4 =	vadd.s32 v1, v4;
	_ =	sdelay $0x1  }
0x1c6: {  	v3 =	vadd.s32 v1, v3;
	_ =	sdelay $0x1  }
0x1c7: {  	s22 =	simm.s32 $0x4800  }
0x1c8: {  	[tilespmem:s22], [sflag:$0x1] =	stream.indirect_vreg.gather [hbm4b:s1+s3], $0x80, v4, vm0, $0xb8;
	[tilespmem:$0x10800] =	vst v63  }
0x1c9: {  	_ = 	snop  }
0x1ca: {  	[tilespmem:s25], [sflag:$0x1] =	stream.indirect_vreg.gather [hbm4b:s1+s3], $0x80, v3, vm0, $0xb8;
	[tilespmem:$0x10800] =	vst v63  }
0x1cb: {  	v3 =	vld [tilespmem:$0x250];
	_ =	sdelay $0x4  }
0x1cc: {  	v29 =	vshll.u32 v3, $0x1  }
0x1cd: {  	v3 =	vand.u32 $0x7, v3;
	v4 =	vand.u32 $0xFFFFFFF0, v29  }
0x1ce: {  	v3 =	vor.u32 v3, v4  }
0x1cf: {  	v4 =	vperm.xlane v3, v0;
	_ =	sdelay $0x1  }
0x1d0: {  	v3 =	vperm.xlane v3, v2;
	v4 =	vadd.s32 v1, v4;
	_ =	sdelay $0x1  }
0x1d1: {  	v3 =	vadd.s32 v1, v3;
	_ =	sdelay $0x2  }
0x1d2: {  	[tilespmem:s26], [sflag:$0x1] =	stream.indirect_vreg.gather [hbm4b:s1+s3], $0x80, v4, vm0, $0xb8;
	[tilespmem:$0x10800] =	vst v63  }
0x1d3: {  	_ = 	snop  }
0x1d4: {  	[tilespmem:s28], [sflag:$0x1] =	stream.indirect_vreg.gather [hbm4b:s1+s3], $0x80, v3, vm0, $0xb8;
	[tilespmem:$0x10800] =	vst v63  }
0x1d5: {  	v3 =	vld [tilespmem:$0x260];
	_ =	sdelay $0x4  }
0x1d6: {  	v30 =	vshll.u32 v3, $0x1  }
0x1d7: {  	v3 =	vand.u32 $0x7, v3;
	v4 =	vand.u32 $0xFFFFFFF0, v30  }
0x1d8: {  	v3 =	vor.u32 v3, v4  }
0x1d9: {  	v4 =	vperm.xlane v3, v0;
	_ =	sdelay $0x1  }
0x1da: {  	v3 =	vperm.xlane v3, v2;
	v4 =	vadd.s32 v1, v4;
	_ =	sdelay $0x1  }
0x1db: {  	v3 =	vadd.s32 v1, v3;
	_ =	sdelay $0x2  }
0x1dc: {  	[tilespmem:s29], [sflag:$0x1] =	stream.indirect_vreg.gather [hbm4b:s1+s3], $0x80, v4, vm0, $0xb8;
	[tilespmem:$0x10800] =	vst v63  }
0x1dd: {  	_ = 	snop  }
0x1de: {  	[tilespmem:s30], [sflag:$0x1] =	stream.indirect_vreg.gather [hbm4b:s1+s3], $0x80, v3, vm0, $0xb8;
	[tilespmem:$0x10800] =	vst v63  }
0x1df: {  	v3 =	vld [tilespmem:$0x270];
	_ =	sdelay $0x4  }
0x1e0: {  	v31 =	vshll.u32 v3, $0x1  }
0x1e1: {  	v3 =	vand.u32 $0x7, v3;
	v4 =	vand.u32 $0xFFFFFFF0, v31  }
0x1e2: {  	v3 =	vor.u32 v3, v4  }
0x1e3: {  	v4 =	vperm.xlane v3, v0;
	_ =	sdelay $0x1  }
0x1e4: {  	v3 =	vperm.xlane v3, v2;
	v4 =	vadd.s32 v1, v4;
	_ =	sdelay $0x1  }
0x1e5: {  	v3 =	vadd.s32 v1, v3;
	_ =	sdelay $0x2  }
0x1e6: {  	[tilespmem:s31], [sflag:$0x1] =	stream.indirect_vreg.gather [hbm4b:s1+s3], $0x80, v4, vm0, $0xb8;
	[tilespmem:$0x10800] =	vst v63  }
0x1e7: {  	s20 =	simm.s32 $0x8000  }
0x1e8: {  	[tilespmem:s20], [sflag:$0x1] =	stream.indirect_vreg.gather [hbm4b:s1+s3], $0x80, v3, vm0, $0xb8;
	[tilespmem:$0x10800] =	vst v63  }
0x1e9: {  	s29 =	rddreg [dreg:$0x7]  }
0x1ea: {  	[hbm4b:s29+s3] =	stream.linear.scatter [tilespmem:s24], [sflag:$0x2], $0x8000, $0x38;
	[tilespmem:$0x10800] =	vst v63  }
0x1eb: {  	_ =	swait.ge [sflag:s23], $0x8000  }
0x1ec: {  	[sflag:s23] =	ssyncset.done $0x0  }
0x1ed: {  	[sflag:s23] =	ssyncadd.s32 $0xFFFF8000  }
0x1ee: {  	_ =	swait.ge [sflag:s13], $0x8000  }
0x1ef: {  	[sflag:s13] =	ssyncset.done $0x0  }
0x1f0: {  	[sflag:s13] =	ssyncadd.s32 $0xFFFF8000  }
0x1f1: {  	v3 =	vld [tilespmem:$0x280];
	_ =	sdelay $0x4  }
0x1f2: {  	v32 =	vshll.u32 v3, $0x1  }
0x1f3: {  	v3 =	vand.u32 $0x7, v3;
	v4 =	vand.u32 $0xFFFFFFF0, v32  }
0x1f4: {  	v3 =	vor.u32 v3, v4  }
0x1f5: {  	v4 =	vperm.xlane v3, v0;
	_ =	sdelay $0x1  }
0x1f6: {  	v3 =	vperm.xlane v3, v2;
	v4 =	vadd.s32 v1, v4;
	_ =	sdelay $0x1  }
0x1f7: {  	v3 =	vadd.s32 v1, v3;
	_ =	sdelay $0x2  }
0x1f8: {  	[tilespmem:s24], [sflag:$0x1] =	stream.indirect_vreg.gather [hbm4b:s1+s3], $0x80, v4, vm0, $0xb8;
	[tilespmem:$0x10800] =	vst v63  }
0x1f9: {  	_ = 	snop  }
0x1fa: {  	[tilespmem:s8], [sflag:$0x1] =	stream.indirect_vreg.gather [hbm4b:s1+s3], $0x80, v3, vm0, $0xb8;
	[tilespmem:$0x10800] =	vst v63  }
0x1fb: {  	v3 =	vld [tilespmem:$0x290];
	_ =	sdelay $0x4  }
0x1fc: {  	v33 =	vshll.u32 v3, $0x1  }
0x1fd: {  	v3 =	vand.u32 $0x7, v3;
	v4 =	vand.u32 $0xFFFFFFF0, v33  }
0x1fe: {  	v3 =	vor.u32 v3, v4  }
0x1ff: {  	v4 =	vperm.xlane v3, v0;
	_ =	sdelay $0x1  }
0x200: {  	v3 =	vperm.xlane v3, v2;
	v4 =	vadd.s32 v1, v4;
	_ =	sdelay $0x1  }
0x201: {  	v3 =	vadd.s32 v1, v3;
	_ =	sdelay $0x1  }
0x202: {  	s16 =	simm.s32 $0x9800  }
0x203: {  	[tilespmem:s16], [sflag:$0x1] =	stream.indirect_vreg.gather [hbm4b:s1+s3], $0x80, v4, vm0, $0xb8;
	[tilespmem:$0x10800] =	vst v63  }
0x204: {  	s19 =	simm.s32 $0xA000  }
0x205: {  	[tilespmem:s19], [sflag:$0x1] =	stream.indirect_vreg.gather [hbm4b:s1+s3], $0x80, v3, vm0, $0xb8;
	[tilespmem:$0x10800] =	vst v63  }
0x206: {  	v3 =	vld [tilespmem:$0x2A0];
	_ =	sdelay $0x4  }
0x207: {  	v34 =	vshll.u32 v3, $0x1  }
0x208: {  	v3 =	vand.u32 $0x7, v3;
	v4 =	vand.u32 $0xFFFFFFF0, v34  }
0x209: {  	v3 =	vor.u32 v3, v4  }
0x20a: {  	v4 =	vperm.xlane v3, v0;
	_ =	sdelay $0x1  }
0x20b: {  	v3 =	vperm.xlane v3, v2;
	v4 =	vadd.s32 v1, v4;
	_ =	sdelay $0x1  }
0x20c: {  	v3 =	vadd.s32 v1, v3;
	_ =	sdelay $0x1  }
0x20d: {  	s17 =	simm.s32 $0xA800  }
0x20e: {  	[tilespmem:s17], [sflag:$0x1] =	stream.indirect_vreg.gather [hbm4b:s1+s3], $0x80, v4, vm0, $0xb8;
	[tilespmem:$0x10800] =	vst v63  }
0x20f: {  	_ = 	snop  }
0x210: {  	[tilespmem:s12], [sflag:$0x1] =	stream.indirect_vreg.gather [hbm4b:s1+s3], $0x80, v3, vm0, $0xb8;
	[tilespmem:$0x10800] =	vst v63  }
0x211: {  	v3 =	vld [tilespmem:$0x2B0];
	_ =	sdelay $0x4  }
0x212: {  	v35 =	vshll.u32 v3, $0x1  }
0x213: {  	v3 =	vand.u32 $0x7, v3;
	v4 =	vand.u32 $0xFFFFFFF0, v35  }
0x214: {  	v3 =	vor.u32 v3, v4  }
0x215: {  	v4 =	vperm.xlane v3, v0;
	_ =	sdelay $0x1  }
0x216: {  	v3 =	vperm.xlane v3, v2;
	v4 =	vadd.s32 v1, v4;
	_ =	sdelay $0x1  }
0x217: {  	v3 =	vadd.s32 v1, v3;
	_ =	sdelay $0x1  }
0x218: {  	s18 =	simm.s32 $0xB800  }
0x219: {  	[tilespmem:s18], [sflag:$0x1] =	stream.indirect_vreg.gather [hbm4b:s1+s3], $0x80, v4, vm0, $0xb8;
	[tilespmem:$0x10800] =	vst v63  }
0x21a: {  	_ = 	snop  }
0x21b: {  	[tilespmem:s2], [sflag:$0x1] =	stream.indirect_vreg.gather [hbm4b:s1+s3], $0x80, v3, vm0, $0xb8;
	[tilespmem:$0x10800] =	vst v63  }
0x21c: {  	v3 =	vld [tilespmem:$0x2C0];
	_ =	sdelay $0x4  }
0x21d: {  	v36 =	vshll.u32 v3, $0x1  }
0x21e: {  	v3 =	vand.u32 $0x7, v3;
	v4 =	vand.u32 $0xFFFFFFF0, v36  }
0x21f: {  	v3 =	vor.u32 v3, v4  }
0x220: {  	v4 =	vperm.xlane v3, v0;
	_ =	sdelay $0x1  }
0x221: {  	v3 =	vperm.xlane v3, v2;
	v4 =	vadd.s32 v1, v4;
	_ =	sdelay $0x1  }
0x222: {  	v3 =	vadd.s32 v1, v3;
	_ =	sdelay $0x1  }
0x223: {  	s19 =	simm.s32 $0xC800  }
0x224: {  	[tilespmem:s19], [sflag:$0x1] =	stream.indirect_vreg.gather [hbm4b:s1+s3], $0x80, v4, vm0, $0xb8;
	[tilespmem:$0x10800] =	vst v63  }
0x225: {  	_ = 	snop  }
0x226: {  	[tilespmem:s9], [sflag:$0x1] =	stream.indirect_vreg.gather [hbm4b:s1+s3], $0x80, v3, vm0, $0xb8;
	[tilespmem:$0x10800] =	vst v63  }
0x227: {  	v3 =	vld [tilespmem:$0x2D0];
	_ =	sdelay $0x4  }
0x228: {  	v37 =	vshll.u32 v3, $0x1  }
0x229: {  	v3 =	vand.u32 $0x7, v3;
	v4 =	vand.u32 $0xFFFFFFF0, v37  }
0x22a: {  	v3 =	vor.u32 v3, v4  }
0x22b: {  	v4 =	vperm.xlane v3, v0;
	_ =	sdelay $0x1  }
0x22c: {  	v3 =	vperm.xlane v3, v2;
	v4 =	vadd.s32 v1, v4;
	_ =	sdelay $0x1  }
0x22d: {  	v3 =	vadd.s32 v1, v3;
	_ =	sdelay $0x2  }
0x22e: {  	[tilespmem:s5], [sflag:$0x1] =	stream.indirect_vreg.gather [hbm4b:s1+s3], $0x80, v4, vm0, $0xb8;
	[tilespmem:$0x10800] =	vst v63  }
0x22f: {  	_ = 	snop  }
0x230: {  	[tilespmem:s10], [sflag:$0x1] =	stream.indirect_vreg.gather [hbm4b:s1+s3], $0x80, v3, vm0, $0xb8;
	[tilespmem:$0x10800] =	vst v63  }
0x231: {  	v3 =	vld [tilespmem:$0x2E0];
	_ =	sdelay $0x4  }
0x232: {  	v38 =	vshll.u32 v3, $0x1  }
0x233: {  	v3 =	vand.u32 $0x7, v3;
	v4 =	vand.u32 $0xFFFFFFF0, v38  }
0x234: {  	v3 =	vor.u32 v3, v4  }
0x235: {  	v4 =	vperm.xlane v3, v0;
	_ =	sdelay $0x1  }
0x236: {  	v3 =	vperm.xlane v3, v2;
	v4 =	vadd.s32 v1, v4;
	_ =	sdelay $0x1  }
0x237: {  	v3 =	vadd.s32 v1, v3;
	_ =	sdelay $0x2  }
0x238: {  	[tilespmem:s4], [sflag:$0x1] =	stream.indirect_vreg.gather [hbm4b:s1+s3], $0x80, v4, vm0, $0xb8;
	[tilespmem:$0x10800] =	vst v63  }
0x239: {  	_ = 	snop  }
0x23a: {  	[tilespmem:s11], [sflag:$0x1] =	stream.indirect_vreg.gather [hbm4b:s1+s3], $0x80, v3, vm0, $0xb8;
	[tilespmem:$0x10800] =	vst v63  }
0x23b: {  	v3 =	vld [tilespmem:$0x2F0];
	_ =	sdelay $0x4  }
0x23c: {  	v39 =	vshll.u32 v3, $0x1  }
0x23d: {  	v3 =	vand.u32 $0x7, v3;
	v4 =	vand.u32 $0xFFFFFFF0, v39  }
0x23e: {  	v3 =	vor.u32 v3, v4  }
0x23f: {  	v4 =	vperm.xlane v3, v0;
	_ =	sdelay $0x1  }
0x240: {  	v3 =	vperm.xlane v3, v2;
	v4 =	vadd.s32 v1, v4;
	_ =	sdelay $0x1  }
0x241: {  	v3 =	vadd.s32 v1, v3;
	_ =	sdelay $0x1  }
0x242: {  	s6 =	simm.s32 $0xF800  }
0x243: {  	[tilespmem:s6], [sflag:$0x1] =	stream.indirect_vreg.gather [hbm4b:s1+s3], $0x80, v4, vm0, $0xb8;
	[tilespmem:$0x10800] =	vst v63  }
0x244: {  	s0 =	simm.s32 $0x10000  }
0x245: {  	[tilespmem:s0], [sflag:$0x1] =	stream.indirect_vreg.gather [hbm4b:s1+s3], $0x80, v3, vm0, $0xb8;
	[tilespmem:$0x10800] =	vst v63  }
0x246: {  	s11 =	rddreg [dreg:$0x8]  }
0x247: {  	[hbm4b:s11+s3] =	stream.linear.scatter [tilespmem:s7], [sflag:$0x2], $0x8000, $0x38;
	[tilespmem:$0x10800] =	vst v63  }
0x248: {  	s0 =	rddreg [dreg:$0x15];
	_ =	swait.ge [sflag:s23], $0x8000  }
0x249: {  	[sflag:s23] =	ssyncset.done $0x0  }
0x24a: {  	[sflag:s23] =	ssyncadd.s32 $0xFFFF8000  }
0x24b: {  	_ =	swait.ge [sflag:s13], $0x8000  }
0x24c: {  	[sflag:s13] =	ssyncset.done $0x0  }
0x24d: {  	[sflag:s13] =	ssyncadd.s32 $0xFFFF8000  }
0x24e: {  	v3 =	vld [tilespmem:$0x300];
	_ =	sdelay $0x4  }
0x24f: {  	v40 =	vshll.u32 v3, $0x1  }
0x250: {  	v3 =	vand.u32 $0x7, v3;
	v4 =	vand.u32 $0xFFFFFFF0, v40  }
0x251: {  	v3 =	vor.u32 v3, v4  }
0x252: {  	v4 =	vperm.xlane v3, v0;
	_ =	sdelay $0x1  }
0x253: {  	v3 =	vperm.xlane v3, v2;
	v4 =	vadd.s32 v1, v4;
	_ =	sdelay $0x1  }
0x254: {  	v3 =	vadd.s32 v1, v3;
	_ =	sdelay $0x2  }
0x255: {  	[tilespmem:s7], [sflag:$0x1] =	stream.indirect_vreg.gather [hbm4b:s1+s3], $0x80, v4, vm0, $0xb8;
	[tilespmem:$0x10800] =	vst v63  }
0x256: {  	s14 =	simm.s32 $0x1000  }
0x257: {  	[tilespmem:s14], [sflag:$0x1] =	stream.indirect_vreg.gather [hbm4b:s1+s3], $0x80, v3, vm0, $0xb8;
	[tilespmem:$0x10800] =	vst v63  }
0x258: {  	v3 =	vld [tilespmem:$0x310];
	_ =	sdelay $0x4  }
0x259: {  	v41 =	vshll.u32 v3, $0x1  }
0x25a: {  	v3 =	vand.u32 $0x7, v3;
	v4 =	vand.u32 $0xFFFFFFF0, v41  }
0x25b: {  	v3 =	vor.u32 v3, v4  }
0x25c: {  	v4 =	vperm.xlane v3, v0;
	_ =	sdelay $0x1  }
0x25d: {  	v3 =	vperm.xlane v3, v2;
	v4 =	vadd.s32 v1, v4;
	_ =	sdelay $0x1  }
0x25e: {  	v3 =	vadd.s32 v1, v3;
	_ =	sdelay $0x1  }
0x25f: {  	s18 =	simm.s32 $0x1800  }
0x260: {  	[tilespmem:s18], [sflag:$0x1] =	stream.indirect_vreg.gather [hbm4b:s1+s3], $0x80, v4, vm0, $0xb8;
	[tilespmem:$0x10800] =	vst v63  }
0x261: {  	s14 =	simm.s32 $0x2000  }
0x262: {  	[tilespmem:s14], [sflag:$0x1] =	stream.indirect_vreg.gather [hbm4b:s1+s3], $0x80, v3, vm0, $0xb8;
	[tilespmem:$0x10800] =	vst v63  }
0x263: {  	v3 =	vld [tilespmem:$0x320];
	_ =	sdelay $0x4  }
0x264: {  	v42 =	vshll.u32 v3, $0x1  }
0x265: {  	v3 =	vand.u32 $0x7, v3;
	v4 =	vand.u32 $0xFFFFFFF0, v42  }
0x266: {  	v3 =	vor.u32 v3, v4  }
0x267: {  	v4 =	vperm.xlane v3, v0;
	_ =	sdelay $0x1  }
0x268: {  	v3 =	vperm.xlane v3, v2;
	v4 =	vadd.s32 v1, v4;
	_ =	sdelay $0x1  }
0x269: {  	v3 =	vadd.s32 v1, v3;
	_ =	sdelay $0x1  }
0x26a: {  	s14 =	simm.s32 $0x2800  }
0x26b: {  	[tilespmem:s14], [sflag:$0x1] =	stream.indirect_vreg.gather [hbm4b:s1+s3], $0x80, v4, vm0, $0xb8;
	[tilespmem:$0x10800] =	vst v63  }
0x26c: {  	s14 =	simm.s32 $0x3000  }
0x26d: {  	[tilespmem:s14], [sflag:$0x1] =	stream.indirect_vreg.gather [hbm4b:s1+s3], $0x80, v3, vm0, $0xb8;
	[tilespmem:$0x10800] =	vst v63  }
0x26e: {  	v3 =	vld [tilespmem:$0x330];
	_ =	sdelay $0x4  }
0x26f: {  	v43 =	vshll.u32 v3, $0x1  }
0x270: {  	v3 =	vand.u32 $0x7, v3;
	v4 =	vand.u32 $0xFFFFFFF0, v43  }
0x271: {  	v3 =	vor.u32 v3, v4  }
0x272: {  	v4 =	vperm.xlane v3, v0;
	_ =	sdelay $0x1  }
0x273: {  	v3 =	vperm.xlane v3, v2;
	v4 =	vadd.s32 v1, v4;
	_ =	sdelay $0x1  }
0x274: {  	v3 =	vadd.s32 v1, v3;
	_ =	sdelay $0x1  }
0x275: {  	s14 =	simm.s32 $0x3800  }
0x276: {  	[tilespmem:s14], [sflag:$0x1] =	stream.indirect_vreg.gather [hbm4b:s1+s3], $0x80, v4, vm0, $0xb8;
	[tilespmem:$0x10800] =	vst v63  }
0x277: {  	s14 =	simm.s32 $0x4000  }
0x278: {  	[tilespmem:s14], [sflag:$0x1] =	stream.indirect_vreg.gather [hbm4b:s1+s3], $0x80, v3, vm0, $0xb8;
	[tilespmem:$0x10800] =	vst v63  }
0x279: {  	v3 =	vld [tilespmem:$0x340];
	_ =	sdelay $0x4  }
0x27a: {  	v44 =	vshll.u32 v3, $0x1  }
0x27b: {  	v3 =	vand.u32 $0x7, v3;
	v4 =	vand.u32 $0xFFFFFFF0, v44  }
0x27c: {  	v3 =	vor.u32 v3, v4  }
0x27d: {  	v4 =	vperm.xlane v3, v0;
	_ =	sdelay $0x1  }
0x27e: {  	v3 =	vperm.xlane v3, v2;
	v4 =	vadd.s32 v1, v4;
	_ =	sdelay $0x1  }
0x27f: {  	v3 =	vadd.s32 v1, v3;
	_ =	sdelay $0x1  }
0x280: {  	s14 =	simm.s32 $0x4800  }
0x281: {  	[tilespmem:s14], [sflag:$0x1] =	stream.indirect_vreg.gather [hbm4b:s1+s3], $0x80, v4, vm0, $0xb8;
	[tilespmem:$0x10800] =	vst v63  }
0x282: {  	s25 =	simm.s32 $0x5000  }
0x283: {  	[tilespmem:s25], [sflag:$0x1] =	stream.indirect_vreg.gather [hbm4b:s1+s3], $0x80, v3, vm0, $0xb8;
	[tilespmem:$0x10800] =	vst v63  }
0x284: {  	v3 =	vld [tilespmem:$0x350];
	_ =	sdelay $0x4  }
0x285: {  	v45 =	vshll.u32 v3, $0x1  }
0x286: {  	v3 =	vand.u32 $0x7, v3;
	v4 =	vand.u32 $0xFFFFFFF0, v45  }
0x287: {  	v3 =	vor.u32 v3, v4  }
0x288: {  	v4 =	vperm.xlane v3, v0;
	_ =	sdelay $0x1  }
0x289: {  	v3 =	vperm.xlane v3, v2;
	v4 =	vadd.s32 v1, v4;
	_ =	sdelay $0x1  }
0x28a: {  	v3 =	vadd.s32 v1, v3;
	_ =	sdelay $0x1  }
0x28b: {  	s26 =	simm.s32 $0x5800  }
0x28c: {  	[tilespmem:s26], [sflag:$0x1] =	stream.indirect_vreg.gather [hbm4b:s1+s3], $0x80, v4, vm0, $0xb8;
	[tilespmem:$0x10800] =	vst v63  }
0x28d: {  	s28 =	simm.s32 $0x6000  }
0x28e: {  	[tilespmem:s28], [sflag:$0x1] =	stream.indirect_vreg.gather [hbm4b:s1+s3], $0x80, v3, vm0, $0xb8;
	[tilespmem:$0x10800] =	vst v63  }
0x28f: {  	v3 =	vld [tilespmem:$0x360];
	_ =	sdelay $0x4  }
0x290: {  	v46 =	vshll.u32 v3, $0x1  }
0x291: {  	v3 =	vand.u32 $0x7, v3;
	v4 =	vand.u32 $0xFFFFFFF0, v46  }
0x292: {  	v3 =	vor.u32 v3, v4  }
0x293: {  	v4 =	vperm.xlane v3, v0;
	_ =	sdelay $0x1  }
0x294: {  	v3 =	vperm.xlane v3, v2;
	v4 =	vadd.s32 v1, v4;
	_ =	sdelay $0x1  }
0x295: {  	v3 =	vadd.s32 v1, v3;
	_ =	sdelay $0x1  }
0x296: {  	s14 =	simm.s32 $0x6800  }
0x297: {  	[tilespmem:s14], [sflag:$0x1] =	stream.indirect_vreg.gather [hbm4b:s1+s3], $0x80, v4, vm0, $0xb8;
	[tilespmem:$0x10800] =	vst v63  }
0x298: {  	s30 =	simm.s32 $0x7000  }
0x299: {  	[tilespmem:s30], [sflag:$0x1] =	stream.indirect_vreg.gather [hbm4b:s1+s3], $0x80, v3, vm0, $0xb8;
	[tilespmem:$0x10800] =	vst v63  }
0x29a: {  	v3 =	vld [tilespmem:$0x370];
	_ =	sdelay $0x4  }
0x29b: {  	v47 =	vshll.u32 v3, $0x1  }
0x29c: {  	v3 =	vand.u32 $0x7, v3;
	v4 =	vand.u32 $0xFFFFFFF0, v47  }
0x29d: {  	v3 =	vor.u32 v3, v4  }
0x29e: {  	v4 =	vperm.xlane v3, v0;
	_ =	sdelay $0x1  }
0x29f: {  	v3 =	vperm.xlane v3, v2;
	v4 =	vadd.s32 v1, v4;
	_ =	sdelay $0x1  }
0x2a0: {  	v3 =	vadd.s32 v1, v3;
	_ =	sdelay $0x1  }
0x2a1: {  	s31 =	simm.s32 $0x7800  }
0x2a2: {  	[tilespmem:s31], [sflag:$0x1] =	stream.indirect_vreg.gather [hbm4b:s1+s3], $0x80, v4, vm0, $0xb8;
	[tilespmem:$0x10800] =	vst v63  }
0x2a3: {  	s15 =	simm.s32 $0x8000  }
0x2a4: {  	[tilespmem:s15], [sflag:$0x1] =	stream.indirect_vreg.gather [hbm4b:s1+s3], $0x80, v3, vm0, $0xb8;
	[tilespmem:$0x10800] =	vst v63  }
0x2a5: {  	s31 =	rddreg [dreg:$0x9]  }
0x2a6: {  	[hbm4b:s31+s3] =	stream.linear.scatter [tilespmem:s24], [sflag:$0x2], $0x8000, $0x38;
	[tilespmem:$0x10800] =	vst v63  }
0x2a7: {  	_ =	swait.ge [sflag:s23], $0x8000  }
0x2a8: {  	[sflag:s23] =	ssyncset.done $0x0  }
0x2a9: {  	[sflag:s23] =	ssyncadd.s32 $0xFFFF8000  }
0x2aa: {  	_ =	swait.ge [sflag:s13], $0x8000  }
0x2ab: {  	[sflag:s13] =	ssyncset.done $0x0  }
0x2ac: {  	[sflag:s13] =	ssyncadd.s32 $0xFFFF8000  }
0x2ad: {  	v3 =	vld [tilespmem:$0x380];
	_ =	sdelay $0x4  }
0x2ae: {  	v48 =	vshll.u32 v3, $0x1  }
0x2af: {  	v3 =	vand.u32 $0x7, v3;
	v4 =	vand.u32 $0xFFFFFFF0, v48  }
0x2b0: {  	v3 =	vor.u32 v3, v4  }
0x2b1: {  	v4 =	vperm.xlane v3, v0;
	_ =	sdelay $0x1  }
0x2b2: {  	v3 =	vperm.xlane v3, v2;
	v4 =	vadd.s32 v1, v4;
	_ =	sdelay $0x1  }
0x2b3: {  	v3 =	vadd.s32 v1, v3;
	_ =	sdelay $0x2  }
0x2b4: {  	[tilespmem:s24], [sflag:$0x1] =	stream.indirect_vreg.gather [hbm4b:s1+s3], $0x80, v4, vm0, $0xb8;
	[tilespmem:$0x10800] =	vst v63  }
0x2b5: {  	s21 =	simm.s32 $0x9000  }
0x2b6: {  	[tilespmem:s21], [sflag:$0x1] =	stream.indirect_vreg.gather [hbm4b:s1+s3], $0x80, v3, vm0, $0xb8;
	[tilespmem:$0x10800] =	vst v63  }
0x2b7: {  	v3 =	vld [tilespmem:$0x390];
	_ =	sdelay $0x4  }
0x2b8: {  	v49 =	vshll.u32 v3, $0x1  }
0x2b9: {  	v3 =	vand.u32 $0x7, v3;
	v4 =	vand.u32 $0xFFFFFFF0, v49  }
0x2ba: {  	v3 =	vor.u32 v3, v4  }
0x2bb: {  	v4 =	vperm.xlane v3, v0;
	_ =	sdelay $0x1  }
0x2bc: {  	v3 =	vperm.xlane v3, v2;
	v4 =	vadd.s32 v1, v4;
	_ =	sdelay $0x1  }
0x2bd: {  	v3 =	vadd.s32 v1, v3;
	_ =	sdelay $0x1  }
0x2be: {  	s29 =	simm.s32 $0x9800  }
0x2bf: {  	[tilespmem:s29], [sflag:$0x1] =	stream.indirect_vreg.gather [hbm4b:s1+s3], $0x80, v4, vm0, $0xb8;
	[tilespmem:$0x10800] =	vst v63  }
0x2c0: {  	s8 =	simm.s32 $0xA000  }
0x2c1: {  	[tilespmem:s8], [sflag:$0x1] =	stream.indirect_vreg.gather [hbm4b:s1+s3], $0x80, v3, vm0, $0xb8;
	[tilespmem:$0x10800] =	vst v63  }
0x2c2: {  	v3 =	vld [tilespmem:$0x3A0];
	_ =	sdelay $0x4  }
0x2c3: {  	v50 =	vshll.u32 v3, $0x1  }
0x2c4: {  	v3 =	vand.u32 $0x7, v3;
	v4 =	vand.u32 $0xFFFFFFF0, v50  }
0x2c5: {  	v3 =	vor.u32 v3, v4  }
0x2c6: {  	v4 =	vperm.xlane v3, v0;
	_ =	sdelay $0x1  }
0x2c7: {  	v3 =	vperm.xlane v3, v2;
	v4 =	vadd.s32 v1, v4;
	_ =	sdelay $0x1  }
0x2c8: {  	v3 =	vadd.s32 v1, v3;
	_ =	sdelay $0x1  }
0x2c9: {  	s17 =	simm.s32 $0xA800  }
0x2ca: {  	[tilespmem:s17], [sflag:$0x1] =	stream.indirect_vreg.gather [hbm4b:s1+s3], $0x80, v4, vm0, $0xb8;
	[tilespmem:$0x10800] =	vst v63  }
0x2cb: {  	s20 =	simm.s32 $0xB000  }
0x2cc: {  	[tilespmem:s20], [sflag:$0x1] =	stream.indirect_vreg.gather [hbm4b:s1+s3], $0x80, v3, vm0, $0xb8;
	[tilespmem:$0x10800] =	vst v63  }
0x2cd: {  	v3 =	vld [tilespmem:$0x3B0];
	_ =	sdelay $0x4  }
0x2ce: {  	v51 =	vshll.u32 v3, $0x1  }
0x2cf: {  	v3 =	vand.u32 $0x7, v3;
	v4 =	vand.u32 $0xFFFFFFF0, v51  }
0x2d0: {  	v3 =	vor.u32 v3, v4  }
0x2d1: {  	v4 =	vperm.xlane v3, v0;
	_ =	sdelay $0x1  }
0x2d2: {  	v3 =	vperm.xlane v3, v2;
	v4 =	vadd.s32 v1, v4;
	_ =	sdelay $0x1  }
0x2d3: {  	v3 =	vadd.s32 v1, v3;
	_ =	sdelay $0x1  }
0x2d4: {  	s22 =	simm.s32 $0xB800  }
0x2d5: {  	[tilespmem:s22], [sflag:$0x1] =	stream.indirect_vreg.gather [hbm4b:s1+s3], $0x80, v4, vm0, $0xb8;
	[tilespmem:$0x10800] =	vst v63  }
0x2d6: {  	s16 =	simm.s32 $0xC000  }
0x2d7: {  	[tilespmem:s16], [sflag:$0x1] =	stream.indirect_vreg.gather [hbm4b:s1+s3], $0x80, v3, vm0, $0xb8;
	[tilespmem:$0x10800] =	vst v63  }
0x2d8: {  	v3 =	vld [tilespmem:$0x3C0];
	_ =	sdelay $0x4  }
0x2d9: {  	v52 =	vshll.u32 v3, $0x1  }
0x2da: {  	v3 =	vand.u32 $0x7, v3;
	v4 =	vand.u32 $0xFFFFFFF0, v52  }
0x2db: {  	v3 =	vor.u32 v3, v4  }
0x2dc: {  	v4 =	vperm.xlane v3, v0;
	_ =	sdelay $0x1  }
0x2dd: {  	v3 =	vperm.xlane v3, v2;
	v4 =	vadd.s32 v1, v4;
	_ =	sdelay $0x1  }
0x2de: {  	v3 =	vadd.s32 v1, v3;
	_ =	sdelay $0x1  }
0x2df: {  	s12 =	simm.s32 $0xC800  }
0x2e0: {  	[tilespmem:s12], [sflag:$0x1] =	stream.indirect_vreg.gather [hbm4b:s1+s3], $0x80, v4, vm0, $0xb8;
	[tilespmem:$0x10800] =	vst v63  }
0x2e1: {  	s19 =	simm.s32 $0xD000  }
0x2e2: {  	[tilespmem:s19], [sflag:$0x1] =	stream.indirect_vreg.gather [hbm4b:s1+s3], $0x80, v3, vm0, $0xb8;
	[tilespmem:$0x10800] =	vst v63  }
0x2e3: {  	v3 =	vld [tilespmem:$0x3D0];
	_ =	sdelay $0x4  }
0x2e4: {  	v53 =	vshll.u32 v3, $0x1  }
0x2e5: {  	v3 =	vand.u32 $0x7, v3;
	v4 =	vand.u32 $0xFFFFFFF0, v53  }
0x2e6: {  	v3 =	vor.u32 v3, v4  }
0x2e7: {  	v4 =	vperm.xlane v3, v0;
	_ =	sdelay $0x1  }
0x2e8: {  	v3 =	vperm.xlane v3, v2;
	v4 =	vadd.s32 v1, v4;
	_ =	sdelay $0x1  }
0x2e9: {  	v3 =	vadd.s32 v1, v3;
	_ =	sdelay $0x1  }
0x2ea: {  	s2 =	simm.s32 $0xD800  }
0x2eb: {  	[tilespmem:s2], [sflag:$0x1] =	stream.indirect_vreg.gather [hbm4b:s1+s3], $0x80, v4, vm0, $0xb8;
	[tilespmem:$0x10800] =	vst v63  }
0x2ec: {  	s10 =	simm.s32 $0xE000  }
0x2ed: {  	[tilespmem:s10], [sflag:$0x1] =	stream.indirect_vreg.gather [hbm4b:s1+s3], $0x80, v3, vm0, $0xb8;
	[tilespmem:$0x10800] =	vst v63  }
0x2ee: {  	v3 =	vld [tilespmem:$0x3E0];
	_ =	sdelay $0x4  }
0x2ef: {  	v54 =	vshll.u32 v3, $0x1  }
0x2f0: {  	v3 =	vand.u32 $0x7, v3;
	v4 =	vand.u32 $0xFFFFFFF0, v54  }
0x2f1: {  	v3 =	vor.u32 v3, v4  }
0x2f2: {  	v4 =	vperm.xlane v3, v0;
	_ =	sdelay $0x1  }
0x2f3: {  	v3 =	vperm.xlane v3, v2;
	v4 =	vadd.s32 v1, v4;
	_ =	sdelay $0x1  }
0x2f4: {  	v3 =	vadd.s32 v1, v3;
	_ =	sdelay $0x1  }
0x2f5: {  	s5 =	simm.s32 $0xE800  }
0x2f6: {  	[tilespmem:s5], [sflag:$0x1] =	stream.indirect_vreg.gather [hbm4b:s1+s3], $0x80, v4, vm0, $0xb8;
	[tilespmem:$0x10800] =	vst v63  }
0x2f7: {  	s4 =	simm.s32 $0xF000  }
0x2f8: {  	[tilespmem:s4], [sflag:$0x1] =	stream.indirect_vreg.gather [hbm4b:s1+s3], $0x80, v3, vm0, $0xb8;
	[tilespmem:$0x10800] =	vst v63  }
0x2f9: {  	v3 =	vld [tilespmem:$0x3F0];
	_ =	sdelay $0x4  }
0x2fa: {  	v55 =	vshll.u32 v3, $0x1  }
0x2fb: {  	v3 =	vand.u32 $0x7, v3;
	v4 =	vand.u32 $0xFFFFFFF0, v55  }
0x2fc: {  	v3 =	vor.u32 v3, v4  }
0x2fd: {  	v4 =	vperm.xlane v3, v0;
	_ =	sdelay $0x1  }
0x2fe: {  	v3 =	vperm.xlane v3, v2;
	v4 =	vadd.s32 v1, v4;
	_ =	sdelay $0x1  }
0x2ff: {  	v3 =	vadd.s32 v1, v3;
	_ =	sdelay $0x1  }
0x300: {  	s9 =	simm.s32 $0xF800  }
0x301: {  	[tilespmem:s9], [sflag:$0x1] =	stream.indirect_vreg.gather [hbm4b:s1+s3], $0x80, v4, vm0, $0xb8;
	[tilespmem:$0x10800] =	vst v63  }
0x302: {  	s6 =	simm.s32 $0x10000  }
0x303: {  	[tilespmem:s6], [sflag:$0x1] =	stream.indirect_vreg.gather [hbm4b:s1+s3], $0x80, v3, vm0, $0xb8;
	[tilespmem:$0x10800] =	vst v63  }
0x304: {  	s9 =	rddreg [dreg:$0xa]  }
0x305: {  	[hbm4b:s9+s3] =	stream.linear.scatter [tilespmem:s7], [sflag:$0x2], $0x8000, $0x38;
	[tilespmem:$0x10800] =	vst v63  }
0x306: {  	_ =	swait.ge [sflag:s23], $0x8000  }
0x307: {  	[sflag:s23] =	ssyncset.done $0x0  }
0x308: {  	[sflag:s23] =	ssyncadd.s32 $0xFFFF8000  }
0x309: {  	_ =	swait.ge [sflag:s13], $0x8000  }
0x30a: {  	[sflag:s13] =	ssyncset.done $0x0  }
0x30b: {  	[sflag:s13] =	ssyncadd.s32 $0xFFFF8000  }
0x30c: {  	v3 =	vld [tilespmem:$0x400];
	_ =	sdelay $0x4  }
0x30d: {  	v56 =	vshll.u32 v3, $0x1  }
0x30e: {  	v3 =	vand.u32 $0x7, v3;
	v4 =	vand.u32 $0xFFFFFFF0, v56  }
0x30f: {  	v3 =	vor.u32 v3, v4  }
0x310: {  	v4 =	vperm.xlane v3, v0;
	_ =	sdelay $0x1  }
0x311: {  	v3 =	vperm.xlane v3, v2;
	v4 =	vadd.s32 v1, v4;
	_ =	sdelay $0x1  }
0x312: {  	v3 =	vadd.s32 v1, v3;
	_ =	sdelay $0x2  }
0x313: {  	[tilespmem:s7], [sflag:$0x1] =	stream.indirect_vreg.gather [hbm4b:s1+s3], $0x80, v4, vm0, $0xb8;
	[tilespmem:$0x10800] =	vst v63  }
0x314: {  	s11 =	simm.s32 $0x1000  }
0x315: {  	[tilespmem:s11], [sflag:$0x1] =	stream.indirect_vreg.gather [hbm4b:s1+s3], $0x80, v3, vm0, $0xb8;
	[tilespmem:$0x10800] =	vst v63  }
0x316: {  	v3 =	vld [tilespmem:$0x410];
	_ =	sdelay $0x4  }
0x317: {  	v57 =	vshll.u32 v3, $0x1  }
0x318: {  	v3 =	vand.u32 $0x7, v3;
	v4 =	vand.u32 $0xFFFFFFF0, v57  }
0x319: {  	v3 =	vor.u32 v3, v4  }
0x31a: {  	v4 =	vperm.xlane v3, v0;
	_ =	sdelay $0x1  }
0x31b: {  	v3 =	vperm.xlane v3, v2;
	v4 =	vadd.s32 v1, v4;
	_ =	sdelay $0x1  }
0x31c: {  	v3 =	vadd.s32 v1, v3;
	_ =	sdelay $0x1  }
0x31d: {  	s18 =	simm.s32 $0x1800  }
0x31e: {  	[tilespmem:s18], [sflag:$0x1] =	stream.indirect_vreg.gather [hbm4b:s1+s3], $0x80, v4, vm0, $0xb8;
	[tilespmem:$0x10800] =	vst v63  }
0x31f: {  	s12 =	simm.s32 $0x2000  }
0x320: {  	[tilespmem:s12], [sflag:$0x1] =	stream.indirect_vreg.gather [hbm4b:s1+s3], $0x80, v3, vm0, $0xb8;
	[tilespmem:$0x10800] =	vst v63  }
0x321: {  	v3 =	vld [tilespmem:$0x420];
	_ =	sdelay $0x4  }
0x322: {  	v58 =	vshll.u32 v3, $0x1  }
0x323: {  	v3 =	vand.u32 $0x7, v3;
	v4 =	vand.u32 $0xFFFFFFF0, v58  }
0x324: {  	v3 =	vor.u32 v3, v4  }
0x325: {  	v4 =	vperm.xlane v3, v0;
	_ =	sdelay $0x1  }
0x326: {  	v3 =	vperm.xlane v3, v2;
	v4 =	vadd.s32 v1, v4;
	_ =	sdelay $0x1  }
0x327: {  	v3 =	vadd.s32 v1, v3;
	_ =	sdelay $0x1  }
0x328: {  	s14 =	simm.s32 $0x2800  }
0x329: {  	[tilespmem:s14], [sflag:$0x1] =	stream.indirect_vreg.gather [hbm4b:s1+s3], $0x80, v4, vm0, $0xb8;
	[tilespmem:$0x10800] =	vst v63  }
0x32a: {  	s18 =	simm.s32 $0x3000  }
0x32b: {  	[tilespmem:s18], [sflag:$0x1] =	stream.indirect_vreg.gather [hbm4b:s1+s3], $0x80, v3, vm0, $0xb8;
	[tilespmem:$0x10800] =	vst v63  }
0x32c: {  	v3 =	vld [tilespmem:$0x430];
	_ =	sdelay $0x4  }
0x32d: {  	v59 =	vshll.u32 v3, $0x1  }
0x32e: {  	v3 =	vand.u32 $0x7, v3;
	v4 =	vand.u32 $0xFFFFFFF0, v59  }
0x32f: {  	v3 =	vor.u32 v3, v4  }
0x330: {  	v4 =	vperm.xlane v3, v0;
	_ =	sdelay $0x1  }
0x331: {  	v3 =	vperm.xlane v3, v2;
	v4 =	vadd.s32 v1, v4;
	_ =	sdelay $0x1  }
0x332: {  	v3 =	vadd.s32 v1, v3;
	_ =	sdelay $0x1  }
0x333: {  	s19 =	simm.s32 $0x3800  }
0x334: {  	[tilespmem:s19], [sflag:$0x1] =	stream.indirect_vreg.gather [hbm4b:s1+s3], $0x80, v4, vm0, $0xb8;
	[tilespmem:$0x10800] =	vst v63  }
0x335: {  	s12 =	simm.s32 $0x4000  }
0x336: {  	[tilespmem:s12], [sflag:$0x1] =	stream.indirect_vreg.gather [hbm4b:s1+s3], $0x80, v3, vm0, $0xb8;
	[tilespmem:$0x10800] =	vst v63  }
0x337: {  	v3 =	vld [tilespmem:$0x440];
	_ =	sdelay $0x4  }
0x338: {  	v60 =	vshll.u32 v3, $0x1  }
0x339: {  	v3 =	vand.u32 $0x7, v3;
	v4 =	vand.u32 $0xFFFFFFF0, v60  }
0x33a: {  	v3 =	vor.u32 v3, v4  }
0x33b: {  	v4 =	vperm.xlane v3, v0;
	_ =	sdelay $0x1  }
0x33c: {  	v3 =	vperm.xlane v3, v2;
	v4 =	vadd.s32 v1, v4;
	_ =	sdelay $0x1  }
0x33d: {  	v3 =	vadd.s32 v1, v3;
	_ =	sdelay $0x1  }
0x33e: {  	s14 =	simm.s32 $0x4800  }
0x33f: {  	[tilespmem:s14], [sflag:$0x1] =	stream.indirect_vreg.gather [hbm4b:s1+s3], $0x80, v4, vm0, $0xb8;
	[tilespmem:$0x10800] =	vst v63  }
0x340: {  	s25 =	simm.s32 $0x5000  }
0x341: {  	[tilespmem:s25], [sflag:$0x1] =	stream.indirect_vreg.gather [hbm4b:s1+s3], $0x80, v3, vm0, $0xb8;
	[tilespmem:$0x10800] =	vst v63  }
0x342: {  	v3 =	vld [tilespmem:$0x450];
	_ =	sdelay $0x4  }
0x343: {  	v61 =	vshll.u32 v3, $0x1  }
0x344: {  	v3 =	vand.u32 $0x7, v3;
	v4 =	vand.u32 $0xFFFFFFF0, v61  }
0x345: {  	v3 =	vor.u32 v3, v4  }
0x346: {  	v4 =	vperm.xlane v3, v0;
	_ =	sdelay $0x1  }
0x347: {  	v3 =	vperm.xlane v3, v2;
	v4 =	vadd.s32 v1, v4;
	_ =	sdelay $0x1  }
0x348: {  	v3 =	vadd.s32 v1, v3;
	_ =	sdelay $0x1  }
0x349: {  	s26 =	simm.s32 $0x5800  }
0x34a: {  	[tilespmem:s26], [sflag:$0x1] =	stream.indirect_vreg.gather [hbm4b:s1+s3], $0x80, v4, vm0, $0xb8;
	[tilespmem:$0x10800] =	vst v63  }
0x34b: {  	s28 =	simm.s32 $0x6000  }
0x34c: {  	[tilespmem:s28], [sflag:$0x1] =	stream.indirect_vreg.gather [hbm4b:s1+s3], $0x80, v3, vm0, $0xb8;
	[tilespmem:$0x10800] =	vst v63  }
0x34d: {  	v3 =	vld [tilespmem:$0x460];
	_ =	sdelay $0x4  }
0x34e: {  	v62 =	vshll.u32 v3, $0x1  }
0x34f: {  	v3 =	vand.u32 $0x7, v3;
	v4 =	vand.u32 $0xFFFFFFF0, v62  }
0x350: {  	v3 =	vor.u32 v3, v4  }
0x351: {  	v4 =	vperm.xlane v3, v0;
	_ =	sdelay $0x1  }
0x352: {  	v3 =	vperm.xlane v3, v2;
	v4 =	vadd.s32 v1, v4;
	_ =	sdelay $0x1  }
0x353: {  	v3 =	vadd.s32 v1, v3;
	_ =	sdelay $0x1  }
0x354: {  	s18 =	simm.s32 $0x6800  }
0x355: {  	[tilespmem:s18], [sflag:$0x1] =	stream.indirect_vreg.gather [hbm4b:s1+s3], $0x80, v4, vm0, $0xb8;
	[tilespmem:$0x10800] =	vst v63  }
0x356: {  	s25 =	simm.s32 $0x7000  }
0x357: {  	[tilespmem:s25], [sflag:$0x1] =	stream.indirect_vreg.gather [hbm4b:s1+s3], $0x80, v3, vm0, $0xb8;
	[tilespmem:$0x10800] =	vst v63  }
0x358: {  	v3 =	vld [tilespmem:$0x470];
	_ =	sdelay $0x4  }
0x359: {  	v63 =	vshll.u32 v3, $0x1  }
0x35a: {  	v3 =	vand.u32 $0x7, v3;
	v4 =	vand.u32 $0xFFFFFFF0, v63  }
0x35b: {  	v3 =	vor.u32 v3, v4  }
0x35c: {  	v4 =	vperm.xlane v3, v0;
	_ =	sdelay $0x1  }
0x35d: {  	v3 =	vperm.xlane v3, v2;
	v4 =	vadd.s32 v1, v4;
	_ =	sdelay $0x1  }
0x35e: {  	v3 =	vadd.s32 v1, v3;
	_ =	sdelay $0x1  }
0x35f: {  	s28 =	simm.s32 $0x7800  }
0x360: {  	[tilespmem:s28], [sflag:$0x1] =	stream.indirect_vreg.gather [hbm4b:s1+s3], $0x80, v4, vm0, $0xb8;
	[tilespmem:$0x10800] =	vst v63  }
0x361: {  	s30 =	simm.s32 $0x8000  }
0x362: {  	[tilespmem:s30], [sflag:$0x1] =	stream.indirect_vreg.gather [hbm4b:s1+s3], $0x80, v3, vm0, $0xb8;
	[tilespmem:$0x10800] =	vst v63  }
0x363: {  	s6 =	rddreg [dreg:$0xb]  }
0x364: {  	[hbm4b:s6+s3] =	stream.linear.scatter [tilespmem:s24], [sflag:$0x2], $0x8000, $0x38;
	[tilespmem:$0x10800] =	vst v63  }
0x365: {  	_ =	swait.ge [sflag:s23], $0x8000  }
0x366: {  	[sflag:s23] =	ssyncset.done $0x0  }
0x367: {  	[sflag:s23] =	ssyncadd.s32 $0xFFFF8000  }
0x368: {  	_ =	swait.ge [sflag:s13], $0x8000  }
0x369: {  	[sflag:s13] =	ssyncset.done $0x0  }
0x36a: {  	[sflag:s13] =	ssyncadd.s32 $0xFFFF8000  }
0x36b: {  	v3 =	vld [tilespmem:$0x480];
	_ =	sdelay $0x4  }
0x36c: {  	v8 =	vshll.u32 v3, $0x1  }
0x36d: {  	v3 =	vand.u32 $0x7, v3;
	v4 =	vand.u32 $0xFFFFFFF0, v8  }
0x36e: {  	v3 =	vor.u32 v3, v4  }
0x36f: {  	v4 =	vperm.xlane v3, v0;
	_ =	sdelay $0x1  }
0x370: {  	v3 =	vperm.xlane v3, v2;
	v4 =	vadd.s32 v1, v4;
	_ =	sdelay $0x1  }
0x371: {  	v3 =	vadd.s32 v1, v3;
	_ =	sdelay $0x2  }
0x372: {  	[tilespmem:s24], [sflag:$0x1] =	stream.indirect_vreg.gather [hbm4b:s1+s3], $0x80, v4, vm0, $0xb8;
	[tilespmem:$0x10800] =	vst v63  }
0x373: {  	s14 =	simm.s32 $0x9000  }
0x374: {  	[tilespmem:s14], [sflag:$0x1] =	stream.indirect_vreg.gather [hbm4b:s1+s3], $0x80, v3, vm0, $0xb8;
	[tilespmem:$0x10800] =	vst v63  }
0x375: {  	v3 =	vld [tilespmem:$0x490];
	_ =	sdelay $0x4  }
0x376: {  	v9 =	vshll.u32 v3, $0x1  }
0x377: {  	v3 =	vand.u32 $0x7, v3;
	v4 =	vand.u32 $0xFFFFFFF0, v9  }
0x378: {  	v3 =	vor.u32 v3, v4  }
0x379: {  	v4 =	vperm.xlane v3, v0;
	_ =	sdelay $0x1  }
0x37a: {  	v3 =	vperm.xlane v3, v2;
	v4 =	vadd.s32 v1, v4;
	_ =	sdelay $0x1  }
0x37b: {  	v3 =	vadd.s32 v1, v3;
	_ =	sdelay $0x1  }
0x37c: {  	s15 =	simm.s32 $0x9800  }
0x37d: {  	[tilespmem:s15], [sflag:$0x1] =	stream.indirect_vreg.gather [hbm4b:s1+s3], $0x80, v4, vm0, $0xb8;
	[tilespmem:$0x10800] =	vst v63  }
0x37e: {  	s31 =	simm.s32 $0xA000  }
0x37f: {  	[tilespmem:s31], [sflag:$0x1] =	stream.indirect_vreg.gather [hbm4b:s1+s3], $0x80, v3, vm0, $0xb8;
	[tilespmem:$0x10800] =	vst v63  }
0x380: {  	v3 =	vld [tilespmem:$0x4A0];
	_ =	sdelay $0x4  }
0x381: {  	v10 =	vshll.u32 v3, $0x1  }
0x382: {  	v3 =	vand.u32 $0x7, v3;
	v4 =	vand.u32 $0xFFFFFFF0, v10  }
0x383: {  	v3 =	vor.u32 v3, v4  }
0x384: {  	v4 =	vperm.xlane v3, v0;
	_ =	sdelay $0x1  }
0x385: {  	v3 =	vperm.xlane v3, v2;
	v4 =	vadd.s32 v1, v4;
	_ =	sdelay $0x1  }
0x386: {  	v3 =	vadd.s32 v1, v3;
	_ =	sdelay $0x1  }
0x387: {  	s15 =	simm.s32 $0xA800  }
0x388: {  	[tilespmem:s15], [sflag:$0x1] =	stream.indirect_vreg.gather [hbm4b:s1+s3], $0x80, v4, vm0, $0xb8;
	[tilespmem:$0x10800] =	vst v63  }
0x389: {  	s29 =	simm.s32 $0xB000  }
0x38a: {  	[tilespmem:s29], [sflag:$0x1] =	stream.indirect_vreg.gather [hbm4b:s1+s3], $0x80, v3, vm0, $0xb8;
	[tilespmem:$0x10800] =	vst v63  }
0x38b: {  	v3 =	vld [tilespmem:$0x4B0];
	_ =	sdelay $0x4  }
0x38c: {  	v11 =	vshll.u32 v3, $0x1  }
0x38d: {  	v3 =	vand.u32 $0x7, v3;
	v4 =	vand.u32 $0xFFFFFFF0, v11  }
0x38e: {  	v3 =	vor.u32 v3, v4  }
0x38f: {  	v4 =	vperm.xlane v3, v0;
	_ =	sdelay $0x1  }
0x390: {  	v3 =	vperm.xlane v3, v2;
	v4 =	vadd.s32 v1, v4;
	_ =	sdelay $0x1  }
0x391: {  	v3 =	vadd.s32 v1, v3;
	_ =	sdelay $0x1  }
0x392: {  	s22 =	simm.s32 $0xB800  }
0x393: {  	[tilespmem:s22], [sflag:$0x1] =	stream.indirect_vreg.gather [hbm4b:s1+s3], $0x80, v4, vm0, $0xb8;
	[tilespmem:$0x10800] =	vst v63  }
0x394: {  	s17 =	simm.s32 $0xC000  }
0x395: {  	[tilespmem:s17], [sflag:$0x1] =	stream.indirect_vreg.gather [hbm4b:s1+s3], $0x80, v3, vm0, $0xb8;
	[tilespmem:$0x10800] =	vst v63  }
0x396: {  	v3 =	vld [tilespmem:$0x4C0];
	_ =	sdelay $0x4  }
0x397: {  	v12 =	vshll.u32 v3, $0x1  }
0x398: {  	v3 =	vand.u32 $0x7, v3;
	v4 =	vand.u32 $0xFFFFFFF0, v12  }
0x399: {  	v3 =	vor.u32 v3, v4  }
0x39a: {  	v4 =	vperm.xlane v3, v0;
	_ =	sdelay $0x1  }
0x39b: {  	v3 =	vperm.xlane v3, v2;
	v4 =	vadd.s32 v1, v4;
	_ =	sdelay $0x1  }
0x39c: {  	v3 =	vadd.s32 v1, v3;
	_ =	sdelay $0x1  }
0x39d: {  	s16 =	simm.s32 $0xC800  }
0x39e: {  	[tilespmem:s16], [sflag:$0x1] =	stream.indirect_vreg.gather [hbm4b:s1+s3], $0x80, v4, vm0, $0xb8;
	[tilespmem:$0x10800] =	vst v63  }
0x39f: {  	s21 =	simm.s32 $0xD000  }
0x3a0: {  	[tilespmem:s21], [sflag:$0x1] =	stream.indirect_vreg.gather [hbm4b:s1+s3], $0x80, v3, vm0, $0xb8;
	[tilespmem:$0x10800] =	vst v63  }
0x3a1: {  	v3 =	vld [tilespmem:$0x4D0];
	_ =	sdelay $0x4  }
0x3a2: {  	v13 =	vshll.u32 v3, $0x1  }
0x3a3: {  	v3 =	vand.u32 $0x7, v3;
	v4 =	vand.u32 $0xFFFFFFF0, v13  }
0x3a4: {  	v3 =	vor.u32 v3, v4  }
0x3a5: {  	v4 =	vperm.xlane v3, v0;
	_ =	sdelay $0x1  }
0x3a6: {  	v3 =	vperm.xlane v3, v2;
	v4 =	vadd.s32 v1, v4;
	_ =	sdelay $0x1  }
0x3a7: {  	v3 =	vadd.s32 v1, v3;
	_ =	sdelay $0x1  }
0x3a8: {  	s8 =	simm.s32 $0xD800  }
0x3a9: {  	[tilespmem:s8], [sflag:$0x1] =	stream.indirect_vreg.gather [hbm4b:s1+s3], $0x80, v4, vm0, $0xb8;
	[tilespmem:$0x10800] =	vst v63  }
0x3aa: {  	s20 =	simm.s32 $0xE000  }
0x3ab: {  	[tilespmem:s20], [sflag:$0x1] =	stream.indirect_vreg.gather [hbm4b:s1+s3], $0x80, v3, vm0, $0xb8;
	[tilespmem:$0x10800] =	vst v63  }
0x3ac: {  	v3 =	vld [tilespmem:$0x4E0];
	_ =	sdelay $0x4  }
0x3ad: {  	v14 =	vshll.u32 v3, $0x1  }
0x3ae: {  	v3 =	vand.u32 $0x7, v3;
	v4 =	vand.u32 $0xFFFFFFF0, v14  }
0x3af: {  	v3 =	vor.u32 v3, v4  }
0x3b0: {  	v4 =	vperm.xlane v3, v0;
	_ =	sdelay $0x1  }
0x3b1: {  	v3 =	vperm.xlane v3, v2;
	v4 =	vadd.s32 v1, v4;
	_ =	sdelay $0x1  }
0x3b2: {  	v3 =	vadd.s32 v1, v3;
	_ =	sdelay $0x1  }
0x3b3: {  	s10 =	simm.s32 $0xE800  }
0x3b4: {  	[tilespmem:s10], [sflag:$0x1] =	stream.indirect_vreg.gather [hbm4b:s1+s3], $0x80, v4, vm0, $0xb8;
	[tilespmem:$0x10800] =	vst v63  }
0x3b5: {  	s2 =	simm.s32 $0xF000  }
0x3b6: {  	[tilespmem:s2], [sflag:$0x1] =	stream.indirect_vreg.gather [hbm4b:s1+s3], $0x80, v3, vm0, $0xb8;
	[tilespmem:$0x10800] =	vst v63  }
0x3b7: {  	v3 =	vld [tilespmem:$0x4F0];
	_ =	sdelay $0x4  }
0x3b8: {  	v15 =	vshll.u32 v3, $0x1  }
0x3b9: {  	v3 =	vand.u32 $0x7, v3;
	v4 =	vand.u32 $0xFFFFFFF0, v15  }
0x3ba: {  	v3 =	vor.u32 v3, v4  }
0x3bb: {  	v4 =	vperm.xlane v3, v0;
	_ =	sdelay $0x1  }
0x3bc: {  	v3 =	vperm.xlane v3, v2;
	v4 =	vadd.s32 v1, v4;
	_ =	sdelay $0x1  }
0x3bd: {  	v3 =	vadd.s32 v1, v3;
	_ =	sdelay $0x1  }
0x3be: {  	s5 =	simm.s32 $0xF800  }
0x3bf: {  	[tilespmem:s5], [sflag:$0x1] =	stream.indirect_vreg.gather [hbm4b:s1+s3], $0x80, v4, vm0, $0xb8;
	[tilespmem:$0x10800] =	vst v63  }
0x3c0: {  	s4 =	simm.s32 $0x10000  }
0x3c1: {  	[tilespmem:s4], [sflag:$0x1] =	stream.indirect_vreg.gather [hbm4b:s1+s3], $0x80, v3, vm0, $0xb8;
	[tilespmem:$0x10800] =	vst v63  }
0x3c2: {  	s21 =	rddreg [dreg:$0xc]  }
0x3c3: {  	[hbm4b:s21+s3] =	stream.linear.scatter [tilespmem:s7], [sflag:$0x2], $0x8000, $0x38;
	[tilespmem:$0x10800] =	vst v63  }
0x3c4: {  	_ =	swait.ge [sflag:s23], $0x8000  }
0x3c5: {  	[sflag:s23] =	ssyncset.done $0x0  }
0x3c6: {  	[sflag:s23] =	ssyncadd.s32 $0xFFFF8000  }
0x3c7: {  	_ =	swait.ge [sflag:s13], $0x8000  }
0x3c8: {  	[sflag:s13] =	ssyncset.done $0x0  }
0x3c9: {  	[sflag:s13] =	ssyncadd.s32 $0xFFFF8000  }
0x3ca: {  	v3 =	vld [tilespmem:$0x500];
	_ =	sdelay $0x4  }
0x3cb: {  	v16 =	vshll.u32 v3, $0x1  }
0x3cc: {  	v3 =	vand.u32 $0x7, v3;
	v4 =	vand.u32 $0xFFFFFFF0, v16  }
0x3cd: {  	v3 =	vor.u32 v3, v4  }
0x3ce: {  	v4 =	vperm.xlane v3, v0;
	_ =	sdelay $0x1  }
0x3cf: {  	v3 =	vperm.xlane v3, v2;
	v4 =	vadd.s32 v1, v4;
	_ =	sdelay $0x1  }
0x3d0: {  	v3 =	vadd.s32 v1, v3;
	_ =	sdelay $0x2  }
0x3d1: {  	[tilespmem:s7], [sflag:$0x1] =	stream.indirect_vreg.gather [hbm4b:s1+s3], $0x80, v4, vm0, $0xb8;
	[tilespmem:$0x10800] =	vst v63  }
0x3d2: {  	s9 =	simm.s32 $0x1000  }
0x3d3: {  	[tilespmem:s9], [sflag:$0x1] =	stream.indirect_vreg.gather [hbm4b:s1+s3], $0x80, v3, vm0, $0xb8;
	[tilespmem:$0x10800] =	vst v63  }
0x3d4: {  	v3 =	vld [tilespmem:$0x510];
	_ =	sdelay $0x4  }
0x3d5: {  	v17 =	vshll.u32 v3, $0x1  }
0x3d6: {  	v3 =	vand.u32 $0x7, v3;
	v4 =	vand.u32 $0xFFFFFFF0, v17  }
0x3d7: {  	v3 =	vor.u32 v3, v4  }
0x3d8: {  	v4 =	vperm.xlane v3, v0;
	_ =	sdelay $0x1  }
0x3d9: {  	v3 =	vperm.xlane v3, v2;
	v4 =	vadd.s32 v1, v4;
	_ =	sdelay $0x1  }
0x3da: {  	v3 =	vadd.s32 v1, v3;
	_ =	sdelay $0x1  }
0x3db: {  	s11 =	simm.s32 $0x1800  }
0x3dc: {  	[tilespmem:s11], [sflag:$0x1] =	stream.indirect_vreg.gather [hbm4b:s1+s3], $0x80, v4, vm0, $0xb8;
	[tilespmem:$0x10800] =	vst v63  }
0x3dd: {  	s14 =	simm.s32 $0x2000  }
0x3de: {  	[tilespmem:s14], [sflag:$0x1] =	stream.indirect_vreg.gather [hbm4b:s1+s3], $0x80, v3, vm0, $0xb8;
	[tilespmem:$0x10800] =	vst v63  }
0x3df: {  	v3 =	vld [tilespmem:$0x520];
	_ =	sdelay $0x4  }
0x3e0: {  	v18 =	vshll.u32 v3, $0x1  }
0x3e1: {  	v3 =	vand.u32 $0x7, v3;
	v4 =	vand.u32 $0xFFFFFFF0, v18  }
0x3e2: {  	v3 =	vor.u32 v3, v4  }
0x3e3: {  	v4 =	vperm.xlane v3, v0;
	_ =	sdelay $0x1  }
0x3e4: {  	v3 =	vperm.xlane v3, v2;
	v4 =	vadd.s32 v1, v4;
	_ =	sdelay $0x1  }
0x3e5: {  	v3 =	vadd.s32 v1, v3;
	_ =	sdelay $0x1  }
0x3e6: {  	s17 =	simm.s32 $0x2800  }
0x3e7: {  	[tilespmem:s17], [sflag:$0x1] =	stream.indirect_vreg.gather [hbm4b:s1+s3], $0x80, v4, vm0, $0xb8;
	[tilespmem:$0x10800] =	vst v63  }
0x3e8: {  	s21 =	simm.s32 $0x3000  }
0x3e9: {  	[tilespmem:s21], [sflag:$0x1] =	stream.indirect_vreg.gather [hbm4b:s1+s3], $0x80, v3, vm0, $0xb8;
	[tilespmem:$0x10800] =	vst v63  }
0x3ea: {  	v3 =	vld [tilespmem:$0x530];
	_ =	sdelay $0x4  }
0x3eb: {  	v19 =	vshll.u32 v3, $0x1  }
0x3ec: {  	v3 =	vand.u32 $0x7, v3;
	v4 =	vand.u32 $0xFFFFFFF0, v19  }
0x3ed: {  	v3 =	vor.u32 v3, v4  }
0x3ee: {  	v4 =	vperm.xlane v3, v0;
	_ =	sdelay $0x1  }
0x3ef: {  	v3 =	vperm.xlane v3, v2;
	v4 =	vadd.s32 v1, v4;
	_ =	sdelay $0x1  }
0x3f0: {  	v3 =	vadd.s32 v1, v3;
	_ =	sdelay $0x1  }
0x3f1: {  	s14 =	simm.s32 $0x3800  }
0x3f2: {  	[tilespmem:s14], [sflag:$0x1] =	stream.indirect_vreg.gather [hbm4b:s1+s3], $0x80, v4, vm0, $0xb8;
	[tilespmem:$0x10800] =	vst v63  }
0x3f3: {  	s17 =	simm.s32 $0x4000  }
0x3f4: {  	[tilespmem:s17], [sflag:$0x1] =	stream.indirect_vreg.gather [hbm4b:s1+s3], $0x80, v3, vm0, $0xb8;
	[tilespmem:$0x10800] =	vst v63  }
0x3f5: {  	v3 =	vld [tilespmem:$0x540];
	_ =	sdelay $0x4  }
0x3f6: {  	v20 =	vshll.u32 v3, $0x1  }
0x3f7: {  	v3 =	vand.u32 $0x7, v3;
	v4 =	vand.u32 $0xFFFFFFF0, v20  }
0x3f8: {  	v3 =	vor.u32 v3, v4  }
0x3f9: {  	v4 =	vperm.xlane v3, v0;
	_ =	sdelay $0x1  }
0x3fa: {  	v3 =	vperm.xlane v3, v2;
	v4 =	vadd.s32 v1, v4;
	_ =	sdelay $0x1  }
0x3fb: {  	v3 =	vadd.s32 v1, v3;
	_ =	sdelay $0x1  }
0x3fc: {  	s21 =	simm.s32 $0x4800  }
0x3fd: {  	[tilespmem:s21], [sflag:$0x1] =	stream.indirect_vreg.gather [hbm4b:s1+s3], $0x80, v4, vm0, $0xb8;
	[tilespmem:$0x10800] =	vst v63  }
0x3fe: {  	s12 =	simm.s32 $0x5000  }
0x3ff: {  	[tilespmem:s12], [sflag:$0x1] =	stream.indirect_vreg.gather [hbm4b:s1+s3], $0x80, v3, vm0, $0xb8;
	[tilespmem:$0x10800] =	vst v63  }
0x400: {  	v3 =	vld [tilespmem:$0x550];
	_ =	sdelay $0x4  }
0x401: {  	v21 =	vshll.u32 v3, $0x1  }
0x402: {  	v3 =	vand.u32 $0x7, v3;
	v4 =	vand.u32 $0xFFFFFFF0, v21  }
0x403: {  	v3 =	vor.u32 v3, v4  }
0x404: {  	v4 =	vperm.xlane v3, v0;
	_ =	sdelay $0x1  }
0x405: {  	v3 =	vperm.xlane v3, v2;
	v4 =	vadd.s32 v1, v4;
	_ =	sdelay $0x1  }
0x406: {  	v3 =	vadd.s32 v1, v3;
	_ =	sdelay $0x1  }
0x407: {  	s19 =	simm.s32 $0x5800  }
0x408: {  	[tilespmem:s19], [sflag:$0x1] =	stream.indirect_vreg.gather [hbm4b:s1+s3], $0x80, v4, vm0, $0xb8;
	[tilespmem:$0x10800] =	vst v63  }
0x409: {  	s26 =	simm.s32 $0x6000  }
0x40a: {  	[tilespmem:s26], [sflag:$0x1] =	stream.indirect_vreg.gather [hbm4b:s1+s3], $0x80, v3, vm0, $0xb8;
	[tilespmem:$0x10800] =	vst v63  }
0x40b: {  	v3 =	vld [tilespmem:$0x560];
	_ =	sdelay $0x4  }
0x40c: {  	v22 =	vshll.u32 v3, $0x1  }
0x40d: {  	v3 =	vand.u32 $0x7, v3;
	v4 =	vand.u32 $0xFFFFFFF0, v22  }
0x40e: {  	v3 =	vor.u32 v3, v4  }
0x40f: {  	v4 =	vperm.xlane v3, v0;
	_ =	sdelay $0x1  }
0x410: {  	v3 =	vperm.xlane v3, v2;
	v4 =	vadd.s32 v1, v4;
	_ =	sdelay $0x1  }
0x411: {  	v3 =	vadd.s32 v1, v3;
	_ =	sdelay $0x1  }
0x412: {  	s18 =	simm.s32 $0x6800  }
0x413: {  	[tilespmem:s18], [sflag:$0x1] =	stream.indirect_vreg.gather [hbm4b:s1+s3], $0x80, v4, vm0, $0xb8;
	[tilespmem:$0x10800] =	vst v63  }
0x414: {  	s14 =	simm.s32 $0x7000  }
0x415: {  	[tilespmem:s14], [sflag:$0x1] =	stream.indirect_vreg.gather [hbm4b:s1+s3], $0x80, v3, vm0, $0xb8;
	[tilespmem:$0x10800] =	vst v63  }
0x416: {  	v3 =	vld [tilespmem:$0x570];
	_ =	sdelay $0x4  }
0x417: {  	v23 =	vshll.u32 v3, $0x1  }
0x418: {  	v3 =	vand.u32 $0x7, v3;
	v4 =	vand.u32 $0xFFFFFFF0, v23  }
0x419: {  	v3 =	vor.u32 v3, v4  }
0x41a: {  	v4 =	vperm.xlane v3, v0;
	_ =	sdelay $0x1  }
0x41b: {  	v3 =	vperm.xlane v3, v2;
	v4 =	vadd.s32 v1, v4;
	_ =	sdelay $0x1  }
0x41c: {  	v3 =	vadd.s32 v1, v3;
	_ =	sdelay $0x1  }
0x41d: {  	s18 =	simm.s32 $0x7800  }
0x41e: {  	[tilespmem:s18], [sflag:$0x1] =	stream.indirect_vreg.gather [hbm4b:s1+s3], $0x80, v4, vm0, $0xb8;
	[tilespmem:$0x10800] =	vst v63  }
0x41f: {  	s30 =	simm.s32 $0x8000  }
0x420: {  	[tilespmem:s30], [sflag:$0x1] =	stream.indirect_vreg.gather [hbm4b:s1+s3], $0x80, v3, vm0, $0xb8;
	[tilespmem:$0x10800] =	vst v63  }
0x421: {  	s21 =	rddreg [dreg:$0xd]  }
0x422: {  	[hbm4b:s21+s3] =	stream.linear.scatter [tilespmem:s24], [sflag:$0x2], $0x8000, $0x38;
	[tilespmem:$0x10800] =	vst v63  }
0x423: {  	_ =	swait.ge [sflag:s23], $0x8000  }
0x424: {  	[sflag:s23] =	ssyncset.done $0x0  }
0x425: {  	[sflag:s23] =	ssyncadd.s32 $0xFFFF8000  }
0x426: {  	_ =	swait.ge [sflag:s13], $0x8000  }
0x427: {  	[sflag:s13] =	ssyncset.done $0x0  }
0x428: {  	[sflag:s13] =	ssyncadd.s32 $0xFFFF8000  }
0x429: {  	v3 =	vld [tilespmem:$0x580];
	_ =	sdelay $0x4  }
0x42a: {  	v24 =	vshll.u32 v3, $0x1  }
0x42b: {  	v3 =	vand.u32 $0x7, v3;
	v4 =	vand.u32 $0xFFFFFFF0, v24  }
0x42c: {  	v3 =	vor.u32 v3, v4  }
0x42d: {  	v4 =	vperm.xlane v3, v0;
	_ =	sdelay $0x1  }
0x42e: {  	v3 =	vperm.xlane v3, v2;
	v4 =	vadd.s32 v1, v4;
	_ =	sdelay $0x1  }
0x42f: {  	v3 =	vadd.s32 v1, v3;
	_ =	sdelay $0x2  }
0x430: {  	[tilespmem:s24], [sflag:$0x1] =	stream.indirect_vreg.gather [hbm4b:s1+s3], $0x80, v4, vm0, $0xb8;
	[tilespmem:$0x10800] =	vst v63  }
0x431: {  	s25 =	simm.s32 $0x9000  }
0x432: {  	[tilespmem:s25], [sflag:$0x1] =	stream.indirect_vreg.gather [hbm4b:s1+s3], $0x80, v3, vm0, $0xb8;
	[tilespmem:$0x10800] =	vst v63  }
0x433: {  	v3 =	vld [tilespmem:$0x590];
	_ =	sdelay $0x4  }
0x434: {  	v25 =	vshll.u32 v3, $0x1  }
0x435: {  	v3 =	vand.u32 $0x7, v3;
	v4 =	vand.u32 $0xFFFFFFF0, v25  }
0x436: {  	v3 =	vor.u32 v3, v4  }
0x437: {  	v4 =	vperm.xlane v3, v0;
	_ =	sdelay $0x1  }
0x438: {  	v3 =	vperm.xlane v3, v2;
	v4 =	vadd.s32 v1, v4;
	_ =	sdelay $0x1  }
0x439: {  	v3 =	vadd.s32 v1, v3;
	_ =	sdelay $0x1  }
0x43a: {  	s28 =	simm.s32 $0x9800  }
0x43b: {  	[tilespmem:s28], [sflag:$0x1] =	stream.indirect_vreg.gather [hbm4b:s1+s3], $0x80, v4, vm0, $0xb8;
	[tilespmem:$0x10800] =	vst v63  }
0x43c: {  	s25 =	simm.s32 $0xA000  }
0x43d: {  	[tilespmem:s25], [sflag:$0x1] =	stream.indirect_vreg.gather [hbm4b:s1+s3], $0x80, v3, vm0, $0xb8;
	[tilespmem:$0x10800] =	vst v63  }
0x43e: {  	v3 =	vld [tilespmem:$0x5A0];
	_ =	sdelay $0x4  }
0x43f: {  	v26 =	vshll.u32 v3, $0x1  }
0x440: {  	v3 =	vand.u32 $0x7, v3;
	v4 =	vand.u32 $0xFFFFFFF0, v26  }
0x441: {  	v3 =	vor.u32 v3, v4  }
0x442: {  	v4 =	vperm.xlane v3, v0;
	_ =	sdelay $0x1  }
0x443: {  	v3 =	vperm.xlane v3, v2;
	v4 =	vadd.s32 v1, v4;
	_ =	sdelay $0x1  }
0x444: {  	v3 =	vadd.s32 v1, v3;
	_ =	sdelay $0x1  }
0x445: {  	s15 =	simm.s32 $0xA800  }
0x446: {  	[tilespmem:s15], [sflag:$0x1] =	stream.indirect_vreg.gather [hbm4b:s1+s3], $0x80, v4, vm0, $0xb8;
	[tilespmem:$0x10800] =	vst v63  }
0x447: {  	s6 =	simm.s32 $0xB000  }
0x448: {  	[tilespmem:s6], [sflag:$0x1] =	stream.indirect_vreg.gather [hbm4b:s1+s3], $0x80, v3, vm0, $0xb8;
	[tilespmem:$0x10800] =	vst v63  }
0x449: {  	v3 =	vld [tilespmem:$0x5B0];
	_ =	sdelay $0x4  }
0x44a: {  	v27 =	vshll.u32 v3, $0x1  }
0x44b: {  	v3 =	vand.u32 $0x7, v3;
	v4 =	vand.u32 $0xFFFFFFF0, v27  }
0x44c: {  	v3 =	vor.u32 v3, v4  }
0x44d: {  	v4 =	vperm.xlane v3, v0;
	_ =	sdelay $0x1  }
0x44e: {  	v3 =	vperm.xlane v3, v2;
	v4 =	vadd.s32 v1, v4;
	_ =	sdelay $0x1  }
0x44f: {  	v3 =	vadd.s32 v1, v3;
	_ =	sdelay $0x1  }
0x450: {  	s28 =	simm.s32 $0xB800  }
0x451: {  	[tilespmem:s28], [sflag:$0x1] =	stream.indirect_vreg.gather [hbm4b:s1+s3], $0x80, v4, vm0, $0xb8;
	[tilespmem:$0x10800] =	vst v63  }
0x452: {  	s29 =	simm.s32 $0xC000  }
0x453: {  	[tilespmem:s29], [sflag:$0x1] =	stream.indirect_vreg.gather [hbm4b:s1+s3], $0x80, v3, vm0, $0xb8;
	[tilespmem:$0x10800] =	vst v63  }
0x454: {  	v3 =	vld [tilespmem:$0x5C0];
	_ =	sdelay $0x4  }
0x455: {  	v28 =	vshll.u32 v3, $0x1  }
0x456: {  	v3 =	vand.u32 $0x7, v3;
	v4 =	vand.u32 $0xFFFFFFF0, v28  }
0x457: {  	v3 =	vor.u32 v3, v4  }
0x458: {  	v4 =	vperm.xlane v3, v0;
	_ =	sdelay $0x1  }
0x459: {  	v3 =	vperm.xlane v3, v2;
	v4 =	vadd.s32 v1, v4;
	_ =	sdelay $0x1  }
0x45a: {  	v3 =	vadd.s32 v1, v3;
	_ =	sdelay $0x1  }
0x45b: {  	s16 =	simm.s32 $0xC800  }
0x45c: {  	[tilespmem:s16], [sflag:$0x1] =	stream.indirect_vreg.gather [hbm4b:s1+s3], $0x80, v4, vm0, $0xb8;
	[tilespmem:$0x10800] =	vst v63  }
0x45d: {  	s31 =	simm.s32 $0xD000  }
0x45e: {  	[tilespmem:s31], [sflag:$0x1] =	stream.indirect_vreg.gather [hbm4b:s1+s3], $0x80, v3, vm0, $0xb8;
	[tilespmem:$0x10800] =	vst v63  }
0x45f: {  	v3 =	vld [tilespmem:$0x5D0];
	_ =	sdelay $0x4  }
0x460: {  	v29 =	vshll.u32 v3, $0x1  }
0x461: {  	v3 =	vand.u32 $0x7, v3;
	v4 =	vand.u32 $0xFFFFFFF0, v29  }
0x462: {  	v3 =	vor.u32 v3, v4  }
0x463: {  	v4 =	vperm.xlane v3, v0;
	_ =	sdelay $0x1  }
0x464: {  	v3 =	vperm.xlane v3, v2;
	v4 =	vadd.s32 v1, v4;
	_ =	sdelay $0x1  }
0x465: {  	v3 =	vadd.s32 v1, v3;
	_ =	sdelay $0x1  }
0x466: {  	s8 =	simm.s32 $0xD800  }
0x467: {  	[tilespmem:s8], [sflag:$0x1] =	stream.indirect_vreg.gather [hbm4b:s1+s3], $0x80, v4, vm0, $0xb8;
	[tilespmem:$0x10800] =	vst v63  }
0x468: {  	s22 =	simm.s32 $0xE000  }
0x469: {  	[tilespmem:s22], [sflag:$0x1] =	stream.indirect_vreg.gather [hbm4b:s1+s3], $0x80, v3, vm0, $0xb8;
	[tilespmem:$0x10800] =	vst v63  }
0x46a: {  	v3 =	vld [tilespmem:$0x5E0];
	_ =	sdelay $0x4  }
0x46b: {  	v30 =	vshll.u32 v3, $0x1  }
0x46c: {  	v3 =	vand.u32 $0x7, v3;
	v4 =	vand.u32 $0xFFFFFFF0, v30  }
0x46d: {  	v3 =	vor.u32 v3, v4  }
0x46e: {  	v4 =	vperm.xlane v3, v0;
	_ =	sdelay $0x1  }
0x46f: {  	v3 =	vperm.xlane v3, v2;
	v4 =	vadd.s32 v1, v4;
	_ =	sdelay $0x1  }
0x470: {  	v3 =	vadd.s32 v1, v3;
	_ =	sdelay $0x1  }
0x471: {  	s10 =	simm.s32 $0xE800  }
0x472: {  	[tilespmem:s10], [sflag:$0x1] =	stream.indirect_vreg.gather [hbm4b:s1+s3], $0x80, v4, vm0, $0xb8;
	[tilespmem:$0x10800] =	vst v63  }
0x473: {  	s2 =	simm.s32 $0xF000  }
0x474: {  	[tilespmem:s2], [sflag:$0x1] =	stream.indirect_vreg.gather [hbm4b:s1+s3], $0x80, v3, vm0, $0xb8;
	[tilespmem:$0x10800] =	vst v63  }
0x475: {  	v3 =	vld [tilespmem:$0x5F0];
	_ =	sdelay $0x4  }
0x476: {  	v31 =	vshll.u32 v3, $0x1  }
0x477: {  	v3 =	vand.u32 $0x7, v3;
	v4 =	vand.u32 $0xFFFFFFF0, v31  }
0x478: {  	v3 =	vor.u32 v3, v4  }
0x479: {  	v4 =	vperm.xlane v3, v0;
	_ =	sdelay $0x1  }
0x47a: {  	v3 =	vperm.xlane v3, v2;
	v4 =	vadd.s32 v1, v4;
	_ =	sdelay $0x1  }
0x47b: {  	v3 =	vadd.s32 v1, v3;
	_ =	sdelay $0x1  }
0x47c: {  	s5 =	simm.s32 $0xF800  }
0x47d: {  	[tilespmem:s5], [sflag:$0x1] =	stream.indirect_vreg.gather [hbm4b:s1+s3], $0x80, v4, vm0, $0xb8;
	[tilespmem:$0x10800] =	vst v63  }
0x47e: {  	s4 =	simm.s32 $0x10000  }
0x47f: {  	[tilespmem:s4], [sflag:$0x1] =	stream.indirect_vreg.gather [hbm4b:s1+s3], $0x80, v3, vm0, $0xb8;
	[tilespmem:$0x10800] =	vst v63  }
0x480: {  	s10 =	rddreg [dreg:$0xe]  }
0x481: {  	[hbm4b:s10+s3] =	stream.linear.scatter [tilespmem:s7], [sflag:$0x2], $0x8000, $0x38;
	[tilespmem:$0x10800] =	vst v63  }
0x482: {  	_ =	swait.ge [sflag:s23], $0x8000  }
0x483: {  	[sflag:s23] =	ssyncset.done $0x0  }
0x484: {  	[sflag:s23] =	ssyncadd.s32 $0xFFFF8000  }
0x485: {  	_ =	swait.ge [sflag:s13], $0x8000  }
0x486: {  	[sflag:s13] =	ssyncset.done $0x0  }
0x487: {  	[sflag:s13] =	ssyncadd.s32 $0xFFFF8000  }
0x488: {  	v3 =	vld [tilespmem:$0x600];
	_ =	sdelay $0x4  }
0x489: {  	v32 =	vshll.u32 v3, $0x1  }
0x48a: {  	v3 =	vand.u32 $0x7, v3;
	v4 =	vand.u32 $0xFFFFFFF0, v32  }
0x48b: {  	v3 =	vor.u32 v3, v4  }
0x48c: {  	v4 =	vperm.xlane v3, v0;
	_ =	sdelay $0x1  }
0x48d: {  	v3 =	vperm.xlane v3, v2;
	v4 =	vadd.s32 v1, v4;
	_ =	sdelay $0x1  }
0x48e: {  	v3 =	vadd.s32 v1, v3;
	_ =	sdelay $0x2  }
0x48f: {  	[tilespmem:s7], [sflag:$0x1] =	stream.indirect_vreg.gather [hbm4b:s1+s3], $0x80, v4, vm0, $0xb8;
	[tilespmem:$0x10800] =	vst v63  }
0x490: {  	s20 =	simm.s32 $0x1000  }
0x491: {  	[tilespmem:s20], [sflag:$0x1] =	stream.indirect_vreg.gather [hbm4b:s1+s3], $0x80, v3, vm0, $0xb8;
	[tilespmem:$0x10800] =	vst v63  }
0x492: {  	v3 =	vld [tilespmem:$0x610];
	_ =	sdelay $0x4  }
0x493: {  	v33 =	vshll.u32 v3, $0x1  }
0x494: {  	v3 =	vand.u32 $0x7, v3;
	v4 =	vand.u32 $0xFFFFFFF0, v33  }
0x495: {  	v3 =	vor.u32 v3, v4  }
0x496: {  	v4 =	vperm.xlane v3, v0;
	_ =	sdelay $0x1  }
0x497: {  	v3 =	vperm.xlane v3, v2;
	v4 =	vadd.s32 v1, v4;
	_ =	sdelay $0x1  }
0x498: {  	v3 =	vadd.s32 v1, v3;
	_ =	sdelay $0x1  }
0x499: {  	s11 =	simm.s32 $0x1800  }
0x49a: {  	[tilespmem:s11], [sflag:$0x1] =	stream.indirect_vreg.gather [hbm4b:s1+s3], $0x80, v4, vm0, $0xb8;
	[tilespmem:$0x10800] =	vst v63  }
0x49b: {  	s20 =	simm.s32 $0x2000  }
0x49c: {  	[tilespmem:s20], [sflag:$0x1] =	stream.indirect_vreg.gather [hbm4b:s1+s3], $0x80, v3, vm0, $0xb8;
	[tilespmem:$0x10800] =	vst v63  }
0x49d: {  	v3 =	vld [tilespmem:$0x620];
	_ =	sdelay $0x4  }
0x49e: {  	v34 =	vshll.u32 v3, $0x1  }
0x49f: {  	v3 =	vand.u32 $0x7, v3;
	v4 =	vand.u32 $0xFFFFFFF0, v34  }
0x4a0: {  	v3 =	vor.u32 v3, v4  }
0x4a1: {  	v4 =	vperm.xlane v3, v0;
	_ =	sdelay $0x1  }
0x4a2: {  	v3 =	vperm.xlane v3, v2;
	v4 =	vadd.s32 v1, v4;
	_ =	sdelay $0x1  }
0x4a3: {  	v3 =	vadd.s32 v1, v3;
	_ =	sdelay $0x1  }
0x4a4: {  	s22 =	simm.s32 $0x2800  }
0x4a5: {  	[tilespmem:s22], [sflag:$0x1] =	stream.indirect_vreg.gather [hbm4b:s1+s3], $0x80, v4, vm0, $0xb8;
	[tilespmem:$0x10800] =	vst v63  }
0x4a6: {  	s28 =	simm.s32 $0x3000  }
0x4a7: {  	[tilespmem:s28], [sflag:$0x1] =	stream.indirect_vreg.gather [hbm4b:s1+s3], $0x80, v3, vm0, $0xb8;
	[tilespmem:$0x10800] =	vst v63  }
0x4a8: {  	v3 =	vld [tilespmem:$0x630];
	_ =	sdelay $0x4  }
0x4a9: {  	v35 =	vshll.u32 v3, $0x1  }
0x4aa: {  	v3 =	vand.u32 $0x7, v3;
	v4 =	vand.u32 $0xFFFFFFF0, v35  }
0x4ab: {  	v3 =	vor.u32 v3, v4  }
0x4ac: {  	v4 =	vperm.xlane v3, v0;
	_ =	sdelay $0x1  }
0x4ad: {  	v3 =	vperm.xlane v3, v2;
	v4 =	vadd.s32 v1, v4;
	_ =	sdelay $0x1  }
0x4ae: {  	v3 =	vadd.s32 v1, v3;
	_ =	sdelay $0x1  }
0x4af: {  	s10 =	simm.s32 $0x3800  }
0x4b0: {  	[tilespmem:s10], [sflag:$0x1] =	stream.indirect_vreg.gather [hbm4b:s1+s3], $0x80, v4, vm0, $0xb8;
	[tilespmem:$0x10800] =	vst v63  }
0x4b1: {  	s11 =	simm.s32 $0x4000  }
0x4b2: {  	[tilespmem:s11], [sflag:$0x1] =	stream.indirect_vreg.gather [hbm4b:s1+s3], $0x80, v3, vm0, $0xb8;
	[tilespmem:$0x10800] =	vst v63  }
0x4b3: {  	v3 =	vld [tilespmem:$0x640];
	_ =	sdelay $0x4  }
0x4b4: {  	v36 =	vshll.u32 v3, $0x1  }
0x4b5: {  	v3 =	vand.u32 $0x7, v3;
	v4 =	vand.u32 $0xFFFFFFF0, v36  }
0x4b6: {  	v3 =	vor.u32 v3, v4  }
0x4b7: {  	v4 =	vperm.xlane v3, v0;
	_ =	sdelay $0x1  }
0x4b8: {  	v3 =	vperm.xlane v3, v2;
	v4 =	vadd.s32 v1, v4;
	_ =	sdelay $0x1  }
0x4b9: {  	v3 =	vadd.s32 v1, v3;
	_ =	sdelay $0x1  }
0x4ba: {  	s14 =	simm.s32 $0x4800  }
0x4bb: {  	[tilespmem:s14], [sflag:$0x1] =	stream.indirect_vreg.gather [hbm4b:s1+s3], $0x80, v4, vm0, $0xb8;
	[tilespmem:$0x10800] =	vst v63  }
0x4bc: {  	s20 =	simm.s32 $0x5000  }
0x4bd: {  	[tilespmem:s20], [sflag:$0x1] =	stream.indirect_vreg.gather [hbm4b:s1+s3], $0x80, v3, vm0, $0xb8;
	[tilespmem:$0x10800] =	vst v63  }
0x4be: {  	v3 =	vld [tilespmem:$0x650];
	_ =	sdelay $0x4  }
0x4bf: {  	v37 =	vshll.u32 v3, $0x1  }
0x4c0: {  	v3 =	vand.u32 $0x7, v3;
	v4 =	vand.u32 $0xFFFFFFF0, v37  }
0x4c1: {  	v3 =	vor.u32 v3, v4  }
0x4c2: {  	v4 =	vperm.xlane v3, v0;
	_ =	sdelay $0x1  }
0x4c3: {  	v3 =	vperm.xlane v3, v2;
	v4 =	vadd.s32 v1, v4;
	_ =	sdelay $0x1  }
0x4c4: {  	v3 =	vadd.s32 v1, v3;
	_ =	sdelay $0x1  }
0x4c5: {  	s17 =	simm.s32 $0x5800  }
0x4c6: {  	[tilespmem:s17], [sflag:$0x1] =	stream.indirect_vreg.gather [hbm4b:s1+s3], $0x80, v4, vm0, $0xb8;
	[tilespmem:$0x10800] =	vst v63  }
0x4c7: {  	s19 =	simm.s32 $0x6000  }
0x4c8: {  	[tilespmem:s19], [sflag:$0x1] =	stream.indirect_vreg.gather [hbm4b:s1+s3], $0x80, v3, vm0, $0xb8;
	[tilespmem:$0x10800] =	vst v63  }
0x4c9: {  	v3 =	vld [tilespmem:$0x660];
	_ =	sdelay $0x4  }
0x4ca: {  	v38 =	vshll.u32 v3, $0x1  }
0x4cb: {  	v3 =	vand.u32 $0x7, v3;
	v4 =	vand.u32 $0xFFFFFFF0, v38  }
0x4cc: {  	v3 =	vor.u32 v3, v4  }
0x4cd: {  	v4 =	vperm.xlane v3, v0;
	_ =	sdelay $0x1  }
0x4ce: {  	v3 =	vperm.xlane v3, v2;
	v4 =	vadd.s32 v1, v4;
	_ =	sdelay $0x1  }
0x4cf: {  	v3 =	vadd.s32 v1, v3;
	_ =	sdelay $0x1  }
0x4d0: {  	s12 =	simm.s32 $0x6800  }
0x4d1: {  	[tilespmem:s12], [sflag:$0x1] =	stream.indirect_vreg.gather [hbm4b:s1+s3], $0x80, v4, vm0, $0xb8;
	[tilespmem:$0x10800] =	vst v63  }
0x4d2: {  	s22 =	simm.s32 $0x7000  }
0x4d3: {  	[tilespmem:s22], [sflag:$0x1] =	stream.indirect_vreg.gather [hbm4b:s1+s3], $0x80, v3, vm0, $0xb8;
	[tilespmem:$0x10800] =	vst v63  }
0x4d4: {  	v3 =	vld [tilespmem:$0x670];
	_ =	sdelay $0x4  }
0x4d5: {  	v39 =	vshll.u32 v3, $0x1  }
0x4d6: {  	v3 =	vand.u32 $0x7, v3;
	v4 =	vand.u32 $0xFFFFFFF0, v39  }
0x4d7: {  	v3 =	vor.u32 v3, v4  }
0x4d8: {  	v4 =	vperm.xlane v3, v0;
	_ =	sdelay $0x1  }
0x4d9: {  	v3 =	vperm.xlane v3, v2;
	v4 =	vadd.s32 v1, v4;
	_ =	sdelay $0x1  }
0x4da: {  	v3 =	vadd.s32 v1, v3;
	_ =	sdelay $0x1  }
0x4db: {  	s28 =	simm.s32 $0x7800  }
0x4dc: {  	[tilespmem:s28], [sflag:$0x1] =	stream.indirect_vreg.gather [hbm4b:s1+s3], $0x80, v4, vm0, $0xb8;
	[tilespmem:$0x10800] =	vst v63  }
0x4dd: {  	s30 =	simm.s32 $0x8000  }
0x4de: {  	[tilespmem:s30], [sflag:$0x1] =	stream.indirect_vreg.gather [hbm4b:s1+s3], $0x80, v3, vm0, $0xb8;
	[tilespmem:$0x10800] =	vst v63  }
0x4df: {  	s4 =	rddreg [dreg:$0xf]  }
0x4e0: {  	[hbm4b:s4+s3] =	stream.linear.scatter [tilespmem:s24], [sflag:$0x2], $0x8000, $0x38;
	[tilespmem:$0x10800] =	vst v63  }
0x4e1: {  	_ =	swait.ge [sflag:s23], $0x8000  }
0x4e2: {  	[sflag:s23] =	ssyncset.done $0x0  }
0x4e3: {  	[sflag:s23] =	ssyncadd.s32 $0xFFFF8000  }
0x4e4: {  	_ =	swait.ge [sflag:s13], $0x8000  }
0x4e5: {  	[sflag:s13] =	ssyncset.done $0x0  }
0x4e6: {  	[sflag:s13] =	ssyncadd.s32 $0xFFFF8000  }
0x4e7: {  	v3 =	vld [tilespmem:$0x680];
	_ =	sdelay $0x4  }
0x4e8: {  	v40 =	vshll.u32 v3, $0x1  }
0x4e9: {  	v3 =	vand.u32 $0x7, v3;
	v4 =	vand.u32 $0xFFFFFFF0, v40  }
0x4ea: {  	v3 =	vor.u32 v3, v4  }
0x4eb: {  	v4 =	vperm.xlane v3, v0;
	_ =	sdelay $0x1  }
0x4ec: {  	v3 =	vperm.xlane v3, v2;
	v4 =	vadd.s32 v1, v4;
	_ =	sdelay $0x1  }
0x4ed: {  	v3 =	vadd.s32 v1, v3;
	_ =	sdelay $0x2  }
0x4ee: {  	[tilespmem:s24], [sflag:$0x1] =	stream.indirect_vreg.gather [hbm4b:s1+s3], $0x80, v4, vm0, $0xb8;
	[tilespmem:$0x10800] =	vst v63  }
0x4ef: {  	s18 =	simm.s32 $0x9000  }
0x4f0: {  	[tilespmem:s18], [sflag:$0x1] =	stream.indirect_vreg.gather [hbm4b:s1+s3], $0x80, v3, vm0, $0xb8;
	[tilespmem:$0x10800] =	vst v63  }
0x4f1: {  	v3 =	vld [tilespmem:$0x690];
	_ =	sdelay $0x4  }
0x4f2: {  	v41 =	vshll.u32 v3, $0x1  }
0x4f3: {  	v3 =	vand.u32 $0x7, v3;
	v4 =	vand.u32 $0xFFFFFFF0, v41  }
0x4f4: {  	v3 =	vor.u32 v3, v4  }
0x4f5: {  	v4 =	vperm.xlane v3, v0;
	_ =	sdelay $0x1  }
0x4f6: {  	v3 =	vperm.xlane v3, v2;
	v4 =	vadd.s32 v1, v4;
	_ =	sdelay $0x1  }
0x4f7: {  	v3 =	vadd.s32 v1, v3;
	_ =	sdelay $0x1  }
0x4f8: {  	s26 =	simm.s32 $0x9800  }
0x4f9: {  	[tilespmem:s26], [sflag:$0x1] =	stream.indirect_vreg.gather [hbm4b:s1+s3], $0x80, v4, vm0, $0xb8;
	[tilespmem:$0x10800] =	vst v63  }
0x4fa: {  	s9 =	simm.s32 $0xA000  }
0x4fb: {  	[tilespmem:s9], [sflag:$0x1] =	stream.indirect_vreg.gather [hbm4b:s1+s3], $0x80, v3, vm0, $0xb8;
	[tilespmem:$0x10800] =	vst v63  }
0x4fc: {  	v3 =	vld [tilespmem:$0x6A0];
	_ =	sdelay $0x4  }
0x4fd: {  	v42 =	vshll.u32 v3, $0x1  }
0x4fe: {  	v3 =	vand.u32 $0x7, v3;
	v4 =	vand.u32 $0xFFFFFFF0, v42  }
0x4ff: {  	v3 =	vor.u32 v3, v4  }
0x500: {  	v4 =	vperm.xlane v3, v0;
	_ =	sdelay $0x1  }
0x501: {  	v3 =	vperm.xlane v3, v2;
	v4 =	vadd.s32 v1, v4;
	_ =	sdelay $0x1  }
0x502: {  	v3 =	vadd.s32 v1, v3;
	_ =	sdelay $0x1  }
0x503: {  	s15 =	simm.s32 $0xA800  }
0x504: {  	[tilespmem:s15], [sflag:$0x1] =	stream.indirect_vreg.gather [hbm4b:s1+s3], $0x80, v4, vm0, $0xb8;
	[tilespmem:$0x10800] =	vst v63  }
0x505: {  	s21 =	simm.s32 $0xB000  }
0x506: {  	[tilespmem:s21], [sflag:$0x1] =	stream.indirect_vreg.gather [hbm4b:s1+s3], $0x80, v3, vm0, $0xb8;
	[tilespmem:$0x10800] =	vst v63  }
0x507: {  	v3 =	vld [tilespmem:$0x6B0];
	_ =	sdelay $0x4  }
0x508: {  	v43 =	vshll.u32 v3, $0x1  }
0x509: {  	v3 =	vand.u32 $0x7, v3;
	v4 =	vand.u32 $0xFFFFFFF0, v43  }
0x50a: {  	v3 =	vor.u32 v3, v4  }
0x50b: {  	v4 =	vperm.xlane v3, v0;
	_ =	sdelay $0x1  }
0x50c: {  	v3 =	vperm.xlane v3, v2;
	v4 =	vadd.s32 v1, v4;
	_ =	sdelay $0x1  }
0x50d: {  	v3 =	vadd.s32 v1, v3;
	_ =	sdelay $0x1  }
0x50e: {  	s12 =	simm.s32 $0xB800  }
0x50f: {  	[tilespmem:s12], [sflag:$0x1] =	stream.indirect_vreg.gather [hbm4b:s1+s3], $0x80, v4, vm0, $0xb8;
	[tilespmem:$0x10800] =	vst v63  }
0x510: {  	s14 =	simm.s32 $0xC000  }
0x511: {  	[tilespmem:s14], [sflag:$0x1] =	stream.indirect_vreg.gather [hbm4b:s1+s3], $0x80, v3, vm0, $0xb8;
	[tilespmem:$0x10800] =	vst v63  }
0x512: {  	v3 =	vld [tilespmem:$0x6C0];
	_ =	sdelay $0x4  }
0x513: {  	v44 =	vshll.u32 v3, $0x1  }
0x514: {  	v3 =	vand.u32 $0x7, v3;
	v4 =	vand.u32 $0xFFFFFFF0, v44  }
0x515: {  	v3 =	vor.u32 v3, v4  }
0x516: {  	v4 =	vperm.xlane v3, v0;
	_ =	sdelay $0x1  }
0x517: {  	v3 =	vperm.xlane v3, v2;
	v4 =	vadd.s32 v1, v4;
	_ =	sdelay $0x1  }
0x518: {  	v3 =	vadd.s32 v1, v3;
	_ =	sdelay $0x1  }
0x519: {  	s21 =	simm.s32 $0xC800  }
0x51a: {  	[tilespmem:s21], [sflag:$0x1] =	stream.indirect_vreg.gather [hbm4b:s1+s3], $0x80, v4, vm0, $0xb8;
	[tilespmem:$0x10800] =	vst v63  }
0x51b: {  	s22 =	simm.s32 $0xD000  }
0x51c: {  	[tilespmem:s22], [sflag:$0x1] =	stream.indirect_vreg.gather [hbm4b:s1+s3], $0x80, v3, vm0, $0xb8;
	[tilespmem:$0x10800] =	vst v63  }
0x51d: {  	v3 =	vld [tilespmem:$0x6D0];
	_ =	sdelay $0x4  }
0x51e: {  	v45 =	vshll.u32 v3, $0x1  }
0x51f: {  	v3 =	vand.u32 $0x7, v3;
	v4 =	vand.u32 $0xFFFFFFF0, v45  }
0x520: {  	v3 =	vor.u32 v3, v4  }
0x521: {  	v4 =	vperm.xlane v3, v0;
	_ =	sdelay $0x1  }
0x522: {  	v3 =	vperm.xlane v3, v2;
	v4 =	vadd.s32 v1, v4;
	_ =	sdelay $0x1  }
0x523: {  	v3 =	vadd.s32 v1, v3;
	_ =	sdelay $0x1  }
0x524: {  	s25 =	simm.s32 $0xD800  }
0x525: {  	[tilespmem:s25], [sflag:$0x1] =	stream.indirect_vreg.gather [hbm4b:s1+s3], $0x80, v4, vm0, $0xb8;
	[tilespmem:$0x10800] =	vst v63  }
0x526: {  	s31 =	simm.s32 $0xE000  }
0x527: {  	[tilespmem:s31], [sflag:$0x1] =	stream.indirect_vreg.gather [hbm4b:s1+s3], $0x80, v3, vm0, $0xb8;
	[tilespmem:$0x10800] =	vst v63  }
0x528: {  	v3 =	vld [tilespmem:$0x6E0];
	_ =	sdelay $0x4  }
0x529: {  	v46 =	vshll.u32 v3, $0x1  }
0x52a: {  	v3 =	vand.u32 $0x7, v3;
	v4 =	vand.u32 $0xFFFFFFF0, v46  }
0x52b: {  	v3 =	vor.u32 v3, v4  }
0x52c: {  	v4 =	vperm.xlane v3, v0;
	_ =	sdelay $0x1  }
0x52d: {  	v3 =	vperm.xlane v3, v2;
	v4 =	vadd.s32 v1, v4;
	_ =	sdelay $0x1  }
0x52e: {  	v3 =	vadd.s32 v1, v3;
	_ =	sdelay $0x1  }
0x52f: {  	s16 =	simm.s32 $0xE800  }
0x530: {  	[tilespmem:s16], [sflag:$0x1] =	stream.indirect_vreg.gather [hbm4b:s1+s3], $0x80, v4, vm0, $0xb8;
	[tilespmem:$0x10800] =	vst v63  }
0x531: {  	s8 =	simm.s32 $0xF000  }
0x532: {  	[tilespmem:s8], [sflag:$0x1] =	stream.indirect_vreg.gather [hbm4b:s1+s3], $0x80, v3, vm0, $0xb8;
	[tilespmem:$0x10800] =	vst v63  }
0x533: {  	v3 =	vld [tilespmem:$0x6F0];
	_ =	sdelay $0x4  }
0x534: {  	v47 =	vshll.u32 v3, $0x1  }
0x535: {  	v3 =	vand.u32 $0x7, v3;
	v4 =	vand.u32 $0xFFFFFFF0, v47  }
0x536: {  	v3 =	vor.u32 v3, v4  }
0x537: {  	v4 =	vperm.xlane v3, v0;
	_ =	sdelay $0x1  }
0x538: {  	v3 =	vperm.xlane v3, v2;
	v4 =	vadd.s32 v1, v4;
	_ =	sdelay $0x1  }
0x539: {  	v3 =	vadd.s32 v1, v3;
	_ =	sdelay $0x1  }
0x53a: {  	s29 =	simm.s32 $0xF800  }
0x53b: {  	[tilespmem:s29], [sflag:$0x1] =	stream.indirect_vreg.gather [hbm4b:s1+s3], $0x80, v4, vm0, $0xb8;
	[tilespmem:$0x10800] =	vst v63  }
0x53c: {  	s6 =	simm.s32 $0x10000  }
0x53d: {  	[tilespmem:s6], [sflag:$0x1] =	stream.indirect_vreg.gather [hbm4b:s1+s3], $0x80, v3, vm0, $0xb8;
	[tilespmem:$0x10800] =	vst v63  }
0x53e: {  	s31 =	rddreg [dreg:$0x10]  }
0x53f: {  	[hbm4b:s31+s3] =	stream.linear.scatter [tilespmem:s7], [sflag:$0x2], $0x8000, $0x38;
	[tilespmem:$0x10800] =	vst v63  }
0x540: {  	_ =	swait.ge [sflag:s23], $0x8000  }
0x541: {  	[sflag:s23] =	ssyncset.done $0x0  }
0x542: {  	[sflag:s23] =	ssyncadd.s32 $0xFFFF8000  }
0x543: {  	_ =	swait.ge [sflag:s13], $0x8000  }
0x544: {  	[sflag:s13] =	ssyncset.done $0x0  }
0x545: {  	[sflag:s13] =	ssyncadd.s32 $0xFFFF8000  }
0x546: {  	v3 =	vld [tilespmem:$0x700];
	_ =	sdelay $0x4  }
0x547: {  	v48 =	vshll.u32 v3, $0x1  }
0x548: {  	v3 =	vand.u32 $0x7, v3;
	v4 =	vand.u32 $0xFFFFFFF0, v48  }
0x549: {  	v3 =	vor.u32 v3, v4  }
0x54a: {  	v4 =	vperm.xlane v3, v0;
	_ =	sdelay $0x1  }
0x54b: {  	v3 =	vperm.xlane v3, v2;
	v4 =	vadd.s32 v1, v4;
	_ =	sdelay $0x1  }
0x54c: {  	v3 =	vadd.s32 v1, v3;
	_ =	sdelay $0x2  }
0x54d: {  	[tilespmem:s7], [sflag:$0x1] =	stream.indirect_vreg.gather [hbm4b:s1+s3], $0x80, v4, vm0, $0xb8;
	[tilespmem:$0x10800] =	vst v63  }
0x54e: {  	s2 =	simm.s32 $0x1000  }
0x54f: {  	[tilespmem:s2], [sflag:$0x1] =	stream.indirect_vreg.gather [hbm4b:s1+s3], $0x80, v3, vm0, $0xb8;
	[tilespmem:$0x10800] =	vst v63  }
0x550: {  	v3 =	vld [tilespmem:$0x710];
	_ =	sdelay $0x4  }
0x551: {  	v49 =	vshll.u32 v3, $0x1  }
0x552: {  	v3 =	vand.u32 $0x7, v3;
	v4 =	vand.u32 $0xFFFFFFF0, v49  }
0x553: {  	v3 =	vor.u32 v3, v4  }
0x554: {  	v4 =	vperm.xlane v3, v0;
	_ =	sdelay $0x1  }
0x555: {  	v3 =	vperm.xlane v3, v2;
	v4 =	vadd.s32 v1, v4;
	_ =	sdelay $0x1  }
0x556: {  	v3 =	vadd.s32 v1, v3;
	_ =	sdelay $0x1  }
0x557: {  	s5 =	simm.s32 $0x1800  }
0x558: {  	[tilespmem:s5], [sflag:$0x1] =	stream.indirect_vreg.gather [hbm4b:s1+s3], $0x80, v4, vm0, $0xb8;
	[tilespmem:$0x10800] =	vst v63  }
0x559: {  	s16 =	simm.s32 $0x2000  }
0x55a: {  	[tilespmem:s16], [sflag:$0x1] =	stream.indirect_vreg.gather [hbm4b:s1+s3], $0x80, v3, vm0, $0xb8;
	[tilespmem:$0x10800] =	vst v63  }
0x55b: {  	v3 =	vld [tilespmem:$0x720];
	_ =	sdelay $0x4  }
0x55c: {  	v50 =	vshll.u32 v3, $0x1  }
0x55d: {  	v3 =	vand.u32 $0x7, v3;
	v4 =	vand.u32 $0xFFFFFFF0, v50  }
0x55e: {  	v3 =	vor.u32 v3, v4  }
0x55f: {  	v4 =	vperm.xlane v3, v0;
	_ =	sdelay $0x1  }
0x560: {  	v3 =	vperm.xlane v3, v2;
	v4 =	vadd.s32 v1, v4;
	_ =	sdelay $0x1  }
0x561: {  	v3 =	vadd.s32 v1, v3;
	_ =	sdelay $0x1  }
0x562: {  	s29 =	simm.s32 $0x2800  }
0x563: {  	[tilespmem:s29], [sflag:$0x1] =	stream.indirect_vreg.gather [hbm4b:s1+s3], $0x80, v4, vm0, $0xb8;
	[tilespmem:$0x10800] =	vst v63  }
0x564: {  	s31 =	simm.s32 $0x3000  }
0x565: {  	[tilespmem:s31], [sflag:$0x1] =	stream.indirect_vreg.gather [hbm4b:s1+s3], $0x80, v3, vm0, $0xb8;
	[tilespmem:$0x10800] =	vst v63  }
0x566: {  	v3 =	vld [tilespmem:$0x730];
	_ =	sdelay $0x4  }
0x567: {  	v51 =	vshll.u32 v3, $0x1  }
0x568: {  	v3 =	vand.u32 $0x7, v3;
	v4 =	vand.u32 $0xFFFFFFF0, v51  }
0x569: {  	v3 =	vor.u32 v3, v4  }
0x56a: {  	v4 =	vperm.xlane v3, v0;
	_ =	sdelay $0x1  }
0x56b: {  	v3 =	vperm.xlane v3, v2;
	v4 =	vadd.s32 v1, v4;
	_ =	sdelay $0x1  }
0x56c: {  	v3 =	vadd.s32 v1, v3;
	_ =	sdelay $0x1  }
0x56d: {  	s5 =	simm.s32 $0x3800  }
0x56e: {  	[tilespmem:s5], [sflag:$0x1] =	stream.indirect_vreg.gather [hbm4b:s1+s3], $0x80, v4, vm0, $0xb8;
	[tilespmem:$0x10800] =	vst v63  }
0x56f: {  	s6 =	simm.s32 $0x4000  }
0x570: {  	[tilespmem:s6], [sflag:$0x1] =	stream.indirect_vreg.gather [hbm4b:s1+s3], $0x80, v3, vm0, $0xb8;
	[tilespmem:$0x10800] =	vst v63  }
0x571: {  	v3 =	vld [tilespmem:$0x740];
	_ =	sdelay $0x4  }
0x572: {  	v52 =	vshll.u32 v3, $0x1  }
0x573: {  	v3 =	vand.u32 $0x7, v3;
	v4 =	vand.u32 $0xFFFFFFF0, v52  }
0x574: {  	v3 =	vor.u32 v3, v4  }
0x575: {  	v4 =	vperm.xlane v3, v0;
	_ =	sdelay $0x1  }
0x576: {  	v3 =	vperm.xlane v3, v2;
	v4 =	vadd.s32 v1, v4;
	_ =	sdelay $0x1  }
0x577: {  	v3 =	vadd.s32 v1, v3;
	_ =	sdelay $0x1  }
0x578: {  	s14 =	simm.s32 $0x4800  }
0x579: {  	[tilespmem:s14], [sflag:$0x1] =	stream.indirect_vreg.gather [hbm4b:s1+s3], $0x80, v4, vm0, $0xb8;
	[tilespmem:$0x10800] =	vst v63  }
0x57a: {  	s20 =	simm.s32 $0x5000  }
0x57b: {  	[tilespmem:s20], [sflag:$0x1] =	stream.indirect_vreg.gather [hbm4b:s1+s3], $0x80, v3, vm0, $0xb8;
	[tilespmem:$0x10800] =	vst v63  }
0x57c: {  	v3 =	vld [tilespmem:$0x750];
	_ =	sdelay $0x4  }
0x57d: {  	v53 =	vshll.u32 v3, $0x1  }
0x57e: {  	v3 =	vand.u32 $0x7, v3;
	v4 =	vand.u32 $0xFFFFFFF0, v53  }
0x57f: {  	v3 =	vor.u32 v3, v4  }
0x580: {  	v4 =	vperm.xlane v3, v0;
	_ =	sdelay $0x1  }
0x581: {  	v3 =	vperm.xlane v3, v2;
	v4 =	vadd.s32 v1, v4;
	_ =	sdelay $0x1  }
0x582: {  	v3 =	vadd.s32 v1, v3;
	_ =	sdelay $0x1  }
0x583: {  	s11 =	simm.s32 $0x5800  }
0x584: {  	[tilespmem:s11], [sflag:$0x1] =	stream.indirect_vreg.gather [hbm4b:s1+s3], $0x80, v4, vm0, $0xb8;
	[tilespmem:$0x10800] =	vst v63  }
0x585: {  	s17 =	simm.s32 $0x6000  }
0x586: {  	[tilespmem:s17], [sflag:$0x1] =	stream.indirect_vreg.gather [hbm4b:s1+s3], $0x80, v3, vm0, $0xb8;
	[tilespmem:$0x10800] =	vst v63  }
0x587: {  	v3 =	vld [tilespmem:$0x760];
	_ =	sdelay $0x4  }
0x588: {  	v54 =	vshll.u32 v3, $0x1  }
0x589: {  	v3 =	vand.u32 $0x7, v3;
	v4 =	vand.u32 $0xFFFFFFF0, v54  }
0x58a: {  	v3 =	vor.u32 v3, v4  }
0x58b: {  	v4 =	vperm.xlane v3, v0;
	_ =	sdelay $0x1  }
0x58c: {  	v3 =	vperm.xlane v3, v2;
	v4 =	vadd.s32 v1, v4;
	_ =	sdelay $0x1  }
0x58d: {  	v3 =	vadd.s32 v1, v3;
	_ =	sdelay $0x1  }
0x58e: {  	s10 =	simm.s32 $0x6800  }
0x58f: {  	[tilespmem:s10], [sflag:$0x1] =	stream.indirect_vreg.gather [hbm4b:s1+s3], $0x80, v4, vm0, $0xb8;
	[tilespmem:$0x10800] =	vst v63  }
0x590: {  	s16 =	simm.s32 $0x7000  }
0x591: {  	[tilespmem:s16], [sflag:$0x1] =	stream.indirect_vreg.gather [hbm4b:s1+s3], $0x80, v3, vm0, $0xb8;
	[tilespmem:$0x10800] =	vst v63  }
0x592: {  	v3 =	vld [tilespmem:$0x770];
	_ =	sdelay $0x4  }
0x593: {  	v55 =	vshll.u32 v3, $0x1  }
0x594: {  	v3 =	vand.u32 $0x7, v3;
	v4 =	vand.u32 $0xFFFFFFF0, v55  }
0x595: {  	v3 =	vor.u32 v3, v4  }
0x596: {  	v4 =	vperm.xlane v3, v0;
	_ =	sdelay $0x1  }
0x597: {  	v3 =	vperm.xlane v3, v2;
	v4 =	vadd.s32 v1, v4;
	_ =	sdelay $0x1  }
0x598: {  	v3 =	vadd.s32 v1, v3;
	_ =	sdelay $0x1  }
0x599: {  	s17 =	simm.s32 $0x7800  }
0x59a: {  	[tilespmem:s17], [sflag:$0x1] =	stream.indirect_vreg.gather [hbm4b:s1+s3], $0x80, v4, vm0, $0xb8;
	[tilespmem:$0x10800] =	vst v63  }
0x59b: {  	s28 =	simm.s32 $0x8000  }
0x59c: {  	[tilespmem:s28], [sflag:$0x1] =	stream.indirect_vreg.gather [hbm4b:s1+s3], $0x80, v3, vm0, $0xb8;
	[tilespmem:$0x10800] =	vst v63  }
0x59d: {  	s20 =	rddreg [dreg:$0x11]  }
0x59e: {  	[hbm4b:s20+s3] =	stream.linear.scatter [tilespmem:s24], [sflag:$0x2], $0x8000, $0x38;
	[tilespmem:$0x10800] =	vst v63  }
0x59f: {  	_ =	swait.ge [sflag:s23], $0x8000  }
0x5a0: {  	[sflag:s23] =	ssyncset.done $0x0  }
0x5a1: {  	[sflag:s23] =	ssyncadd.s32 $0xFFFF8000  }
0x5a2: {  	_ =	swait.ge [sflag:s13], $0x8000  }
0x5a3: {  	[sflag:s13] =	ssyncset.done $0x0  }
0x5a4: {  	[sflag:s13] =	ssyncadd.s32 $0xFFFF8000  }
0x5a5: {  	v3 =	vld [tilespmem:$0x780];
	_ =	sdelay $0x4  }
0x5a6: {  	v56 =	vshll.u32 v3, $0x1  }
0x5a7: {  	v3 =	vand.u32 $0x7, v3;
	v4 =	vand.u32 $0xFFFFFFF0, v56  }
0x5a8: {  	v3 =	vor.u32 v3, v4  }
0x5a9: {  	v4 =	vperm.xlane v3, v0;
	_ =	sdelay $0x1  }
0x5aa: {  	v3 =	vperm.xlane v3, v2;
	v4 =	vadd.s32 v1, v4;
	_ =	sdelay $0x1  }
0x5ab: {  	v3 =	vadd.s32 v1, v3;
	_ =	sdelay $0x2  }
0x5ac: {  	[tilespmem:s24], [sflag:$0x1] =	stream.indirect_vreg.gather [hbm4b:s1+s3], $0x80, v4, vm0, $0xb8;
	[tilespmem:$0x10800] =	vst v63  }
0x5ad: {  	s19 =	simm.s32 $0x9000  }
0x5ae: {  	[tilespmem:s19], [sflag:$0x1] =	stream.indirect_vreg.gather [hbm4b:s1+s3], $0x80, v3, vm0, $0xb8;
	[tilespmem:$0x10800] =	vst v63  }
0x5af: {  	v3 =	vld [tilespmem:$0x790];
	_ =	sdelay $0x4  }
0x5b0: {  	v57 =	vshll.u32 v3, $0x1  }
0x5b1: {  	v3 =	vand.u32 $0x7, v3;
	v4 =	vand.u32 $0xFFFFFFF0, v57  }
0x5b2: {  	v3 =	vor.u32 v3, v4  }
0x5b3: {  	v4 =	vperm.xlane v3, v0;
	_ =	sdelay $0x1  }
0x5b4: {  	v3 =	vperm.xlane v3, v2;
	v4 =	vadd.s32 v1, v4;
	_ =	sdelay $0x1  }
0x5b5: {  	v3 =	vadd.s32 v1, v3;
	_ =	sdelay $0x1  }
0x5b6: {  	s26 =	simm.s32 $0x9800  }
0x5b7: {  	[tilespmem:s26], [sflag:$0x1] =	stream.indirect_vreg.gather [hbm4b:s1+s3], $0x80, v4, vm0, $0xb8;
	[tilespmem:$0x10800] =	vst v63  }
0x5b8: {  	s4 =	simm.s32 $0xA000  }
0x5b9: {  	[tilespmem:s4], [sflag:$0x1] =	stream.indirect_vreg.gather [hbm4b:s1+s3], $0x80, v3, vm0, $0xb8;
	[tilespmem:$0x10800] =	vst v63  }
0x5ba: {  	v3 =	vld [tilespmem:$0x7A0];
	_ =	sdelay $0x4  }
0x5bb: {  	v58 =	vshll.u32 v3, $0x1  }
0x5bc: {  	v3 =	vand.u32 $0x7, v3;
	v4 =	vand.u32 $0xFFFFFFF0, v58  }
0x5bd: {  	v3 =	vor.u32 v3, v4  }
0x5be: {  	v4 =	vperm.xlane v3, v0;
	_ =	sdelay $0x1  }
0x5bf: {  	v3 =	vperm.xlane v3, v2;
	v4 =	vadd.s32 v1, v4;
	_ =	sdelay $0x1  }
0x5c0: {  	v3 =	vadd.s32 v1, v3;
	_ =	sdelay $0x1  }
0x5c1: {  	s18 =	simm.s32 $0xA800  }
0x5c2: {  	[tilespmem:s18], [sflag:$0x1] =	stream.indirect_vreg.gather [hbm4b:s1+s3], $0x80, v4, vm0, $0xb8;
	[tilespmem:$0x10800] =	vst v63  }
0x5c3: {  	s15 =	simm.s32 $0xB000  }
0x5c4: {  	[tilespmem:s15], [sflag:$0x1] =	stream.indirect_vreg.gather [hbm4b:s1+s3], $0x80, v3, vm0, $0xb8;
	[tilespmem:$0x10800] =	vst v63  }
0x5c5: {  	v3 =	vld [tilespmem:$0x7B0];
	_ =	sdelay $0x4  }
0x5c6: {  	v59 =	vshll.u32 v3, $0x1  }
0x5c7: {  	v3 =	vand.u32 $0x7, v3;
	v4 =	vand.u32 $0xFFFFFFF0, v59  }
0x5c8: {  	v3 =	vor.u32 v3, v4  }
0x5c9: {  	v4 =	vperm.xlane v3, v0;
	_ =	sdelay $0x1  }
0x5ca: {  	v3 =	vperm.xlane v3, v2;
	v4 =	vadd.s32 v1, v4;
	_ =	sdelay $0x1  }
0x5cb: {  	v3 =	vadd.s32 v1, v3;
	_ =	sdelay $0x1  }
0x5cc: {  	s26 =	simm.s32 $0xB800  }
0x5cd: {  	[tilespmem:s26], [sflag:$0x1] =	stream.indirect_vreg.gather [hbm4b:s1+s3], $0x80, v4, vm0, $0xb8;
	[tilespmem:$0x10800] =	vst v63  }
0x5ce: {  	s28 =	simm.s32 $0xC000  }
0x5cf: {  	[tilespmem:s28], [sflag:$0x1] =	stream.indirect_vreg.gather [hbm4b:s1+s3], $0x80, v3, vm0, $0xb8;
	[tilespmem:$0x10800] =	vst v63  }
0x5d0: {  	v3 =	vld [tilespmem:$0x7C0];
	_ =	sdelay $0x4  }
0x5d1: {  	v60 =	vshll.u32 v3, $0x1  }
0x5d2: {  	v3 =	vand.u32 $0x7, v3;
	v4 =	vand.u32 $0xFFFFFFF0, v60  }
0x5d3: {  	v3 =	vor.u32 v3, v4  }
0x5d4: {  	v4 =	vperm.xlane v3, v0;
	_ =	sdelay $0x1  }
0x5d5: {  	v3 =	vperm.xlane v3, v2;
	v4 =	vadd.s32 v1, v4;
	_ =	sdelay $0x1  }
0x5d6: {  	v3 =	vadd.s32 v1, v3;
	_ =	sdelay $0x1  }
0x5d7: {  	s30 =	simm.s32 $0xC800  }
0x5d8: {  	[tilespmem:s30], [sflag:$0x1] =	stream.indirect_vreg.gather [hbm4b:s1+s3], $0x80, v4, vm0, $0xb8;
	[tilespmem:$0x10800] =	vst v63  }
0x5d9: {  	s29 =	simm.s32 $0xD000  }
0x5da: {  	[tilespmem:s29], [sflag:$0x1] =	stream.indirect_vreg.gather [hbm4b:s1+s3], $0x80, v3, vm0, $0xb8;
	[tilespmem:$0x10800] =	vst v63  }
0x5db: {  	v3 =	vld [tilespmem:$0x7D0];
	_ =	sdelay $0x4  }
0x5dc: {  	v61 =	vshll.u32 v3, $0x1  }
0x5dd: {  	v3 =	vand.u32 $0x7, v3;
	v4 =	vand.u32 $0xFFFFFFF0, v61  }
0x5de: {  	v3 =	vor.u32 v3, v4  }
0x5df: {  	v4 =	vperm.xlane v3, v0;
	_ =	sdelay $0x1  }
0x5e0: {  	v3 =	vperm.xlane v3, v2;
	v4 =	vadd.s32 v1, v4;
	_ =	sdelay $0x1  }
0x5e1: {  	v3 =	vadd.s32 v1, v3;
	_ =	sdelay $0x1  }
0x5e2: {  	s22 =	simm.s32 $0xD800  }
0x5e3: {  	[tilespmem:s22], [sflag:$0x1] =	stream.indirect_vreg.gather [hbm4b:s1+s3], $0x80, v4, vm0, $0xb8;
	[tilespmem:$0x10800] =	vst v63  }
0x5e4: {  	s25 =	simm.s32 $0xE000  }
0x5e5: {  	[tilespmem:s25], [sflag:$0x1] =	stream.indirect_vreg.gather [hbm4b:s1+s3], $0x80, v3, vm0, $0xb8;
	[tilespmem:$0x10800] =	vst v63  }
0x5e6: {  	v3 =	vld [tilespmem:$0x7E0];
	_ =	sdelay $0x4  }
0x5e7: {  	v62 =	vshll.u32 v3, $0x1  }
0x5e8: {  	v3 =	vand.u32 $0x7, v3;
	v4 =	vand.u32 $0xFFFFFFF0, v62  }
0x5e9: {  	v3 =	vor.u32 v3, v4  }
0x5ea: {  	v4 =	vperm.xlane v3, v0;
	_ =	sdelay $0x1  }
0x5eb: {  	v3 =	vperm.xlane v3, v2;
	v4 =	vadd.s32 v1, v4;
	_ =	sdelay $0x1  }
0x5ec: {  	v3 =	vadd.s32 v1, v3;
	_ =	sdelay $0x1  }
0x5ed: {  	s21 =	simm.s32 $0xE800  }
0x5ee: {  	[tilespmem:s21], [sflag:$0x1] =	stream.indirect_vreg.gather [hbm4b:s1+s3], $0x80, v4, vm0, $0xb8;
	[tilespmem:$0x10800] =	vst v63  }
0x5ef: {  	s12 =	simm.s32 $0xF000  }
0x5f0: {  	[tilespmem:s12], [sflag:$0x1] =	stream.indirect_vreg.gather [hbm4b:s1+s3], $0x80, v3, vm0, $0xb8;
	[tilespmem:$0x10800] =	vst v63  }
0x5f1: {  	v3 =	vld [tilespmem:$0x7F0];
	_ =	sdelay $0x4  }
0x5f2: {  	v63 =	vshll.u32 v3, $0x1  }
0x5f3: {  	v3 =	vand.u32 $0x7, v3;
	v4 =	vand.u32 $0xFFFFFFF0, v63  }
0x5f4: {  	v3 =	vor.u32 v3, v4  }
0x5f5: {  	v4 =	vperm.xlane v3, v0;
	_ =	sdelay $0x1  }
0x5f6: {  	v3 =	vperm.xlane v3, v2;
	v4 =	vadd.s32 v1, v4;
	_ =	sdelay $0x1  }
0x5f7: {  	v3 =	vadd.s32 v1, v3;
	_ =	sdelay $0x1  }
0x5f8: {  	s8 =	simm.s32 $0xF800  }
0x5f9: {  	[tilespmem:s8], [sflag:$0x1] =	stream.indirect_vreg.gather [hbm4b:s1+s3], $0x80, v4, vm0, $0xb8;
	[tilespmem:$0x10800] =	vst v63  }
0x5fa: {  	s9 =	simm.s32 $0x10000  }
0x5fb: {  	[tilespmem:s9], [sflag:$0x1] =	stream.indirect_vreg.gather [hbm4b:s1+s3], $0x80, v3, vm0, $0xb8;
	[tilespmem:$0x10800] =	vst v63  }
0x5fc: {  	s30 =	rddreg [dreg:$0x12]  }
0x5fd: {  	[hbm4b:s30+s3] =	stream.linear.scatter [tilespmem:s7], [sflag:$0x2], $0x8000, $0x38;
	[tilespmem:$0x10800] =	vst v63  }
0x5fe: {  	_ =	swait.ge [sflag:s23], $0x8000  }
0x5ff: {  	[sflag:s23] =	ssyncset.done $0x0  }
0x600: {  	s31 =	rddreg [dreg:$0x13];
	[sflag:s23] =	ssyncadd.s32 $0xFFFF8000  }
0x601: {  	[hbm4b:s31+s3] =	stream.linear.scatter [tilespmem:s24], [sflag:$0x2], $0x8000, $0x38;
	[tilespmem:$0x10800] =	vst v63  }
0x602: {  	p0 =	sne.s32 s0, $0x1;
	_ =	swait.ge [sflag:s13], $0x8000  }
.Ltmp0:
0x603: {  	[sflag:s13] =	ssyncset.done $0x0;
	(pc) =	sbr.rel @p0 .LBB2_1-.Ltmp0, $4  }
0x604: {  	[sflag:s13] =	ssyncadd.s32 $0xFFFF8000  }
0x605: {  	_ =	swait.ge [sflag:s13], $0x8000  }
0x606: {  	[sflag:s13] =	ssyncset.done $0x0  }
0x607: {  	s0 =	sadd.s32 $0xFFFFFFFF, s0;
	[sflag:s13] =	ssyncadd.s32 $0xFFFF8000  }
0x608: {  	_ =	sfence.sel $0x180000  }
0x609: {  	[bflag:$0x0] =	sbarrier.arrive $0xFFFF  }
0x60a: {  	_ =	strace $0x90000047  }
0x60b: {  	s0 =	stileid.u32;
	[bflag:$0x2] =	sbarrier.arrive $0xFFFF  }
0x60c: {  	p0 =	sne.s32 s0, $0x0;
	s0 =	rddreg [dreg:$0x3]  }
0x60d: {  	s0 =	sadd.s32 @!p0 $0x100000, s0  }
0x60e: {  	[sflag:s0] =	ssyncadd.tile.s32 @!p0 $0x1;
	_ =	shalt  }
.Lfunc_end2:
_tile_overlayer_lowered:
.L_overlay_start_2:
0x60f: {  	(tag) =	ssettag $0x2  }
0x610: {  	s0 =	rddreg [dreg:$0x0];
	s2 =	stileid.u32  }
0x611: {  	s1 =	rddreg [dreg:$0x1];
	p0 =	sne.s32 s2, $0x0  }
0x612: {  	s3 =	rddreg [dreg:$0x2];
	[bflag:$0x3] =	sbarrier.arrive $0xFFFF;
	s2 =	simm.s32 @!p0 $0x1C03  }
0x613: {  	[timem:s3], [sflag:s2] =	dma.local @!p0 [hbm:s0], s1  }
0x614: {  	s0 =	simm.s32 @!p0 $0x3  }
0x615: {  	_ =	swait.ge @!p0 [sflag:s0], s1  }
0x616: {  	s1 =	ssub.s32 @!p0 $0x0, s1;
	[sflag:s0] =	ssyncset.done @!p0 $0x0  }
0x617: {  	[sflag:s0] =	ssyncadd.s32 @!p0 s1  }
0x618: {  	[bflag:$0x3] =	sbarrier.arrive $0xFFFF  }
0x619: {  	_ =	shalt  }

</sc_bundles>
